<compile_context>
chip_gen: v7x
topology: tpu7x:2x2x1
jax: 0.10.2.dev20260603
libtpu: 0.0.44.dev20260713+nightly
codegen_flags: <defaults>
</compile_context>

<pallas_src>
import functools

import numpy as np

import jax
import jax.numpy as jnp
from jax import lax
from jax.experimental import pallas as pl
from jax.experimental.pallas import tpu as pltpu
from jax.experimental.pallas import tpu_sc as plsc

N = 1000000
H = 1024
W = 1024
FX = 1000.0
FY = 1000.0
CX = 512.0
CY = 512.0
TILE = 16
NTH = H // TILE
NTW = W // TILE
N_TILES = NTH * NTW
NEAR = 0.1
FAR = 100.0

PSX = 1.0 / FX
PSY = 1.0 / FY
TLX = -CX / FX
TLY = -CY / FY

NP = 1 << 20
PR = 1024
PC = 1024
BR = 64
G1 = PR // BR

NC = 2
NS = 16
NW = NC * NS
GP = NP // NW
CH = 8192
NCH = GP // CH
VPC = CH // 16
ACC = N_TILES * 4


def _bf(x):
    xi = lax.bitcast_convert_type(x, jnp.int32)
    lsb = lax.shift_right_logical(xi, 16) & jnp.int32(1)
    r = (xi + jnp.int32(32767) + lsb) & jnp.int32(-65536)
    return lax.bitcast_convert_type(r, jnp.float32)


REC = np.float32(62.49999618530273)
C016 = np.float32(0.016)
CP512 = np.float32(0.512)
CM512 = np.float32(-0.512)


def _stage1_body(cw_ref, px, py, pz, qw, qx, qy, qz, s0, s1, s2,
                 cr, cg, cb, al, tid_o, wr_o, wg_o, wb_o, w_o):
    R00 = cw_ref[0]; R01 = cw_ref[1]; R02 = cw_ref[2]
    R10 = cw_ref[4]; R11 = cw_ref[5]; R12 = cw_ref[6]
    R20 = cw_ref[8]; R21 = cw_ref[9]; R22 = cw_ref[10]
    t0 = cw_ref[3]; t1 = cw_ref[7]; t2 = cw_ref[11]

    dx = _bf(px[...] - t0)
    dy = _bf(py[...] - t1)
    dz = _bf(pz[...] - t2)
    xc = dx * R00 + dy * R10 + dz * R20
    yc = dx * R01 + dy * R11 + dz * R21
    zc = dx * R02 + dy * R12 + dz * R22
    valid = (zc > NEAR) & (zc < FAR)
    one = jnp.ones_like(zc)
    zs = jnp.where(valid, zc, one)
    u = xc / zs
    v = yc / zs

    izs = one / zs
    izs2 = izs * izs
    j00 = _bf(izs)
    j02 = _bf(jnp.negative(xc) * izs2)
    j12 = _bf(jnp.negative(yc) * izs2)
    M00 = _bf(j00 * R00 + j02 * R02)
    M01 = _bf(j00 * R10 + j02 * R12)
    M02 = _bf(j00 * R20 + j02 * R22)
    M10 = _bf(j00 * R01 + j12 * R02)
    M11 = _bf(j00 * R11 + j12 * R12)
    M12 = _bf(j00 * R21 + j12 * R22)

    qwv = qw[...]; qxv = qx[...]; qyv = qy[...]; qzv = qz[...]
    qrn = one / jnp.sqrt(qwv * qwv + qxv * qxv + qyv * qyv + qzv * qzv)
    a = qwv * qrn; b = qxv * qrn; c = qyv * qrn; d = qzv * qrn
    r00 = 1.0 - (c * c + d * d) * 2.0
    r01 = (b * c - a * d) * 2.0
    r02 = (b * d + a * c) * 2.0
    r10 = (b * c + a * d) * 2.0
    r11 = 1.0 - (b * b + d * d) * 2.0
    r12 = (c * d - a * b) * 2.0
    r20 = (b * d - a * c) * 2.0
    r21 = (c * d + a * b) * 2.0
    r22 = 1.0 - (b * b + c * c) * 2.0

    e0 = jnp.exp(s0[...])
    e1 = jnp.exp(s1[...])
    e2 = jnp.exp(s2[...])

    A0 = _bf(r00 * e0); A1 = _bf(r01 * e1); A2 = _bf(r02 * e2)
    B0 = _bf(r10 * e0); B1 = _bf(r11 * e1); B2 = _bf(r12 * e2)
    C0 = _bf(r20 * e0); C1 = _bf(r21 * e1); C2 = _bf(r22 * e2)
    S00 = A0 * A0 + A1 * A1 + A2 * A2
    S01 = A0 * B0 + A1 * B1 + A2 * B2
    S02 = A0 * C0 + A1 * C1 + A2 * C2
    S11 = B0 * B0 + B1 * B1 + B2 * B2
    S12 = B0 * C0 + B1 * C1 + B2 * C2
    S22 = C0 * C0 + C1 * C1 + C2 * C2

    Sb00 = _bf(S00); Sb01 = _bf(S01); Sb02 = _bf(S02)
    Sb11 = _bf(S11); Sb12 = _bf(S12); Sb22 = _bf(S22)
    c00 = _bf(M00 * Sb00 + M01 * Sb01 + M02 * Sb02)
    c10 = _bf(M00 * Sb01 + M01 * Sb11 + M02 * Sb12)
    c20 = _bf(M00 * Sb02 + M01 * Sb12 + M02 * Sb22)
    c01 = _bf(M10 * Sb00 + M11 * Sb01 + M12 * Sb02)
    c11_ = _bf(M10 * Sb01 + M11 * Sb11 + M12 * Sb12)
    c21 = _bf(M10 * Sb02 + M11 * Sb12 + M12 * Sb22)
    cov00 = c00 * M00 + c10 * M01 + c20 * M02
    cov01 = c00 * M10 + c10 * M11 + c20 * M12
    cov10 = c01 * M00 + c11_ * M01 + c21 * M02
    cov11 = c01 * M10 + c11_ * M11 + c21 * M12
    sc00 = (cov00 + cov00) * 0.5
    sc01 = (cov01 + cov10) * 0.5
    sc11 = (cov11 + cov11) * 0.5
    det = sc00 * sc11 - sc01 * sc01

    txf = jnp.floor((u + CP512) * REC)
    tyf = jnp.floor((v + CP512) * REC)
    in_img = (txf >= 0) & (txf < NTW) & (tyf >= 0) & (tyf < NTH)
    valid = valid & in_img
    txc = jnp.clip(txf, 0.0, float(NTW - 1))
    tyc = jnp.clip(tyf, 0.0, float(NTH - 1))
    txi = txc.astype(jnp.int32)
    tyi = tyc.astype(jnp.int32)
    tid = tyi * NTW + txi

    cu = (txi.astype(jnp.float32) + 0.5) * C016 + CM512
    cv = (tyi.astype(jnp.float32) + 0.5) * C016 + CM512
    du = u - cu
    dv = v - cv
    det_c = jnp.maximum(det, 1e-12)
    idet = one / det_c
    term1 = ((sc11 * idet) * du) * du
    term2 = (((sc01 * idet) * 2.0) * du) * dv
    term3 = ((sc00 * idet) * dv) * dv
    power = ((term1 - term2) + term3) * 0.5
    g = jnp.exp(-jnp.clip(power, 0.0, 30.0))
    av = al[...]
    sig = one / (one + jnp.exp(-av))
    vf = valid.astype(jnp.float32)
    wgt = (sig * g) * vf

    tid_o[...] = tid
    wr_o[...] = cr[...] * wgt
    wg_o[...] = cg[...] * wgt
    wb_o[...] = cb[...] * wgt
    w_o[...] = wgt


def _stage1(cw16, planes):
    plane_spec = pl.BlockSpec((BR, PC), lambda i: (i, 0))
    return pl.pallas_call(
        _stage1_body,
        grid=(G1,),
        in_specs=[pl.BlockSpec(memory_space=pltpu.SMEM)] + [plane_spec] * 14,
        out_specs=[plane_spec] * 5,
        out_shape=[jax.ShapeDtypeStruct((PR, PC), jnp.int32)] +
                  [jax.ShapeDtypeStruct((PR, PC), jnp.float32)] * 4,
    )(cw16, *planes)


def _sc_body(tid_h, wr_h, wg_h, wb_h, w_h, out_h,
             tid_v, vr_v, vg_v, vb_v, vw_v,
             tid2_v, vr2_v, vg2_v, vb2_v, vw2_v, lacc_v, *sems):
    cid = lax.axis_index("c")
    sid = lax.axis_index("s")
    wid = sid * NC + cid
    base = wid * GP
    zero16 = jnp.zeros((16,), jnp.float32)

    def zbody(i, carry):
        for r in range(4):
            lacc_v[pl.ds((i * 4 + r) * 16, 16)] = zero16
        return carry
    lax.fori_loop(0, ACC // 64, zbody, 0)

    bufs = ((tid_v, vr_v, vg_v, vb_v, vw_v),
            (tid2_v, vr2_v, vg2_v, vb2_v, vw2_v))
    hbm = (tid_h, wr_h, wg_h, wb_h, w_h)

    def start(bi, k):
        off = base + k * CH
        return [pltpu.async_copy(hbm[j].at[pl.ds(off, CH)], bufs[bi][j],
                                 sems[bi]) for j in range(5)]

    def scatter(bi):
        btid, bvr, bvg, bvb, bvw = bufs[bi]

        def vbody(i, c2):
            for r in range(4):
                sl = pl.ds((i * 4 + r) * 16, 16)
                t4 = btid[sl] * 4
                plsc.addupdate_scatter(lacc_v, [t4], bvr[sl])
                plsc.addupdate_scatter(lacc_v, [t4 + 1], bvg[sl])
                plsc.addupdate_scatter(lacc_v, [t4 + 2], bvb[sl])
                plsc.addupdate_scatter(lacc_v, [t4 + 3], bvw[sl])
            return c2
        lax.fori_loop(0, VPC // 4, vbody, 0)

    handles = start(0, 0)
    for k in range(NCH):
        bi = k % 2
        nxt = start(1 - bi, k + 1) if k + 1 < NCH else None
        for h in handles:
            h.wait()
        scatter(bi)
        handles = nxt
    pltpu.sync_copy(lacc_v, out_h.at[pl.ds(wid * ACC, ACC)])


def _stage2(tid_f, wr_f, wg_f, wb_f, w_f):
    mesh = plsc.VectorSubcoreMesh(core_axis_name="c", subcore_axis_name="s")
    fn = functools.partial(
        pl.kernel, _sc_body, mesh=mesh,
        compiler_params=pltpu.CompilerParams(needs_layout_passes=False),
        out_type=jax.ShapeDtypeStruct((NW * ACC,), jnp.float32),
        scratch_types=[
            pltpu.VMEM((CH,), jnp.int32),
            pltpu.VMEM((CH,), jnp.float32),
            pltpu.VMEM((CH,), jnp.float32),
            pltpu.VMEM((CH,), jnp.float32),
            pltpu.VMEM((CH,), jnp.float32),
            pltpu.VMEM((CH,), jnp.int32),
            pltpu.VMEM((CH,), jnp.float32),
            pltpu.VMEM((CH,), jnp.float32),
            pltpu.VMEM((CH,), jnp.float32),
            pltpu.VMEM((CH,), jnp.float32),
            pltpu.VMEM((ACC,), jnp.float32),
            pltpu.SemaphoreType.DMA,
            pltpu.SemaphoreType.DMA,
        ],
    )()
    return fn(tid_f, wr_f, wg_f, wb_f, w_f)


def _stage3_body(p_ref, out_ref):
    s = jnp.sum(p_ref[...], axis=0)

    ia = lax.broadcasted_iota(jnp.int32, (256, 64), 0)
    itx = lax.broadcasted_iota(jnp.int32, (256, 64), 1)
    selw = (ia == 4 * itx + 3).astype(jnp.float32)
    wsum = jnp.dot(s, selw, preferred_element_type=jnp.float32)
    denom = wsum + 1.0

    aa = lax.broadcasted_iota(jnp.int32, (256, 192), 0)
    bb = lax.broadcasted_iota(jnp.int32, (256, 192), 1)
    selc = (aa == 4 * (bb // 3) + (bb % 3)).astype(jnp.float32)
    n3 = jnp.dot(s, selc, preferred_element_type=jnp.float32)

    tx2 = lax.broadcasted_iota(jnp.int32, (64, 192), 0)
    b2 = lax.broadcasted_iota(jnp.int32, (64, 192), 1)
    e3 = (b2 // 3 == tx2).astype(jnp.float32)
    dexp = jnp.dot(denom, e3, preferred_element_type=jnp.float32)
    t2 = n3 / dexp

    a3 = lax.broadcasted_iota(jnp.int32, (192, 3072), 0)
    l3 = lax.broadcasted_iota(jnp.int32, (192, 3072), 1)
    em = ((l3 // 48 == a3 // 3) & (l3 % 3 == a3 % 3)).astype(jnp.float32)
    t2e = jnp.dot(t2, em, preferred_element_type=jnp.float32)

    r0 = pl.program_id(0) * 128
    ri = lax.broadcasted_iota(jnp.int32, (128, 64), 0) + r0
    ty3 = lax.broadcasted_iota(jnp.int32, (128, 64), 1)
    ub = (ri // 16 == ty3).astype(jnp.float32)
    out_ref[...] = jnp.dot(ub, t2e, preferred_element_type=jnp.float32)


def _stage3(partials):
    return pl.pallas_call(
        _stage3_body,
        grid=(8,),
        in_specs=[pl.BlockSpec((NW, 64, 256), lambda i: (0, 0, 0))],
        out_specs=pl.BlockSpec((128, 3072), lambda i: (i, 0)),
        out_shape=jax.ShapeDtypeStruct((1024, 3072), jnp.float32),
    )(partials)


def _plane(v, pad_val):
    pad = jnp.full((NP - N,), pad_val, jnp.float32)
    return jnp.concatenate([v.astype(jnp.float32), pad]).reshape(PR, PC)


def kernel(mean, qvec, log_svec, color, alpha, c2w):
    planes = [
        _plane(mean[:, 0], 0.0),
        _plane(mean[:, 1], 0.0),
        _plane(mean[:, 2], 0.0),
        _plane(qvec[:, 0], 1.0),
        _plane(qvec[:, 1], 0.0),
        _plane(qvec[:, 2], 0.0),
        _plane(qvec[:, 3], 0.0),
        _plane(log_svec[:, 0], 0.0),
        _plane(log_svec[:, 1], 0.0),
        _plane(log_svec[:, 2], 0.0),
        _plane(color[:, 0], 0.0),
        _plane(color[:, 1], 0.0),
        _plane(color[:, 2], 0.0),
        _plane(alpha, -1e9),
    ]
    cwf = c2w.astype(jnp.float32)
    rb = _bf(cwf[:, :3])
    cw12 = jnp.concatenate([rb, cwf[:, 3:4]], axis=1).reshape(-1)
    cw16 = jnp.concatenate([cw12, jnp.zeros((4,), jnp.float32)])

    tid, wr, wg, wb, w = _stage1(cw16, planes)
    partials = _stage2(tid.reshape(NP), wr.reshape(NP), wg.reshape(NP),
                       wb.reshape(NP), w.reshape(NP))
    img = _stage3(partials.reshape(NW, 64, 256))
    return img.reshape(H, W, 3)

# --- scband reference (transcript-rebuilt; emitter-appended) ---
"""Pipeline reference for scband-mock-renderer-3667902071210 (READ-ONLY COPY).

The authoritative reference and input builder live on the scoring server;
editing this copy changes nothing except your own understanding.
"""

import jax, jax.numpy as jnp
import numpy as np

N = 1000000
H = 1024; W = 1024
FX = 1000.0; FY = 1000.0; CX = 512.0; CY = 512.0
TILE = 16
NTH = H // TILE; NTW = W // TILE
N_TILES = NTH * NTW
NEAR = 0.1; FAR = 100.0


def get_c2w_from_up_and_look_at(up, look_at, pos):
    up = up / np.linalg.norm(up)
    z = look_at - pos
    z = z / np.linalg.norm(z)
    y = -up
    x = np.cross(y, z)
    y = np.cross(z, x)
    c2w = np.zeros([3, 4], dtype=np.float32)
    c2w[:3, 0] = x
    c2w[:3, 1] = y
    c2w[:3, 2] = z
    c2w[:3, 3] = pos
    return c2w


def quat_to_rot(q):
    q = q / jnp.linalg.norm(q, axis=-1, keepdims=True)
    w, x, y, z = q[:, 0], q[:, 1], q[:, 2], q[:, 3]
    R = jnp.stack([
        1 - 2 * (y * y + z * z), 2 * (x * y - w * z), 2 * (x * z + w * y),
        2 * (x * y + w * z), 1 - 2 * (x * x + z * z), 2 * (y * z - w * x),
        2 * (x * z - w * y), 2 * (y * z + w * x), 1 - 2 * (x * x + y * y)
    ], axis=-1).reshape(-1, 3, 3)
    return R


def setup_inputs(seed: int = 0):
    key = jax.random.key(seed)
    k1, k2, k3, k4, k5, k6 = jax.random.split(key, 6)
    xy = jax.random.uniform(k1, (N, 2), minval=-8.0, maxval=8.0, dtype=jnp.float32)
    z = jax.random.uniform(k2, (N, 1), minval=2.0, maxval=40.0, dtype=jnp.float32)
    mean = jnp.concatenate([xy, z], axis=1)
    qvec = jax.random.normal(k3, (N, 4), dtype=jnp.float32) * 0.1 + jnp.array([1.0, 0.0, 0.0, 0.0], dtype=jnp.float32)
    log_svec = jax.random.normal(k4, (N, 3), dtype=jnp.float32) * 0.1 + float(np.log(0.12))
    color = jax.random.uniform(k5, (N, 3), dtype=jnp.float32)
    alpha = jax.random.normal(k6, (N,), dtype=jnp.float32)
    up = np.array([0.0, -1.0, 0.0]); look_at = np.array([0.0, 0.0, 1.0]); pos = np.array([0.0, 0.0, 0.0])
    c2w = jnp.asarray(get_c2w_from_up_and_look_at(up, look_at, pos))
    return {"mean": mean, "qvec": qvec, "log_svec": log_svec, "color": color, "alpha": alpha, "c2w": c2w}


def reference(mean, qvec, log_svec, color, alpha, c2w):
    R = c2w[:, :3]
    t = c2w[:, 3]
    # world -> camera: p_cam = R^T (p - t)
    p_cam = (mean - t[None, :]) @ R
    x, y, z = p_cam[:, 0], p_cam[:, 1], p_cam[:, 2]
    # frustum (near/far) culling mask (static-shape version of culling_gaussian_bsphere)
    valid = (z > NEAR) & (z < FAR)
    zs = jnp.where(valid, z, jnp.float32(1.0))
    u = x / zs
    v = y / zs
    # project_gaussians: 3D cov from quaternion+scale, then perspective Jacobian
    svec = jnp.exp(log_svec)
    Rq = quat_to_rot(qvec)
    RS = Rq * svec[:, None, :]
    Sigma3 = jnp.einsum('nij,nkj->nik', RS, RS)
    zero = jnp.zeros_like(zs)
    J = jnp.stack([
        jnp.stack([1.0 / zs, zero, -x / (zs * zs)], axis=-1),
        jnp.stack([zero, 1.0 / zs, -y / (zs * zs)], axis=-1)
    ], axis=1)  # [N,2,3]
    Wm = R.T  # [3,3]
    M = jnp.einsum('nij,jk->nik', J, Wm)
    cov = jnp.einsum('nij,njk,nlk->nil', M, Sigma3, M)
    cov = (cov + jnp.transpose(cov, (0, 2, 1))) / 2.0
    m = (cov[:, 0, 0] + cov[:, 1, 1]) / 2.0
    det = cov[:, 0, 0] * cov[:, 1, 1] - cov[:, 0, 1] * cov[:, 1, 0]
    radius = jnp.sqrt(jnp.clip(m + jnp.sqrt(jnp.clip(m * m - det, 1e-12)), 1e-12))
    # tile binning (histogram of gaussians into screen tiles)
    psx = 1.0 / FX; psy = 1.0 / FY
    tlx = -CX / FX; tly = -CY / FY
    tx = jnp.floor((u - tlx) / (TILE * psx))
    ty = jnp.floor((v - tly) / (TILE * psy))
    in_img = (tx >= 0) & (tx < NTW) & (ty >= 0) & (ty < NTH)
    valid = valid & in_img
    txi = jnp.clip(tx, 0, NTW - 1).astype(jnp.int32)
    tyi = jnp.clip(ty, 0, NTH - 1).astype(jnp.int32)
    tile_id = tyi * NTW + txi
    vf = valid.astype(jnp.float32)
    num_gaussians = jax.ops.segment_sum(valid.astype(jnp.int32), tile_id, num_segments=N_TILES)
    # differentiable splat (replaces depth-sorted alpha compositing of CUDA render)
    cu = tlx + (txi.astype(jnp.float32) + 0.5) * TILE * psx
    cv = tly + (tyi.astype(jnp.float32) + 0.5) * TILE * psy
    du = u - cu
    dv = v - cv
    det_c = jnp.clip(det, 1e-12)
    inv00 = cov[:, 1, 1] / det_c
    inv11 = cov[:, 0, 0] / det_c
    inv01 = -cov[:, 0, 1] / det_c
    power = 0.5 * (inv00 * du * du + 2.0 * inv01 * du * dv + inv11 * dv * dv)
    G = jnp.exp(-jnp.clip(power, 0.0, 30.0))
    wgt = jax.nn.sigmoid(alpha) * G * vf
    acc_c = jax.ops.segment_sum(color * wgt[:, None], tile_id, num_segments=N_TILES)
    acc_w = jax.ops.segment_sum(wgt, tile_id, num_segments=N_TILES)
    tiles = acc_c / (acc_w[:, None] + 1.0)
    img = tiles.reshape(NTH, NTW, 3)
    img = jnp.repeat(jnp.repeat(img, TILE, axis=0), TILE, axis=1)
    return img

if __name__ == "__main__":
    import jax
    _d = setup_inputs()
    print(jax.jit(kernel)(*tuple(_d.values())))

</pallas_src>

<mosaic_0001>
#map = affine_map<(d0, d1) -> (0)>
module attributes {stable_mosaic.version = 14 : i64} {
  func.func @_sc_body(%arg0: i32, %arg1: i32, %arg2: memref<1048576xi32, #tpu.memory_space<hbm>>, %arg3: memref<1048576xf32, #tpu.memory_space<hbm>>, %arg4: memref<1048576xf32, #tpu.memory_space<hbm>>, %arg5: memref<1048576xf32, #tpu.memory_space<hbm>>, %arg6: memref<1048576xf32, #tpu.memory_space<hbm>>, %arg7: memref<524288xf32, #tpu.memory_space<hbm>>, %arg8: memref<8192xi32, #tpu.memory_space<vmem>>, %arg9: memref<8192xf32, #tpu.memory_space<vmem>>, %arg10: memref<8192xf32, #tpu.memory_space<vmem>>, %arg11: memref<8192xf32, #tpu.memory_space<vmem>>, %arg12: memref<8192xf32, #tpu.memory_space<vmem>>, %arg13: memref<8192xi32, #tpu.memory_space<vmem>>, %arg14: memref<8192xf32, #tpu.memory_space<vmem>>, %arg15: memref<8192xf32, #tpu.memory_space<vmem>>, %arg16: memref<8192xf32, #tpu.memory_space<vmem>>, %arg17: memref<8192xf32, #tpu.memory_space<vmem>>, %arg18: memref<16384xf32, #tpu.memory_space<vmem>>, %arg19: memref<!tpu.dma_semaphore, #tpu.memory_space<semaphore_mem>>, %arg20: memref<!tpu.dma_semaphore, #tpu.memory_space<semaphore_mem>>) attributes {dimension_semantics = [#tpu.dimension_semantics<core_parallel>, #tpu.dimension_semantics<subcore_parallel>], iteration_bounds = array<i64: 2, 16>, scalar_prefetch = 0 : i64, scratch_operands = 13 : i64, tpu.core_type = #tpu.core_type<sc_vector_subcore>, window_params = [{transform_indices = #map}, {transform_indices = #map}, {transform_indices = #map}, {transform_indices = #map}, {transform_indices = #map}, {transform_indices = #map}]} {
    %mul3A = arith.constant 2 : i32
    %mul3A_0 = arith.muli %arg1, %mul3A : i32
    %add3A = arith.addi %mul3A_0, %arg0 : i32
    %mul3A_1 = arith.constant 32768 : i32
    %mul3A_2 = arith.muli %add3A, %mul3A_1 : i32
    %broadcast_in_dim3A = arith.constant 0.000000e+00 : f32
    %broadcast_in_dim3A_3 = vector.broadcast %broadcast_in_dim3A : f32 to vector<16xf32>
    %scan3A = arith.constant 0 : i32
    %scan3A_4 = arith.constant 0 : i32
    %scan3A_5 = arith.constant 256 : i32
    %scan3A_6 = arith.addi %scan3A_4, %scan3A_5 : i32
    %scan3A_7 = arith.constant 1 : i32
    scf.for %scan3A_121 = %scan3A_4 to %scan3A_6 step %scan3A_7  : i32 {
      %mul3A_122 = arith.constant 4 : i32
      %mul3A_123 = arith.muli %scan3A_121, %mul3A_122 : i32
      %add3A_124 = arith.constant 0 : i32
      %add3A_125 = arith.addi %mul3A_123, %add3A_124 : i32
      %mul3A_126 = arith.constant 16 : i32
      %mul3A_127 = arith.muli %add3A_125, %mul3A_126 : i32
      %swap3A = arith.index_cast %mul3A_127 : i32 to index
      %swap3A_128 = tpu.vector_load %arg18[%swap3A] {strides = array<i32>} : memref<16384xf32, #tpu.memory_space<vmem>>, vector<16xf32>,
      tpu.vector_store %arg18[%swap3A], %broadcast_in_dim3A_3 {strides = array<i32>} : memref<16384xf32, #tpu.memory_space<vmem>>, vector<16xf32>,
      %mul3A_129 = arith.constant 4 : i32
      %mul3A_130 = arith.muli %scan3A_121, %mul3A_129 : i32
      %add3A_131 = arith.constant 1 : i32
      %add3A_132 = arith.addi %mul3A_130, %add3A_131 : i32
      %mul3A_133 = arith.constant 16 : i32
      %mul3A_134 = arith.muli %add3A_132, %mul3A_133 : i32
      %swap3A_135 = arith.index_cast %mul3A_134 : i32 to index
      %swap3A_136 = tpu.vector_load %arg18[%swap3A_135] {strides = array<i32>} : memref<16384xf32, #tpu.memory_space<vmem>>, vector<16xf32>,
      tpu.vector_store %arg18[%swap3A_135], %broadcast_in_dim3A_3 {strides = array<i32>} : memref<16384xf32, #tpu.memory_space<vmem>>, vector<16xf32>,
      %mul3A_137 = arith.constant 4 : i32
      %mul3A_138 = arith.muli %scan3A_121, %mul3A_137 : i32
      %add3A_139 = arith.constant 2 : i32
      %add3A_140 = arith.addi %mul3A_138, %add3A_139 : i32
      %mul3A_141 = arith.constant 16 : i32
      %mul3A_142 = arith.muli %add3A_140, %mul3A_141 : i32
      %swap3A_143 = arith.index_cast %mul3A_142 : i32 to index
      %swap3A_144 = tpu.vector_load %arg18[%swap3A_143] {strides = array<i32>} : memref<16384xf32, #tpu.memory_space<vmem>>, vector<16xf32>,
      tpu.vector_store %arg18[%swap3A_143], %broadcast_in_dim3A_3 {strides = array<i32>} : memref<16384xf32, #tpu.memory_space<vmem>>, vector<16xf32>,
      %mul3A_145 = arith.constant 4 : i32
      %mul3A_146 = arith.muli %scan3A_121, %mul3A_145 : i32
      %add3A_147 = arith.constant 3 : i32
      %add3A_148 = arith.addi %mul3A_146, %add3A_147 : i32
      %mul3A_149 = arith.constant 16 : i32
      %mul3A_150 = arith.muli %add3A_148, %mul3A_149 : i32
      %swap3A_151 = arith.index_cast %mul3A_150 : i32 to index
      %swap3A_152 = tpu.vector_load %arg18[%swap3A_151] {strides = array<i32>} : memref<16384xf32, #tpu.memory_space<vmem>>, vector<16xf32>,
      tpu.vector_store %arg18[%swap3A_151], %broadcast_in_dim3A_3 {strides = array<i32>} : memref<16384xf32, #tpu.memory_space<vmem>>, vector<16xf32>,
    }
    %scan3A_8 = arith.constant 256 : i32
    %add3A_9 = arith.constant 0 : i32
    %add3A_10 = arith.addi %mul3A_2, %add3A_9 : i32
    %dma_start3A = tpu.memref_slice %arg2[%add3A_10] : memref<1048576xi32, #tpu.memory_space<hbm>> -> memref<8192xi32, #tpu.memory_space<hbm>>
    %dma_start3A_11 = tpu.memref_slice %arg2[%add3A_10] : memref<1048576xi32, #tpu.memory_space<hbm>> -> memref<8192xi32, #tpu.memory_space<hbm>>
    tpu.enqueue_dma source(%dma_start3A_11 : memref<8192xi32, #tpu.memory_space<hbm>>) target(%arg8 : memref<8192xi32, #tpu.memory_space<vmem>>) target_semaphore(%arg19 : memref<!tpu.dma_semaphore, #tpu.memory_space<semaphore_mem>>)
    %dma_start3A_12 = tpu.memref_slice %arg3[%add3A_10] : memref<1048576xf32, #tpu.memory_space<hbm>> -> memref<8192xf32, #tpu.memory_space<hbm>>
    %dma_start3A_13 = tpu.memref_slice %arg3[%add3A_10] : memref<1048576xf32, #tpu.memory_space<hbm>> -> memref<8192xf32, #tpu.memory_space<hbm>>
    tpu.enqueue_dma source(%dma_start3A_13 : memref<8192xf32, #tpu.memory_space<hbm>>) target(%arg9 : memref<8192xf32, #tpu.memory_space<vmem>>) target_semaphore(%arg19 : memref<!tpu.dma_semaphore, #tpu.memory_space<semaphore_mem>>)
    %dma_start3A_14 = tpu.memref_slice %arg4[%add3A_10] : memref<1048576xf32, #tpu.memory_space<hbm>> -> memref<8192xf32, #tpu.memory_space<hbm>>
    %dma_start3A_15 = tpu.memref_slice %arg4[%add3A_10] : memref<1048576xf32, #tpu.memory_space<hbm>> -> memref<8192xf32, #tpu.memory_space<hbm>>
    tpu.enqueue_dma source(%dma_start3A_15 : memref<8192xf32, #tpu.memory_space<hbm>>) target(%arg10 : memref<8192xf32, #tpu.memory_space<vmem>>) target_semaphore(%arg19 : memref<!tpu.dma_semaphore, #tpu.memory_space<semaphore_mem>>)
    %dma_start3A_16 = tpu.memref_slice %arg5[%add3A_10] : memref<1048576xf32, #tpu.memory_space<hbm>> -> memref<8192xf32, #tpu.memory_space<hbm>>
    %dma_start3A_17 = tpu.memref_slice %arg5[%add3A_10] : memref<1048576xf32, #tpu.memory_space<hbm>> -> memref<8192xf32, #tpu.memory_space<hbm>>
    tpu.enqueue_dma source(%dma_start3A_17 : memref<8192xf32, #tpu.memory_space<hbm>>) target(%arg11 : memref<8192xf32, #tpu.memory_space<vmem>>) target_semaphore(%arg19 : memref<!tpu.dma_semaphore, #tpu.memory_space<semaphore_mem>>)
    %dma_start3A_18 = tpu.memref_slice %arg6[%add3A_10] : memref<1048576xf32, #tpu.memory_space<hbm>> -> memref<8192xf32, #tpu.memory_space<hbm>>
    %dma_start3A_19 = tpu.memref_slice %arg6[%add3A_10] : memref<1048576xf32, #tpu.memory_space<hbm>> -> memref<8192xf32, #tpu.memory_space<hbm>>
    tpu.enqueue_dma source(%dma_start3A_19 : memref<8192xf32, #tpu.memory_space<hbm>>) target(%arg12 : memref<8192xf32, #tpu.memory_space<vmem>>) target_semaphore(%arg19 : memref<!tpu.dma_semaphore, #tpu.memory_space<semaphore_mem>>)
    %add3A_20 = arith.constant 8192 : i32
    %add3A_21 = arith.addi %mul3A_2, %add3A_20 : i32
    %dma_start3A_22 = tpu.memref_slice %arg2[%add3A_21] : memref<1048576xi32, #tpu.memory_space<hbm>> -> memref<8192xi32, #tpu.memory_space<hbm>>
    %dma_start3A_23 = tpu.memref_slice %arg2[%add3A_21] : memref<1048576xi32, #tpu.memory_space<hbm>> -> memref<8192xi32, #tpu.memory_space<hbm>>
    tpu.enqueue_dma source(%dma_start3A_23 : memref<8192xi32, #tpu.memory_space<hbm>>) target(%arg13 : memref<8192xi32, #tpu.memory_space<vmem>>) target_semaphore(%arg20 : memref<!tpu.dma_semaphore, #tpu.memory_space<semaphore_mem>>)
    %dma_start3A_24 = tpu.memref_slice %arg3[%add3A_21] : memref<1048576xf32, #tpu.memory_space<hbm>> -> memref<8192xf32, #tpu.memory_space<hbm>>
    %dma_start3A_25 = tpu.memref_slice %arg3[%add3A_21] : memref<1048576xf32, #tpu.memory_space<hbm>> -> memref<8192xf32, #tpu.memory_space<hbm>>
    tpu.enqueue_dma source(%dma_start3A_25 : memref<8192xf32, #tpu.memory_space<hbm>>) target(%arg14 : memref<8192xf32, #tpu.memory_space<vmem>>) target_semaphore(%arg20 : memref<!tpu.dma_semaphore, #tpu.memory_space<semaphore_mem>>)
    %dma_start3A_26 = tpu.memref_slice %arg4[%add3A_21] : memref<1048576xf32, #tpu.memory_space<hbm>> -> memref<8192xf32, #tpu.memory_space<hbm>>
    %dma_start3A_27 = tpu.memref_slice %arg4[%add3A_21] : memref<1048576xf32, #tpu.memory_space<hbm>> -> memref<8192xf32, #tpu.memory_space<hbm>>
    tpu.enqueue_dma source(%dma_start3A_27 : memref<8192xf32, #tpu.memory_space<hbm>>) target(%arg15 : memref<8192xf32, #tpu.memory_space<vmem>>) target_semaphore(%arg20 : memref<!tpu.dma_semaphore, #tpu.memory_space<semaphore_mem>>)
    %dma_start3A_28 = tpu.memref_slice %arg5[%add3A_21] : memref<1048576xf32, #tpu.memory_space<hbm>> -> memref<8192xf32, #tpu.memory_space<hbm>>
    %dma_start3A_29 = tpu.memref_slice %arg5[%add3A_21] : memref<1048576xf32, #tpu.memory_space<hbm>> -> memref<8192xf32, #tpu.memory_space<hbm>>
    tpu.enqueue_dma source(%dma_start3A_29 : memref<8192xf32, #tpu.memory_space<hbm>>) target(%arg16 : memref<8192xf32, #tpu.memory_space<vmem>>) target_semaphore(%arg20 : memref<!tpu.dma_semaphore, #tpu.memory_space<semaphore_mem>>)
    %dma_start3A_30 = tpu.memref_slice %arg6[%add3A_21] : memref<1048576xf32, #tpu.memory_space<hbm>> -> memref<8192xf32, #tpu.memory_space<hbm>>
    %dma_start3A_31 = tpu.memref_slice %arg6[%add3A_21] : memref<1048576xf32, #tpu.memory_space<hbm>> -> memref<8192xf32, #tpu.memory_space<hbm>>
    tpu.enqueue_dma source(%dma_start3A_31 : memref<8192xf32, #tpu.memory_space<hbm>>) target(%arg17 : memref<8192xf32, #tpu.memory_space<vmem>>) target_semaphore(%arg20 : memref<!tpu.dma_semaphore, #tpu.memory_space<semaphore_mem>>)
    %dma_wait3A = tpu.memref_slice %arg2[%add3A_10] : memref<1048576xi32, #tpu.memory_space<hbm>> -> memref<8192xi32, #tpu.memory_space<hbm>>
    %dma_wait3A_32 = tpu.memref_slice %arg2[%add3A_10] : memref<1048576xi32, #tpu.memory_space<hbm>> -> memref<8192xi32, #tpu.memory_space<hbm>>
    tpu.wait_dma2 semaphore(%arg19 : memref<!tpu.dma_semaphore, #tpu.memory_space<semaphore_mem>>) src(%dma_wait3A_32 : memref<8192xi32, #tpu.memory_space<hbm>>) dst(%arg8 : memref<8192xi32, #tpu.memory_space<vmem>>)
    %dma_wait3A_33 = tpu.memref_slice %arg3[%add3A_10] : memref<1048576xf32, #tpu.memory_space<hbm>> -> memref<8192xf32, #tpu.memory_space<hbm>>
    %dma_wait3A_34 = tpu.memref_slice %arg3[%add3A_10] : memref<1048576xf32, #tpu.memory_space<hbm>> -> memref<8192xf32, #tpu.memory_space<hbm>>
    tpu.wait_dma2 semaphore(%arg19 : memref<!tpu.dma_semaphore, #tpu.memory_space<semaphore_mem>>) src(%dma_wait3A_34 : memref<8192xf32, #tpu.memory_space<hbm>>) dst(%arg9 : memref<8192xf32, #tpu.memory_space<vmem>>)
    %dma_wait3A_35 = tpu.memref_slice %arg4[%add3A_10] : memref<1048576xf32, #tpu.memory_space<hbm>> -> memref<8192xf32, #tpu.memory_space<hbm>>
    %dma_wait3A_36 = tpu.memref_slice %arg4[%add3A_10] : memref<1048576xf32, #tpu.memory_space<hbm>> -> memref<8192xf32, #tpu.memory_space<hbm>>
    tpu.wait_dma2 semaphore(%arg19 : memref<!tpu.dma_semaphore, #tpu.memory_space<semaphore_mem>>) src(%dma_wait3A_36 : memref<8192xf32, #tpu.memory_space<hbm>>) dst(%arg10 : memref<8192xf32, #tpu.memory_space<vmem>>)
    %dma_wait3A_37 = tpu.memref_slice %arg5[%add3A_10] : memref<1048576xf32, #tpu.memory_space<hbm>> -> memref<8192xf32, #tpu.memory_space<hbm>>
    %dma_wait3A_38 = tpu.memref_slice %arg5[%add3A_10] : memref<1048576xf32, #tpu.memory_space<hbm>> -> memref<8192xf32, #tpu.memory_space<hbm>>
    tpu.wait_dma2 semaphore(%arg19 : memref<!tpu.dma_semaphore, #tpu.memory_space<semaphore_mem>>) src(%dma_wait3A_38 : memref<8192xf32, #tpu.memory_space<hbm>>) dst(%arg11 : memref<8192xf32, #tpu.memory_space<vmem>>)
    %dma_wait3A_39 = tpu.memref_slice %arg6[%add3A_10] : memref<1048576xf32, #tpu.memory_space<hbm>> -> memref<8192xf32, #tpu.memory_space<hbm>>
    %dma_wait3A_40 = tpu.memref_slice %arg6[%add3A_10] : memref<1048576xf32, #tpu.memory_space<hbm>> -> memref<8192xf32, #tpu.memory_space<hbm>>
    tpu.wait_dma2 semaphore(%arg19 : memref<!tpu.dma_semaphore, #tpu.memory_space<semaphore_mem>>) src(%dma_wait3A_40 : memref<8192xf32, #tpu.memory_space<hbm>>) dst(%arg12 : memref<8192xf32, #tpu.memory_space<vmem>>)
    %scan3A_41 = arith.constant 0 : i32
    %scan3A_42 = arith.constant 0 : i32
    %scan3A_43 = arith.constant 128 : i32
    %scan3A_44 = arith.addi %scan3A_42, %scan3A_43 : i32
    %scan3A_45 = arith.constant 1 : i32
    scf.for %scan3A_121 = %scan3A_42 to %scan3A_44 step %scan3A_45  : i32 {
      %mul3A_122 = arith.constant 4 : i32
      %mul3A_123 = arith.muli %scan3A_121, %mul3A_122 : i32
      %add3A_124 = arith.constant 0 : i32
      %add3A_125 = arith.addi %mul3A_123, %add3A_124 : i32
      %mul3A_126 = arith.constant 16 : i32
      %mul3A_127 = arith.muli %add3A_125, %mul3A_126 : i32
      %get3A = arith.index_cast %mul3A_127 : i32 to index
      %get3A_128 = tpu.vector_load %arg8[%get3A] {strides = array<i32>} : memref<8192xi32, #tpu.memory_space<vmem>>, vector<16xi32>,
      %mul3A_129 = arith.constant 4 : i32
      %mul3A_130 = vector.broadcast %mul3A_129 : i32 to vector<16xi32>
      %mul3A_131 = arith.muli %get3A_128, %mul3A_130 : vector<16xi32>
      %get3A_132 = arith.index_cast %mul3A_127 : i32 to index
      %get3A_133 = tpu.vector_load %arg9[%get3A_132] {strides = array<i32>} : memref<8192xf32, #tpu.memory_space<vmem>>, vector<16xf32>,
      tpu.vector_store_idx %arg18[%mul3A_131], %get3A_133 {add = true} : memref<16384xf32, #tpu.memory_space<vmem>>[vector<16xi32>], vector<16xf32>,
      %add3A_134 = arith.constant 1 : i32
      %add3A_135 = vector.broadcast %add3A_134 : i32 to vector<16xi32>
      %add3A_136 = arith.addi %mul3A_131, %add3A_135 : vector<16xi32>
      %get3A_137 = arith.index_cast %mul3A_127 : i32 to index
      %get3A_138 = tpu.vector_load %arg10[%get3A_137] {strides = array<i32>} : memref<8192xf32, #tpu.memory_space<vmem>>, vector<16xf32>,
      tpu.vector_store_idx %arg18[%add3A_136], %get3A_138 {add = true} : memref<16384xf32, #tpu.memory_space<vmem>>[vector<16xi32>], vector<16xf32>,
      %add3A_139 = arith.constant 2 : i32
      %add3A_140 = vector.broadcast %add3A_139 : i32 to vector<16xi32>
      %add3A_141 = arith.addi %mul3A_131, %add3A_140 : vector<16xi32>
      %get3A_142 = arith.index_cast %mul3A_127 : i32 to index
      %get3A_143 = tpu.vector_load %arg11[%get3A_142] {strides = array<i32>} : memref<8192xf32, #tpu.memory_space<vmem>>, vector<16xf32>,
      tpu.vector_store_idx %arg18[%add3A_141], %get3A_143 {add = true} : memref<16384xf32, #tpu.memory_space<vmem>>[vector<16xi32>], vector<16xf32>,
      %add3A_144 = arith.constant 3 : i32
      %add3A_145 = vector.broadcast %add3A_144 : i32 to vector<16xi32>
      %add3A_146 = arith.addi %mul3A_131, %add3A_145 : vector<16xi32>
      %get3A_147 = arith.index_cast %mul3A_127 : i32 to index
      %get3A_148 = tpu.vector_load %arg12[%get3A_147] {strides = array<i32>} : memref<8192xf32, #tpu.memory_space<vmem>>, vector<16xf32>,
      tpu.vector_store_idx %arg18[%add3A_146], %get3A_148 {add = true} : memref<16384xf32, #tpu.memory_space<vmem>>[vector<16xi32>], vector<16xf32>,
      %mul3A_149 = arith.constant 4 : i32
      %mul3A_150 = arith.muli %scan3A_121, %mul3A_149 : i32
      %add3A_151 = arith.constant 1 : i32
      %add3A_152 = arith.addi %mul3A_150, %add3A_151 : i32
      %mul3A_153 = arith.constant 16 : i32
      %mul3A_154 = arith.muli %add3A_152, %mul3A_153 : i32
      %get3A_155 = arith.index_cast %mul3A_154 : i32 to index
      %get3A_156 = tpu.vector_load %arg8[%get3A_155] {strides = array<i32>} : memref<8192xi32, #tpu.memory_space<vmem>>, vector<16xi32>,
      %mul3A_157 = arith.constant 4 : i32
      %mul3A_158 = vector.broadcast %mul3A_157 : i32 to vector<16xi32>
      %mul3A_159 = arith.muli %get3A_156, %mul3A_158 : vector<16xi32>
      %get3A_160 = arith.index_cast %mul3A_154 : i32 to index
      %get3A_161 = tpu.vector_load %arg9[%get3A_160] {strides = array<i32>} : memref<8192xf32, #tpu.memory_space<vmem>>, vector<16xf32>,
      tpu.vector_store_idx %arg18[%mul3A_159], %get3A_161 {add = true} : memref<16384xf32, #tpu.memory_space<vmem>>[vector<16xi32>], vector<16xf32>,
      %add3A_162 = arith.constant 1 : i32
      %add3A_163 = vector.broadcast %add3A_162 : i32 to vector<16xi32>
      %add3A_164 = arith.addi %mul3A_159, %add3A_163 : vector<16xi32>
      %get3A_165 = arith.index_cast %mul3A_154 : i32 to index
      %get3A_166 = tpu.vector_load %arg10[%get3A_165] {strides = array<i32>} : memref<8192xf32, #tpu.memory_space<vmem>>, vector<16xf32>,
      tpu.vector_store_idx %arg18[%add3A_164], %get3A_166 {add = true} : memref<16384xf32, #tpu.memory_space<vmem>>[vector<16xi32>], vector<16xf32>,
      %add3A_167 = arith.constant 2 : i32
      %add3A_168 = vector.broadcast %add3A_167 : i32 to vector<16xi32>
      %add3A_169 = arith.addi %mul3A_159, %add3A_168 : vector<16xi32>
      %get3A_170 = arith.index_cast %mul3A_154 : i32 to index
      %get3A_171 = tpu.vector_load %arg11[%get3A_170] {strides = array<i32>} : memref<8192xf32, #tpu.memory_space<vmem>>, vector<16xf32>,
      tpu.vector_store_idx %arg18[%add3A_169], %get3A_171 {add = true} : memref<16384xf32, #tpu.memory_space<vmem>>[vector<16xi32>], vector<16xf32>,
      %add3A_172 = arith.constant 3 : i32
      %add3A_173 = vector.broadcast %add3A_172 : i32 to vector<16xi32>
      %add3A_174 = arith.addi %mul3A_159, %add3A_173 : vector<16xi32>
      %get3A_175 = arith.index_cast %mul3A_154 : i32 to index
      %get3A_176 = tpu.vector_load %arg12[%get3A_175] {strides = array<i32>} : memref<8192xf32, #tpu.memory_space<vmem>>, vector<16xf32>,
      tpu.vector_store_idx %arg18[%add3A_174], %get3A_176 {add = true} : memref<16384xf32, #tpu.memory_space<vmem>>[vector<16xi32>], vector<16xf32>,
      %mul3A_177 = arith.constant 4 : i32
      %mul3A_178 = arith.muli %scan3A_121, %mul3A_177 : i32
      %add3A_179 = arith.constant 2 : i32
      %add3A_180 = arith.addi %mul3A_178, %add3A_179 : i32
      %mul3A_181 = arith.constant 16 : i32
      %mul3A_182 = arith.muli %add3A_180, %mul3A_181 : i32
      %get3A_183 = arith.index_cast %mul3A_182 : i32 to index
      %get3A_184 = tpu.vector_load %arg8[%get3A_183] {strides = array<i32>} : memref<8192xi32, #tpu.memory_space<vmem>>, vector<16xi32>,
      %mul3A_185 = arith.constant 4 : i32
      %mul3A_186 = vector.broadcast %mul3A_185 : i32 to vector<16xi32>
      %mul3A_187 = arith.muli %get3A_184, %mul3A_186 : vector<16xi32>
      %get3A_188 = arith.index_cast %mul3A_182 : i32 to index
      %get3A_189 = tpu.vector_load %arg9[%get3A_188] {strides = array<i32>} : memref<8192xf32, #tpu.memory_space<vmem>>, vector<16xf32>,
      tpu.vector_store_idx %arg18[%mul3A_187], %get3A_189 {add = true} : memref<16384xf32, #tpu.memory_space<vmem>>[vector<16xi32>], vector<16xf32>,
      %add3A_190 = arith.constant 1 : i32
      %add3A_191 = vector.broadcast %add3A_190 : i32 to vector<16xi32>
      %add3A_192 = arith.addi %mul3A_187, %add3A_191 : vector<16xi32>
      %get3A_193 = arith.index_cast %mul3A_182 : i32 to index
      %get3A_194 = tpu.vector_load %arg10[%get3A_193] {strides = array<i32>} : memref<8192xf32, #tpu.memory_space<vmem>>, vector<16xf32>,
      tpu.vector_store_idx %arg18[%add3A_192], %get3A_194 {add = true} : memref<16384xf32, #tpu.memory_space<vmem>>[vector<16xi32>], vector<16xf32>,
      %add3A_195 = arith.constant 2 : i32
      %add3A_196 = vector.broadcast %add3A_195 : i32 to vector<16xi32>
      %add3A_197 = arith.addi %mul3A_187, %add3A_196 : vector<16xi32>
      %get3A_198 = arith.index_cast %mul3A_182 : i32 to index
      %get3A_199 = tpu.vector_load %arg11[%get3A_198] {strides = array<i32>} : memref<8192xf32, #tpu.memory_space<vmem>>, vector<16xf32>,
      tpu.vector_store_idx %arg18[%add3A_197], %get3A_199 {add = true} : memref<16384xf32, #tpu.memory_space<vmem>>[vector<16xi32>], vector<16xf32>,
      %add3A_200 = arith.constant 3 : i32
      %add3A_201 = vector.broadcast %add3A_200 : i32 to vector<16xi32>
      %add3A_202 = arith.addi %mul3A_187, %add3A_201 : vector<16xi32>
      %get3A_203 = arith.index_cast %mul3A_182 : i32 to index
      %get3A_204 = tpu.vector_load %arg12[%get3A_203] {strides = array<i32>} : memref<8192xf32, #tpu.memory_space<vmem>>, vector<16xf32>,
      tpu.vector_store_idx %arg18[%add3A_202], %get3A_204 {add = true} : memref<16384xf32, #tpu.memory_space<vmem>>[vector<16xi32>], vector<16xf32>,
      %mul3A_205 = arith.constant 4 : i32
      %mul3A_206 = arith.muli %scan3A_121, %mul3A_205 : i32
      %add3A_207 = arith.constant 3 : i32
      %add3A_208 = arith.addi %mul3A_206, %add3A_207 : i32
      %mul3A_209 = arith.constant 16 : i32
      %mul3A_210 = arith.muli %add3A_208, %mul3A_209 : i32
      %get3A_211 = arith.index_cast %mul3A_210 : i32 to index
      %get3A_212 = tpu.vector_load %arg8[%get3A_211] {strides = array<i32>} : memref<8192xi32, #tpu.memory_space<vmem>>, vector<16xi32>,
      %mul3A_213 = arith.constant 4 : i32
      %mul3A_214 = vector.broadcast %mul3A_213 : i32 to vector<16xi32>
      %mul3A_215 = arith.muli %get3A_212, %mul3A_214 : vector<16xi32>
      %get3A_216 = arith.index_cast %mul3A_210 : i32 to index
      %get3A_217 = tpu.vector_load %arg9[%get3A_216] {strides = array<i32>} : memref<8192xf32, #tpu.memory_space<vmem>>, vector<16xf32>,
      tpu.vector_store_idx %arg18[%mul3A_215], %get3A_217 {add = true} : memref<16384xf32, #tpu.memory_space<vmem>>[vector<16xi32>], vector<16xf32>,
      %add3A_218 = arith.constant 1 : i32
      %add3A_219 = vector.broadcast %add3A_218 : i32 to vector<16xi32>
      %add3A_220 = arith.addi %mul3A_215, %add3A_219 : vector<16xi32>
      %get3A_221 = arith.index_cast %mul3A_210 : i32 to index
      %get3A_222 = tpu.vector_load %arg10[%get3A_221] {strides = array<i32>} : memref<8192xf32, #tpu.memory_space<vmem>>, vector<16xf32>,
      tpu.vector_store_idx %arg18[%add3A_220], %get3A_222 {add = true} : memref<16384xf32, #tpu.memory_space<vmem>>[vector<16xi32>], vector<16xf32>,
      %add3A_223 = arith.constant 2 : i32
      %add3A_224 = vector.broadcast %add3A_223 : i32 to vector<16xi32>
      %add3A_225 = arith.addi %mul3A_215, %add3A_224 : vector<16xi32>
      %get3A_226 = arith.index_cast %mul3A_210 : i32 to index
      %get3A_227 = tpu.vector_load %arg11[%get3A_226] {strides = array<i32>} : memref<8192xf32, #tpu.memory_space<vmem>>, vector<16xf32>,
      tpu.vector_store_idx %arg18[%add3A_225], %get3A_227 {add = true} : memref<16384xf32, #tpu.memory_space<vmem>>[vector<16xi32>], vector<16xf32>,
      %add3A_228 = arith.constant 3 : i32
      %add3A_229 = vector.broadcast %add3A_228 : i32 to vector<16xi32>
      %add3A_230 = arith.addi %mul3A_215, %add3A_229 : vector<16xi32>
      %get3A_231 = arith.index_cast %mul3A_210 : i32 to index
      %get3A_232 = tpu.vector_load %arg12[%get3A_231] {strides = array<i32>} : memref<8192xf32, #tpu.memory_space<vmem>>, vector<16xf32>,
      tpu.vector_store_idx %arg18[%add3A_230], %get3A_232 {add = true} : memref<16384xf32, #tpu.memory_space<vmem>>[vector<16xi32>], vector<16xf32>,
    }
    %scan3A_46 = arith.constant 128 : i32
    %add3A_47 = arith.constant 16384 : i32
    %add3A_48 = arith.addi %mul3A_2, %add3A_47 : i32
    %dma_start3A_49 = tpu.memref_slice %arg2[%add3A_48] : memref<1048576xi32, #tpu.memory_space<hbm>> -> memref<8192xi32, #tpu.memory_space<hbm>>
    %dma_start3A_50 = tpu.memref_slice %arg2[%add3A_48] : memref<1048576xi32, #tpu.memory_space<hbm>> -> memref<8192xi32, #tpu.memory_space<hbm>>
    tpu.enqueue_dma source(%dma_start3A_50 : memref<8192xi32, #tpu.memory_space<hbm>>) target(%arg8 : memref<8192xi32, #tpu.memory_space<vmem>>) target_semaphore(%arg19 : memref<!tpu.dma_semaphore, #tpu.memory_space<semaphore_mem>>)
    %dma_start3A_51 = tpu.memref_slice %arg3[%add3A_48] : memref<1048576xf32, #tpu.memory_space<hbm>> -> memref<8192xf32, #tpu.memory_space<hbm>>
    %dma_start3A_52 = tpu.memref_slice %arg3[%add3A_48] : memref<1048576xf32, #tpu.memory_space<hbm>> -> memref<8192xf32, #tpu.memory_space<hbm>>
    tpu.enqueue_dma source(%dma_start3A_52 : memref<8192xf32, #tpu.memory_space<hbm>>) target(%arg9 : memref<8192xf32, #tpu.memory_space<vmem>>) target_semaphore(%arg19 : memref<!tpu.dma_semaphore, #tpu.memory_space<semaphore_mem>>)
    %dma_start3A_53 = tpu.memref_slice %arg4[%add3A_48] : memref<1048576xf32, #tpu.memory_space<hbm>> -> memref<8192xf32, #tpu.memory_space<hbm>>
    %dma_start3A_54 = tpu.memref_slice %arg4[%add3A_48] : memref<1048576xf32, #tpu.memory_space<hbm>> -> memref<8192xf32, #tpu.memory_space<hbm>>
    tpu.enqueue_dma source(%dma_start3A_54 : memref<8192xf32, #tpu.memory_space<hbm>>) target(%arg10 : memref<8192xf32, #tpu.memory_space<vmem>>) target_semaphore(%arg19 : memref<!tpu.dma_semaphore, #tpu.memory_space<semaphore_mem>>)
    %dma_start3A_55 = tpu.memref_slice %arg5[%add3A_48] : memref<1048576xf32, #tpu.memory_space<hbm>> -> memref<8192xf32, #tpu.memory_space<hbm>>
    %dma_start3A_56 = tpu.memref_slice %arg5[%add3A_48] : memref<1048576xf32, #tpu.memory_space<hbm>> -> memref<8192xf32, #tpu.memory_space<hbm>>
    tpu.enqueue_dma source(%dma_start3A_56 : memref<8192xf32, #tpu.memory_space<hbm>>) target(%arg11 : memref<8192xf32, #tpu.memory_space<vmem>>) target_semaphore(%arg19 : memref<!tpu.dma_semaphore, #tpu.memory_space<semaphore_mem>>)
    %dma_start3A_57 = tpu.memref_slice %arg6[%add3A_48] : memref<1048576xf32, #tpu.memory_space<hbm>> -> memref<8192xf32, #tpu.memory_space<hbm>>
    %dma_start3A_58 = tpu.memref_slice %arg6[%add3A_48] : memref<1048576xf32, #tpu.memory_space<hbm>> -> memref<8192xf32, #tpu.memory_space<hbm>>
    tpu.enqueue_dma source(%dma_start3A_58 : memref<8192xf32, #tpu.memory_space<hbm>>) target(%arg12 : memref<8192xf32, #tpu.memory_space<vmem>>) target_semaphore(%arg19 : memref<!tpu.dma_semaphore, #tpu.memory_space<semaphore_mem>>)
    %dma_wait3A_59 = tpu.memref_slice %arg2[%add3A_21] : memref<1048576xi32, #tpu.memory_space<hbm>> -> memref<8192xi32, #tpu.memory_space<hbm>>
    %dma_wait3A_60 = tpu.memref_slice %arg2[%add3A_21] : memref<1048576xi32, #tpu.memory_space<hbm>> -> memref<8192xi32, #tpu.memory_space<hbm>>
    tpu.wait_dma2 semaphore(%arg20 : memref<!tpu.dma_semaphore, #tpu.memory_space<semaphore_mem>>) src(%dma_wait3A_60 : memref<8192xi32, #tpu.memory_space<hbm>>) dst(%arg13 : memref<8192xi32, #tpu.memory_space<vmem>>)
    %dma_wait3A_61 = tpu.memref_slice %arg3[%add3A_21] : memref<1048576xf32, #tpu.memory_space<hbm>> -> memref<8192xf32, #tpu.memory_space<hbm>>
    %dma_wait3A_62 = tpu.memref_slice %arg3[%add3A_21] : memref<1048576xf32, #tpu.memory_space<hbm>> -> memref<8192xf32, #tpu.memory_space<hbm>>
    tpu.wait_dma2 semaphore(%arg20 : memref<!tpu.dma_semaphore, #tpu.memory_space<semaphore_mem>>) src(%dma_wait3A_62 : memref<8192xf32, #tpu.memory_space<hbm>>) dst(%arg14 : memref<8192xf32, #tpu.memory_space<vmem>>)
    %dma_wait3A_63 = tpu.memref_slice %arg4[%add3A_21] : memref<1048576xf32, #tpu.memory_space<hbm>> -> memref<8192xf32, #tpu.memory_space<hbm>>
    %dma_wait3A_64 = tpu.memref_slice %arg4[%add3A_21] : memref<1048576xf32, #tpu.memory_space<hbm>> -> memref<8192xf32, #tpu.memory_space<hbm>>
    tpu.wait_dma2 semaphore(%arg20 : memref<!tpu.dma_semaphore, #tpu.memory_space<semaphore_mem>>) src(%dma_wait3A_64 : memref<8192xf32, #tpu.memory_space<hbm>>) dst(%arg15 : memref<8192xf32, #tpu.memory_space<vmem>>)
    %dma_wait3A_65 = tpu.memref_slice %arg5[%add3A_21] : memref<1048576xf32, #tpu.memory_space<hbm>> -> memref<8192xf32, #tpu.memory_space<hbm>>
    %dma_wait3A_66 = tpu.memref_slice %arg5[%add3A_21] : memref<1048576xf32, #tpu.memory_space<hbm>> -> memref<8192xf32, #tpu.memory_space<hbm>>
    tpu.wait_dma2 semaphore(%arg20 : memref<!tpu.dma_semaphore, #tpu.memory_space<semaphore_mem>>) src(%dma_wait3A_66 : memref<8192xf32, #tpu.memory_space<hbm>>) dst(%arg16 : memref<8192xf32, #tpu.memory_space<vmem>>)
    %dma_wait3A_67 = tpu.memref_slice %arg6[%add3A_21] : memref<1048576xf32, #tpu.memory_space<hbm>> -> memref<8192xf32, #tpu.memory_space<hbm>>
    %dma_wait3A_68 = tpu.memref_slice %arg6[%add3A_21] : memref<1048576xf32, #tpu.memory_space<hbm>> -> memref<8192xf32, #tpu.memory_space<hbm>>
    tpu.wait_dma2 semaphore(%arg20 : memref<!tpu.dma_semaphore, #tpu.memory_space<semaphore_mem>>) src(%dma_wait3A_68 : memref<8192xf32, #tpu.memory_space<hbm>>) dst(%arg17 : memref<8192xf32, #tpu.memory_space<vmem>>)
    %scan3A_69 = arith.constant 0 : i32
    %scan3A_70 = arith.constant 0 : i32
    %scan3A_71 = arith.constant 128 : i32
    %scan3A_72 = arith.addi %scan3A_70, %scan3A_71 : i32
    %scan3A_73 = arith.constant 1 : i32
    scf.for %scan3A_121 = %scan3A_70 to %scan3A_72 step %scan3A_73  : i32 {
      %mul3A_122 = arith.constant 4 : i32
      %mul3A_123 = arith.muli %scan3A_121, %mul3A_122 : i32
      %add3A_124 = arith.constant 0 : i32
      %add3A_125 = arith.addi %mul3A_123, %add3A_124 : i32
      %mul3A_126 = arith.constant 16 : i32
      %mul3A_127 = arith.muli %add3A_125, %mul3A_126 : i32
      %get3A = arith.index_cast %mul3A_127 : i32 to index
      %get3A_128 = tpu.vector_load %arg13[%get3A] {strides = array<i32>} : memref<8192xi32, #tpu.memory_space<vmem>>, vector<16xi32>,
      %mul3A_129 = arith.constant 4 : i32
      %mul3A_130 = vector.broadcast %mul3A_129 : i32 to vector<16xi32>
      %mul3A_131 = arith.muli %get3A_128, %mul3A_130 : vector<16xi32>
      %get3A_132 = arith.index_cast %mul3A_127 : i32 to index
      %get3A_133 = tpu.vector_load %arg14[%get3A_132] {strides = array<i32>} : memref<8192xf32, #tpu.memory_space<vmem>>, vector<16xf32>,
      tpu.vector_store_idx %arg18[%mul3A_131], %get3A_133 {add = true} : memref<16384xf32, #tpu.memory_space<vmem>>[vector<16xi32>], vector<16xf32>,
      %add3A_134 = arith.constant 1 : i32
      %add3A_135 = vector.broadcast %add3A_134 : i32 to vector<16xi32>
      %add3A_136 = arith.addi %mul3A_131, %add3A_135 : vector<16xi32>
      %get3A_137 = arith.index_cast %mul3A_127 : i32 to index
      %get3A_138 = tpu.vector_load %arg15[%get3A_137] {strides = array<i32>} : memref<8192xf32, #tpu.memory_space<vmem>>, vector<16xf32>,
      tpu.vector_store_idx %arg18[%add3A_136], %get3A_138 {add = true} : memref<16384xf32, #tpu.memory_space<vmem>>[vector<16xi32>], vector<16xf32>,
      %add3A_139 = arith.constant 2 : i32
      %add3A_140 = vector.broadcast %add3A_139 : i32 to vector<16xi32>
      %add3A_141 = arith.addi %mul3A_131, %add3A_140 : vector<16xi32>
      %get3A_142 = arith.index_cast %mul3A_127 : i32 to index
      %get3A_143 = tpu.vector_load %arg16[%get3A_142] {strides = array<i32>} : memref<8192xf32, #tpu.memory_space<vmem>>, vector<16xf32>,
      tpu.vector_store_idx %arg18[%add3A_141], %get3A_143 {add = true} : memref<16384xf32, #tpu.memory_space<vmem>>[vector<16xi32>], vector<16xf32>,
      %add3A_144 = arith.constant 3 : i32
      %add3A_145 = vector.broadcast %add3A_144 : i32 to vector<16xi32>
      %add3A_146 = arith.addi %mul3A_131, %add3A_145 : vector<16xi32>
      %get3A_147 = arith.index_cast %mul3A_127 : i32 to index
      %get3A_148 = tpu.vector_load %arg17[%get3A_147] {strides = array<i32>} : memref<8192xf32, #tpu.memory_space<vmem>>, vector<16xf32>,
      tpu.vector_store_idx %arg18[%add3A_146], %get3A_148 {add = true} : memref<16384xf32, #tpu.memory_space<vmem>>[vector<16xi32>], vector<16xf32>,
      %mul3A_149 = arith.constant 4 : i32
      %mul3A_150 = arith.muli %scan3A_121, %mul3A_149 : i32
      %add3A_151 = arith.constant 1 : i32
      %add3A_152 = arith.addi %mul3A_150, %add3A_151 : i32
      %mul3A_153 = arith.constant 16 : i32
      %mul3A_154 = arith.muli %add3A_152, %mul3A_153 : i32
      %get3A_155 = arith.index_cast %mul3A_154 : i32 to index
      %get3A_156 = tpu.vector_load %arg13[%get3A_155] {strides = array<i32>} : memref<8192xi32, #tpu.memory_space<vmem>>, vector<16xi32>,
      %mul3A_157 = arith.constant 4 : i32
      %mul3A_158 = vector.broadcast %mul3A_157 : i32 to vector<16xi32>
      %mul3A_159 = arith.muli %get3A_156, %mul3A_158 : vector<16xi32>
      %get3A_160 = arith.index_cast %mul3A_154 : i32 to index
      %get3A_161 = tpu.vector_load %arg14[%get3A_160] {strides = array<i32>} : memref<8192xf32, #tpu.memory_space<vmem>>, vector<16xf32>,
      tpu.vector_store_idx %arg18[%mul3A_159], %get3A_161 {add = true} : memref<16384xf32, #tpu.memory_space<vmem>>[vector<16xi32>], vector<16xf32>,
      %add3A_162 = arith.constant 1 : i32
      %add3A_163 = vector.broadcast %add3A_162 : i32 to vector<16xi32>
      %add3A_164 = arith.addi %mul3A_159, %add3A_163 : vector<16xi32>
      %get3A_165 = arith.index_cast %mul3A_154 : i32 to index
      %get3A_166 = tpu.vector_load %arg15[%get3A_165] {strides = array<i32>} : memref<8192xf32, #tpu.memory_space<vmem>>, vector<16xf32>,
      tpu.vector_store_idx %arg18[%add3A_164], %get3A_166 {add = true} : memref<16384xf32, #tpu.memory_space<vmem>>[vector<16xi32>], vector<16xf32>,
      %add3A_167 = arith.constant 2 : i32
      %add3A_168 = vector.broadcast %add3A_167 : i32 to vector<16xi32>
      %add3A_169 = arith.addi %mul3A_159, %add3A_168 : vector<16xi32>
      %get3A_170 = arith.index_cast %mul3A_154 : i32 to index
      %get3A_171 = tpu.vector_load %arg16[%get3A_170] {strides = array<i32>} : memref<8192xf32, #tpu.memory_space<vmem>>, vector<16xf32>,
      tpu.vector_store_idx %arg18[%add3A_169], %get3A_171 {add = true} : memref<16384xf32, #tpu.memory_space<vmem>>[vector<16xi32>], vector<16xf32>,
      %add3A_172 = arith.constant 3 : i32
      %add3A_173 = vector.broadcast %add3A_172 : i32 to vector<16xi32>
      %add3A_174 = arith.addi %mul3A_159, %add3A_173 : vector<16xi32>
      %get3A_175 = arith.index_cast %mul3A_154 : i32 to index
      %get3A_176 = tpu.vector_load %arg17[%get3A_175] {strides = array<i32>} : memref<8192xf32, #tpu.memory_space<vmem>>, vector<16xf32>,
      tpu.vector_store_idx %arg18[%add3A_174], %get3A_176 {add = true} : memref<16384xf32, #tpu.memory_space<vmem>>[vector<16xi32>], vector<16xf32>,
      %mul3A_177 = arith.constant 4 : i32
      %mul3A_178 = arith.muli %scan3A_121, %mul3A_177 : i32
      %add3A_179 = arith.constant 2 : i32
      %add3A_180 = arith.addi %mul3A_178, %add3A_179 : i32
      %mul3A_181 = arith.constant 16 : i32
      %mul3A_182 = arith.muli %add3A_180, %mul3A_181 : i32
      %get3A_183 = arith.index_cast %mul3A_182 : i32 to index
      %get3A_184 = tpu.vector_load %arg13[%get3A_183] {strides = array<i32>} : memref<8192xi32, #tpu.memory_space<vmem>>, vector<16xi32>,
      %mul3A_185 = arith.constant 4 : i32
      %mul3A_186 = vector.broadcast %mul3A_185 : i32 to vector<16xi32>
      %mul3A_187 = arith.muli %get3A_184, %mul3A_186 : vector<16xi32>
      %get3A_188 = arith.index_cast %mul3A_182 : i32 to index
      %get3A_189 = tpu.vector_load %arg14[%get3A_188] {strides = array<i32>} : memref<8192xf32, #tpu.memory_space<vmem>>, vector<16xf32>,
      tpu.vector_store_idx %arg18[%mul3A_187], %get3A_189 {add = true} : memref<16384xf32, #tpu.memory_space<vmem>>[vector<16xi32>], vector<16xf32>,
      %add3A_190 = arith.constant 1 : i32
      %add3A_191 = vector.broadcast %add3A_190 : i32 to vector<16xi32>
      %add3A_192 = arith.addi %mul3A_187, %add3A_191 : vector<16xi32>
      %get3A_193 = arith.index_cast %mul3A_182 : i32 to index
      %get3A_194 = tpu.vector_load %arg15[%get3A_193] {strides = array<i32>} : memref<8192xf32, #tpu.memory_space<vmem>>, vector<16xf32>,
      tpu.vector_store_idx %arg18[%add3A_192], %get3A_194 {add = true} : memref<16384xf32, #tpu.memory_space<vmem>>[vector<16xi32>], vector<16xf32>,
      %add3A_195 = arith.constant 2 : i32
      %add3A_196 = vector.broadcast %add3A_195 : i32 to vector<16xi32>
      %add3A_197 = arith.addi %mul3A_187, %add3A_196 : vector<16xi32>
      %get3A_198 = arith.index_cast %mul3A_182 : i32 to index
      %get3A_199 = tpu.vector_load %arg16[%get3A_198] {strides = array<i32>} : memref<8192xf32, #tpu.memory_space<vmem>>, vector<16xf32>,
      tpu.vector_store_idx %arg18[%add3A_197], %get3A_199 {add = true} : memref<16384xf32, #tpu.memory_space<vmem>>[vector<16xi32>], vector<16xf32>,
      %add3A_200 = arith.constant 3 : i32
      %add3A_201 = vector.broadcast %add3A_200 : i32 to vector<16xi32>
      %add3A_202 = arith.addi %mul3A_187, %add3A_201 : vector<16xi32>
      %get3A_203 = arith.index_cast %mul3A_182 : i32 to index
      %get3A_204 = tpu.vector_load %arg17[%get3A_203] {strides = array<i32>} : memref<8192xf32, #tpu.memory_space<vmem>>, vector<16xf32>,
      tpu.vector_store_idx %arg18[%add3A_202], %get3A_204 {add = true} : memref<16384xf32, #tpu.memory_space<vmem>>[vector<16xi32>], vector<16xf32>,
      %mul3A_205 = arith.constant 4 : i32
      %mul3A_206 = arith.muli %scan3A_121, %mul3A_205 : i32
      %add3A_207 = arith.constant 3 : i32
      %add3A_208 = arith.addi %mul3A_206, %add3A_207 : i32
      %mul3A_209 = arith.constant 16 : i32
      %mul3A_210 = arith.muli %add3A_208, %mul3A_209 : i32
      %get3A_211 = arith.index_cast %mul3A_210 : i32 to index
      %get3A_212 = tpu.vector_load %arg13[%get3A_211] {strides = array<i32>} : memref<8192xi32, #tpu.memory_space<vmem>>, vector<16xi32>,
      %mul3A_213 = arith.constant 4 : i32
      %mul3A_214 = vector.broadcast %mul3A_213 : i32 to vector<16xi32>
      %mul3A_215 = arith.muli %get3A_212, %mul3A_214 : vector<16xi32>
      %get3A_216 = arith.index_cast %mul3A_210 : i32 to index
      %get3A_217 = tpu.vector_load %arg14[%get3A_216] {strides = array<i32>} : memref<8192xf32, #tpu.memory_space<vmem>>, vector<16xf32>,
      tpu.vector_store_idx %arg18[%mul3A_215], %get3A_217 {add = true} : memref<16384xf32, #tpu.memory_space<vmem>>[vector<16xi32>], vector<16xf32>,
      %add3A_218 = arith.constant 1 : i32
      %add3A_219 = vector.broadcast %add3A_218 : i32 to vector<16xi32>
      %add3A_220 = arith.addi %mul3A_215, %add3A_219 : vector<16xi32>
      %get3A_221 = arith.index_cast %mul3A_210 : i32 to index
      %get3A_222 = tpu.vector_load %arg15[%get3A_221] {strides = array<i32>} : memref<8192xf32, #tpu.memory_space<vmem>>, vector<16xf32>,
      tpu.vector_store_idx %arg18[%add3A_220], %get3A_222 {add = true} : memref<16384xf32, #tpu.memory_space<vmem>>[vector<16xi32>], vector<16xf32>,
      %add3A_223 = arith.constant 2 : i32
      %add3A_224 = vector.broadcast %add3A_223 : i32 to vector<16xi32>
      %add3A_225 = arith.addi %mul3A_215, %add3A_224 : vector<16xi32>
      %get3A_226 = arith.index_cast %mul3A_210 : i32 to index
      %get3A_227 = tpu.vector_load %arg16[%get3A_226] {strides = array<i32>} : memref<8192xf32, #tpu.memory_space<vmem>>, vector<16xf32>,
      tpu.vector_store_idx %arg18[%add3A_225], %get3A_227 {add = true} : memref<16384xf32, #tpu.memory_space<vmem>>[vector<16xi32>], vector<16xf32>,
      %add3A_228 = arith.constant 3 : i32
      %add3A_229 = vector.broadcast %add3A_228 : i32 to vector<16xi32>
      %add3A_230 = arith.addi %mul3A_215, %add3A_229 : vector<16xi32>
      %get3A_231 = arith.index_cast %mul3A_210 : i32 to index
      %get3A_232 = tpu.vector_load %arg17[%get3A_231] {strides = array<i32>} : memref<8192xf32, #tpu.memory_space<vmem>>, vector<16xf32>,
      tpu.vector_store_idx %arg18[%add3A_230], %get3A_232 {add = true} : memref<16384xf32, #tpu.memory_space<vmem>>[vector<16xi32>], vector<16xf32>,
    }
    %scan3A_74 = arith.constant 128 : i32
    %add3A_75 = arith.constant 24576 : i32
    %add3A_76 = arith.addi %mul3A_2, %add3A_75 : i32
    %dma_start3A_77 = tpu.memref_slice %arg2[%add3A_76] : memref<1048576xi32, #tpu.memory_space<hbm>> -> memref<8192xi32, #tpu.memory_space<hbm>>
    %dma_start3A_78 = tpu.memref_slice %arg2[%add3A_76] : memref<1048576xi32, #tpu.memory_space<hbm>> -> memref<8192xi32, #tpu.memory_space<hbm>>
    tpu.enqueue_dma source(%dma_start3A_78 : memref<8192xi32, #tpu.memory_space<hbm>>) target(%arg13 : memref<8192xi32, #tpu.memory_space<vmem>>) target_semaphore(%arg20 : memref<!tpu.dma_semaphore, #tpu.memory_space<semaphore_mem>>)
    %dma_start3A_79 = tpu.memref_slice %arg3[%add3A_76] : memref<1048576xf32, #tpu.memory_space<hbm>> -> memref<8192xf32, #tpu.memory_space<hbm>>
    %dma_start3A_80 = tpu.memref_slice %arg3[%add3A_76] : memref<1048576xf32, #tpu.memory_space<hbm>> -> memref<8192xf32, #tpu.memory_space<hbm>>
    tpu.enqueue_dma source(%dma_start3A_80 : memref<8192xf32, #tpu.memory_space<hbm>>) target(%arg14 : memref<8192xf32, #tpu.memory_space<vmem>>) target_semaphore(%arg20 : memref<!tpu.dma_semaphore, #tpu.memory_space<semaphore_mem>>)
    %dma_start3A_81 = tpu.memref_slice %arg4[%add3A_76] : memref<1048576xf32, #tpu.memory_space<hbm>> -> memref<8192xf32, #tpu.memory_space<hbm>>
    %dma_start3A_82 = tpu.memref_slice %arg4[%add3A_76] : memref<1048576xf32, #tpu.memory_space<hbm>> -> memref<8192xf32, #tpu.memory_space<hbm>>
    tpu.enqueue_dma source(%dma_start3A_82 : memref<8192xf32, #tpu.memory_space<hbm>>) target(%arg15 : memref<8192xf32, #tpu.memory_space<vmem>>) target_semaphore(%arg20 : memref<!tpu.dma_semaphore, #tpu.memory_space<semaphore_mem>>)
    %dma_start3A_83 = tpu.memref_slice %arg5[%add3A_76] : memref<1048576xf32, #tpu.memory_space<hbm>> -> memref<8192xf32, #tpu.memory_space<hbm>>
    %dma_start3A_84 = tpu.memref_slice %arg5[%add3A_76] : memref<1048576xf32, #tpu.memory_space<hbm>> -> memref<8192xf32, #tpu.memory_space<hbm>>
    tpu.enqueue_dma source(%dma_start3A_84 : memref<8192xf32, #tpu.memory_space<hbm>>) target(%arg16 : memref<8192xf32, #tpu.memory_space<vmem>>) target_semaphore(%arg20 : memref<!tpu.dma_semaphore, #tpu.memory_space<semaphore_mem>>)
    %dma_start3A_85 = tpu.memref_slice %arg6[%add3A_76] : memref<1048576xf32, #tpu.memory_space<hbm>> -> memref<8192xf32, #tpu.memory_space<hbm>>
    %dma_start3A_86 = tpu.memref_slice %arg6[%add3A_76] : memref<1048576xf32, #tpu.memory_space<hbm>> -> memref<8192xf32, #tpu.memory_space<hbm>>
    tpu.enqueue_dma source(%dma_start3A_86 : memref<8192xf32, #tpu.memory_space<hbm>>) target(%arg17 : memref<8192xf32, #tpu.memory_space<vmem>>) target_semaphore(%arg20 : memref<!tpu.dma_semaphore, #tpu.memory_space<semaphore_mem>>)
    %dma_wait3A_87 = tpu.memref_slice %arg2[%add3A_48] : memref<1048576xi32, #tpu.memory_space<hbm>> -> memref<8192xi32, #tpu.memory_space<hbm>>
    %dma_wait3A_88 = tpu.memref_slice %arg2[%add3A_48] : memref<1048576xi32, #tpu.memory_space<hbm>> -> memref<8192xi32, #tpu.memory_space<hbm>>
    tpu.wait_dma2 semaphore(%arg19 : memref<!tpu.dma_semaphore, #tpu.memory_space<semaphore_mem>>) src(%dma_wait3A_88 : memref<8192xi32, #tpu.memory_space<hbm>>) dst(%arg8 : memref<8192xi32, #tpu.memory_space<vmem>>)
    %dma_wait3A_89 = tpu.memref_slice %arg3[%add3A_48] : memref<1048576xf32, #tpu.memory_space<hbm>> -> memref<8192xf32, #tpu.memory_space<hbm>>
    %dma_wait3A_90 = tpu.memref_slice %arg3[%add3A_48] : memref<1048576xf32, #tpu.memory_space<hbm>> -> memref<8192xf32, #tpu.memory_space<hbm>>
    tpu.wait_dma2 semaphore(%arg19 : memref<!tpu.dma_semaphore, #tpu.memory_space<semaphore_mem>>) src(%dma_wait3A_90 : memref<8192xf32, #tpu.memory_space<hbm>>) dst(%arg9 : memref<8192xf32, #tpu.memory_space<vmem>>)
    %dma_wait3A_91 = tpu.memref_slice %arg4[%add3A_48] : memref<1048576xf32, #tpu.memory_space<hbm>> -> memref<8192xf32, #tpu.memory_space<hbm>>
    %dma_wait3A_92 = tpu.memref_slice %arg4[%add3A_48] : memref<1048576xf32, #tpu.memory_space<hbm>> -> memref<8192xf32, #tpu.memory_space<hbm>>
    tpu.wait_dma2 semaphore(%arg19 : memref<!tpu.dma_semaphore, #tpu.memory_space<semaphore_mem>>) src(%dma_wait3A_92 : memref<8192xf32, #tpu.memory_space<hbm>>) dst(%arg10 : memref<8192xf32, #tpu.memory_space<vmem>>)
    %dma_wait3A_93 = tpu.memref_slice %arg5[%add3A_48] : memref<1048576xf32, #tpu.memory_space<hbm>> -> memref<8192xf32, #tpu.memory_space<hbm>>
    %dma_wait3A_94 = tpu.memref_slice %arg5[%add3A_48] : memref<1048576xf32, #tpu.memory_space<hbm>> -> memref<8192xf32, #tpu.memory_space<hbm>>
    tpu.wait_dma2 semaphore(%arg19 : memref<!tpu.dma_semaphore, #tpu.memory_space<semaphore_mem>>) src(%dma_wait3A_94 : memref<8192xf32, #tpu.memory_space<hbm>>) dst(%arg11 : memref<8192xf32, #tpu.memory_space<vmem>>)
    %dma_wait3A_95 = tpu.memref_slice %arg6[%add3A_48] : memref<1048576xf32, #tpu.memory_space<hbm>> -> memref<8192xf32, #tpu.memory_space<hbm>>
    %dma_wait3A_96 = tpu.memref_slice %arg6[%add3A_48] : memref<1048576xf32, #tpu.memory_space<hbm>> -> memref<8192xf32, #tpu.memory_space<hbm>>
    tpu.wait_dma2 semaphore(%arg19 : memref<!tpu.dma_semaphore, #tpu.memory_space<semaphore_mem>>) src(%dma_wait3A_96 : memref<8192xf32, #tpu.memory_space<hbm>>) dst(%arg12 : memref<8192xf32, #tpu.memory_space<vmem>>)
    %scan3A_97 = arith.constant 0 : i32
    %scan3A_98 = arith.constant 0 : i32
    %scan3A_99 = arith.constant 128 : i32
    %scan3A_100 = arith.addi %scan3A_98, %scan3A_99 : i32
    %scan3A_101 = arith.constant 1 : i32
    scf.for %scan3A_121 = %scan3A_98 to %scan3A_100 step %scan3A_101  : i32 {
      %mul3A_122 = arith.constant 4 : i32
      %mul3A_123 = arith.muli %scan3A_121, %mul3A_122 : i32
      %add3A_124 = arith.constant 0 : i32
      %add3A_125 = arith.addi %mul3A_123, %add3A_124 : i32
      %mul3A_126 = arith.constant 16 : i32
      %mul3A_127 = arith.muli %add3A_125, %mul3A_126 : i32
      %get3A = arith.index_cast %mul3A_127 : i32 to index
      %get3A_128 = tpu.vector_load %arg8[%get3A] {strides = array<i32>} : memref<8192xi32, #tpu.memory_space<vmem>>, vector<16xi32>,
      %mul3A_129 = arith.constant 4 : i32
      %mul3A_130 = vector.broadcast %mul3A_129 : i32 to vector<16xi32>
      %mul3A_131 = arith.muli %get3A_128, %mul3A_130 : vector<16xi32>
      %get3A_132 = arith.index_cast %mul3A_127 : i32 to index
      %get3A_133 = tpu.vector_load %arg9[%get3A_132] {strides = array<i32>} : memref<8192xf32, #tpu.memory_space<vmem>>, vector<16xf32>,
      tpu.vector_store_idx %arg18[%mul3A_131], %get3A_133 {add = true} : memref<16384xf32, #tpu.memory_space<vmem>>[vector<16xi32>], vector<16xf32>,
      %add3A_134 = arith.constant 1 : i32
      %add3A_135 = vector.broadcast %add3A_134 : i32 to vector<16xi32>
      %add3A_136 = arith.addi %mul3A_131, %add3A_135 : vector<16xi32>
      %get3A_137 = arith.index_cast %mul3A_127 : i32 to index
      %get3A_138 = tpu.vector_load %arg10[%get3A_137] {strides = array<i32>} : memref<8192xf32, #tpu.memory_space<vmem>>, vector<16xf32>,
      tpu.vector_store_idx %arg18[%add3A_136], %get3A_138 {add = true} : memref<16384xf32, #tpu.memory_space<vmem>>[vector<16xi32>], vector<16xf32>,
      %add3A_139 = arith.constant 2 : i32
      %add3A_140 = vector.broadcast %add3A_139 : i32 to vector<16xi32>
      %add3A_141 = arith.addi %mul3A_131, %add3A_140 : vector<16xi32>
      %get3A_142 = arith.index_cast %mul3A_127 : i32 to index
      %get3A_143 = tpu.vector_load %arg11[%get3A_142] {strides = array<i32>} : memref<8192xf32, #tpu.memory_space<vmem>>, vector<16xf32>,
      tpu.vector_store_idx %arg18[%add3A_141], %get3A_143 {add = true} : memref<16384xf32, #tpu.memory_space<vmem>>[vector<16xi32>], vector<16xf32>,
      %add3A_144 = arith.constant 3 : i32
      %add3A_145 = vector.broadcast %add3A_144 : i32 to vector<16xi32>
      %add3A_146 = arith.addi %mul3A_131, %add3A_145 : vector<16xi32>
      %get3A_147 = arith.index_cast %mul3A_127 : i32 to index
      %get3A_148 = tpu.vector_load %arg12[%get3A_147] {strides = array<i32>} : memref<8192xf32, #tpu.memory_space<vmem>>, vector<16xf32>,
      tpu.vector_store_idx %arg18[%add3A_146], %get3A_148 {add = true} : memref<16384xf32, #tpu.memory_space<vmem>>[vector<16xi32>], vector<16xf32>,
      %mul3A_149 = arith.constant 4 : i32
      %mul3A_150 = arith.muli %scan3A_121, %mul3A_149 : i32
      %add3A_151 = arith.constant 1 : i32
      %add3A_152 = arith.addi %mul3A_150, %add3A_151 : i32
      %mul3A_153 = arith.constant 16 : i32
      %mul3A_154 = arith.muli %add3A_152, %mul3A_153 : i32
      %get3A_155 = arith.index_cast %mul3A_154 : i32 to index
      %get3A_156 = tpu.vector_load %arg8[%get3A_155] {strides = array<i32>} : memref<8192xi32, #tpu.memory_space<vmem>>, vector<16xi32>,
      %mul3A_157 = arith.constant 4 : i32
      %mul3A_158 = vector.broadcast %mul3A_157 : i32 to vector<16xi32>
      %mul3A_159 = arith.muli %get3A_156, %mul3A_158 : vector<16xi32>
      %get3A_160 = arith.index_cast %mul3A_154 : i32 to index
      %get3A_161 = tpu.vector_load %arg9[%get3A_160] {strides = array<i32>} : memref<8192xf32, #tpu.memory_space<vmem>>, vector<16xf32>,
      tpu.vector_store_idx %arg18[%mul3A_159], %get3A_161 {add = true} : memref<16384xf32, #tpu.memory_space<vmem>>[vector<16xi32>], vector<16xf32>,
      %add3A_162 = arith.constant 1 : i32
      %add3A_163 = vector.broadcast %add3A_162 : i32 to vector<16xi32>
      %add3A_164 = arith.addi %mul3A_159, %add3A_163 : vector<16xi32>
      %get3A_165 = arith.index_cast %mul3A_154 : i32 to index
      %get3A_166 = tpu.vector_load %arg10[%get3A_165] {strides = array<i32>} : memref<8192xf32, #tpu.memory_space<vmem>>, vector<16xf32>,
      tpu.vector_store_idx %arg18[%add3A_164], %get3A_166 {add = true} : memref<16384xf32, #tpu.memory_space<vmem>>[vector<16xi32>], vector<16xf32>,
      %add3A_167 = arith.constant 2 : i32
      %add3A_168 = vector.broadcast %add3A_167 : i32 to vector<16xi32>
      %add3A_169 = arith.addi %mul3A_159, %add3A_168 : vector<16xi32>
      %get3A_170 = arith.index_cast %mul3A_154 : i32 to index
      %get3A_171 = tpu.vector_load %arg11[%get3A_170] {strides = array<i32>} : memref<8192xf32, #tpu.memory_space<vmem>>, vector<16xf32>,
      tpu.vector_store_idx %arg18[%add3A_169], %get3A_171 {add = true} : memref<16384xf32, #tpu.memory_space<vmem>>[vector<16xi32>], vector<16xf32>,
      %add3A_172 = arith.constant 3 : i32
      %add3A_173 = vector.broadcast %add3A_172 : i32 to vector<16xi32>
      %add3A_174 = arith.addi %mul3A_159, %add3A_173 : vector<16xi32>
      %get3A_175 = arith.index_cast %mul3A_154 : i32 to index
      %get3A_176 = tpu.vector_load %arg12[%get3A_175] {strides = array<i32>} : memref<8192xf32, #tpu.memory_space<vmem>>, vector<16xf32>,
      tpu.vector_store_idx %arg18[%add3A_174], %get3A_176 {add = true} : memref<16384xf32, #tpu.memory_space<vmem>>[vector<16xi32>], vector<16xf32>,
      %mul3A_177 = arith.constant 4 : i32
      %mul3A_178 = arith.muli %scan3A_121, %mul3A_177 : i32
      %add3A_179 = arith.constant 2 : i32
      %add3A_180 = arith.addi %mul3A_178, %add3A_179 : i32
      %mul3A_181 = arith.constant 16 : i32
      %mul3A_182 = arith.muli %add3A_180, %mul3A_181 : i32
      %get3A_183 = arith.index_cast %mul3A_182 : i32 to index
      %get3A_184 = tpu.vector_load %arg8[%get3A_183] {strides = array<i32>} : memref<8192xi32, #tpu.memory_space<vmem>>, vector<16xi32>,
      %mul3A_185 = arith.constant 4 : i32
      %mul3A_186 = vector.broadcast %mul3A_185 : i32 to vector<16xi32>
      %mul3A_187 = arith.muli %get3A_184, %mul3A_186 : vector<16xi32>
      %get3A_188 = arith.index_cast %mul3A_182 : i32 to index
      %get3A_189 = tpu.vector_load %arg9[%get3A_188] {strides = array<i32>} : memref<8192xf32, #tpu.memory_space<vmem>>, vector<16xf32>,
      tpu.vector_store_idx %arg18[%mul3A_187], %get3A_189 {add = true} : memref<16384xf32, #tpu.memory_space<vmem>>[vector<16xi32>], vector<16xf32>,
      %add3A_190 = arith.constant 1 : i32
      %add3A_191 = vector.broadcast %add3A_190 : i32 to vector<16xi32>
      %add3A_192 = arith.addi %mul3A_187, %add3A_191 : vector<16xi32>
      %get3A_193 = arith.index_cast %mul3A_182 : i32 to index
      %get3A_194 = tpu.vector_load %arg10[%get3A_193] {strides = array<i32>} : memref<8192xf32, #tpu.memory_space<vmem>>, vector<16xf32>,
      tpu.vector_store_idx %arg18[%add3A_192], %get3A_194 {add = true} : memref<16384xf32, #tpu.memory_space<vmem>>[vector<16xi32>], vector<16xf32>,
      %add3A_195 = arith.constant 2 : i32
      %add3A_196 = vector.broadcast %add3A_195 : i32 to vector<16xi32>
      %add3A_197 = arith.addi %mul3A_187, %add3A_196 : vector<16xi32>
      %get3A_198 = arith.index_cast %mul3A_182 : i32 to index
      %get3A_199 = tpu.vector_load %arg11[%get3A_198] {strides = array<i32>} : memref<8192xf32, #tpu.memory_space<vmem>>, vector<16xf32>,
      tpu.vector_store_idx %arg18[%add3A_197], %get3A_199 {add = true} : memref<16384xf32, #tpu.memory_space<vmem>>[vector<16xi32>], vector<16xf32>,
      %add3A_200 = arith.constant 3 : i32
      %add3A_201 = vector.broadcast %add3A_200 : i32 to vector<16xi32>
      %add3A_202 = arith.addi %mul3A_187, %add3A_201 : vector<16xi32>
      %get3A_203 = arith.index_cast %mul3A_182 : i32 to index
      %get3A_204 = tpu.vector_load %arg12[%get3A_203] {strides = array<i32>} : memref<8192xf32, #tpu.memory_space<vmem>>, vector<16xf32>,
      tpu.vector_store_idx %arg18[%add3A_202], %get3A_204 {add = true} : memref<16384xf32, #tpu.memory_space<vmem>>[vector<16xi32>], vector<16xf32>,
      %mul3A_205 = arith.constant 4 : i32
      %mul3A_206 = arith.muli %scan3A_121, %mul3A_205 : i32
      %add3A_207 = arith.constant 3 : i32
      %add3A_208 = arith.addi %mul3A_206, %add3A_207 : i32
      %mul3A_209 = arith.constant 16 : i32
      %mul3A_210 = arith.muli %add3A_208, %mul3A_209 : i32
      %get3A_211 = arith.index_cast %mul3A_210 : i32 to index
      %get3A_212 = tpu.vector_load %arg8[%get3A_211] {strides = array<i32>} : memref<8192xi32, #tpu.memory_space<vmem>>, vector<16xi32>,
      %mul3A_213 = arith.constant 4 : i32
      %mul3A_214 = vector.broadcast %mul3A_213 : i32 to vector<16xi32>
      %mul3A_215 = arith.muli %get3A_212, %mul3A_214 : vector<16xi32>
      %get3A_216 = arith.index_cast %mul3A_210 : i32 to index
      %get3A_217 = tpu.vector_load %arg9[%get3A_216] {strides = array<i32>} : memref<8192xf32, #tpu.memory_space<vmem>>, vector<16xf32>,
      tpu.vector_store_idx %arg18[%mul3A_215], %get3A_217 {add = true} : memref<16384xf32, #tpu.memory_space<vmem>>[vector<16xi32>], vector<16xf32>,
      %add3A_218 = arith.constant 1 : i32
      %add3A_219 = vector.broadcast %add3A_218 : i32 to vector<16xi32>
      %add3A_220 = arith.addi %mul3A_215, %add3A_219 : vector<16xi32>
      %get3A_221 = arith.index_cast %mul3A_210 : i32 to index
      %get3A_222 = tpu.vector_load %arg10[%get3A_221] {strides = array<i32>} : memref<8192xf32, #tpu.memory_space<vmem>>, vector<16xf32>,
      tpu.vector_store_idx %arg18[%add3A_220], %get3A_222 {add = true} : memref<16384xf32, #tpu.memory_space<vmem>>[vector<16xi32>], vector<16xf32>,
      %add3A_223 = arith.constant 2 : i32
      %add3A_224 = vector.broadcast %add3A_223 : i32 to vector<16xi32>
      %add3A_225 = arith.addi %mul3A_215, %add3A_224 : vector<16xi32>
      %get3A_226 = arith.index_cast %mul3A_210 : i32 to index
      %get3A_227 = tpu.vector_load %arg11[%get3A_226] {strides = array<i32>} : memref<8192xf32, #tpu.memory_space<vmem>>, vector<16xf32>,
      tpu.vector_store_idx %arg18[%add3A_225], %get3A_227 {add = true} : memref<16384xf32, #tpu.memory_space<vmem>>[vector<16xi32>], vector<16xf32>,
      %add3A_228 = arith.constant 3 : i32
      %add3A_229 = vector.broadcast %add3A_228 : i32 to vector<16xi32>
      %add3A_230 = arith.addi %mul3A_215, %add3A_229 : vector<16xi32>
      %get3A_231 = arith.index_cast %mul3A_210 : i32 to index
      %get3A_232 = tpu.vector_load %arg12[%get3A_231] {strides = array<i32>} : memref<8192xf32, #tpu.memory_space<vmem>>, vector<16xf32>,
      tpu.vector_store_idx %arg18[%add3A_230], %get3A_232 {add = true} : memref<16384xf32, #tpu.memory_space<vmem>>[vector<16xi32>], vector<16xf32>,
    }
    %scan3A_102 = arith.constant 128 : i32
    %dma_wait3A_103 = tpu.memref_slice %arg2[%add3A_76] : memref<1048576xi32, #tpu.memory_space<hbm>> -> memref<8192xi32, #tpu.memory_space<hbm>>
    %dma_wait3A_104 = tpu.memref_slice %arg2[%add3A_76] : memref<1048576xi32, #tpu.memory_space<hbm>> -> memref<8192xi32, #tpu.memory_space<hbm>>
    tpu.wait_dma2 semaphore(%arg20 : memref<!tpu.dma_semaphore, #tpu.memory_space<semaphore_mem>>) src(%dma_wait3A_104 : memref<8192xi32, #tpu.memory_space<hbm>>) dst(%arg13 : memref<8192xi32, #tpu.memory_space<vmem>>)
    %dma_wait3A_105 = tpu.memref_slice %arg3[%add3A_76] : memref<1048576xf32, #tpu.memory_space<hbm>> -> memref<8192xf32, #tpu.memory_space<hbm>>
    %dma_wait3A_106 = tpu.memref_slice %arg3[%add3A_76] : memref<1048576xf32, #tpu.memory_space<hbm>> -> memref<8192xf32, #tpu.memory_space<hbm>>
    tpu.wait_dma2 semaphore(%arg20 : memref<!tpu.dma_semaphore, #tpu.memory_space<semaphore_mem>>) src(%dma_wait3A_106 : memref<8192xf32, #tpu.memory_space<hbm>>) dst(%arg14 : memref<8192xf32, #tpu.memory_space<vmem>>)
    %dma_wait3A_107 = tpu.memref_slice %arg4[%add3A_76] : memref<1048576xf32, #tpu.memory_space<hbm>> -> memref<8192xf32, #tpu.memory_space<hbm>>
    %dma_wait3A_108 = tpu.memref_slice %arg4[%add3A_76] : memref<1048576xf32, #tpu.memory_space<hbm>> -> memref<8192xf32, #tpu.memory_space<hbm>>
    tpu.wait_dma2 semaphore(%arg20 : memref<!tpu.dma_semaphore, #tpu.memory_space<semaphore_mem>>) src(%dma_wait3A_108 : memref<8192xf32, #tpu.memory_space<hbm>>) dst(%arg15 : memref<8192xf32, #tpu.memory_space<vmem>>)
    %dma_wait3A_109 = tpu.memref_slice %arg5[%add3A_76] : memref<1048576xf32, #tpu.memory_space<hbm>> -> memref<8192xf32, #tpu.memory_space<hbm>>
    %dma_wait3A_110 = tpu.memref_slice %arg5[%add3A_76] : memref<1048576xf32, #tpu.memory_space<hbm>> -> memref<8192xf32, #tpu.memory_space<hbm>>
    tpu.wait_dma2 semaphore(%arg20 : memref<!tpu.dma_semaphore, #tpu.memory_space<semaphore_mem>>) src(%dma_wait3A_110 : memref<8192xf32, #tpu.memory_space<hbm>>) dst(%arg16 : memref<8192xf32, #tpu.memory_space<vmem>>)
    %dma_wait3A_111 = tpu.memref_slice %arg6[%add3A_76] : memref<1048576xf32, #tpu.memory_space<hbm>> -> memref<8192xf32, #tpu.memory_space<hbm>>
    %dma_wait3A_112 = tpu.memref_slice %arg6[%add3A_76] : memref<1048576xf32, #tpu.memory_space<hbm>> -> memref<8192xf32, #tpu.memory_space<hbm>>
    tpu.wait_dma2 semaphore(%arg20 : memref<!tpu.dma_semaphore, #tpu.memory_space<semaphore_mem>>) src(%dma_wait3A_112 : memref<8192xf32, #tpu.memory_space<hbm>>) dst(%arg17 : memref<8192xf32, #tpu.memory_space<vmem>>)
    %scan3A_113 = arith.constant 0 : i32
    %scan3A_114 = arith.constant 0 : i32
    %scan3A_115 = arith.constant 128 : i32
    %scan3A_116 = arith.addi %scan3A_114, %scan3A_115 : i32
    %scan3A_117 = arith.constant 1 : i32
    scf.for %scan3A_121 = %scan3A_114 to %scan3A_116 step %scan3A_117  : i32 {
      %mul3A_122 = arith.constant 4 : i32
      %mul3A_123 = arith.muli %scan3A_121, %mul3A_122 : i32
      %add3A_124 = arith.constant 0 : i32
      %add3A_125 = arith.addi %mul3A_123, %add3A_124 : i32
      %mul3A_126 = arith.constant 16 : i32
      %mul3A_127 = arith.muli %add3A_125, %mul3A_126 : i32
      %get3A = arith.index_cast %mul3A_127 : i32 to index
      %get3A_128 = tpu.vector_load %arg13[%get3A] {strides = array<i32>} : memref<8192xi32, #tpu.memory_space<vmem>>, vector<16xi32>,
      %mul3A_129 = arith.constant 4 : i32
      %mul3A_130 = vector.broadcast %mul3A_129 : i32 to vector<16xi32>
      %mul3A_131 = arith.muli %get3A_128, %mul3A_130 : vector<16xi32>
      %get3A_132 = arith.index_cast %mul3A_127 : i32 to index
      %get3A_133 = tpu.vector_load %arg14[%get3A_132] {strides = array<i32>} : memref<8192xf32, #tpu.memory_space<vmem>>, vector<16xf32>,
      tpu.vector_store_idx %arg18[%mul3A_131], %get3A_133 {add = true} : memref<16384xf32, #tpu.memory_space<vmem>>[vector<16xi32>], vector<16xf32>,
      %add3A_134 = arith.constant 1 : i32
      %add3A_135 = vector.broadcast %add3A_134 : i32 to vector<16xi32>
      %add3A_136 = arith.addi %mul3A_131, %add3A_135 : vector<16xi32>
      %get3A_137 = arith.index_cast %mul3A_127 : i32 to index
      %get3A_138 = tpu.vector_load %arg15[%get3A_137] {strides = array<i32>} : memref<8192xf32, #tpu.memory_space<vmem>>, vector<16xf32>,
      tpu.vector_store_idx %arg18[%add3A_136], %get3A_138 {add = true} : memref<16384xf32, #tpu.memory_space<vmem>>[vector<16xi32>], vector<16xf32>,
      %add3A_139 = arith.constant 2 : i32
      %add3A_140 = vector.broadcast %add3A_139 : i32 to vector<16xi32>
      %add3A_141 = arith.addi %mul3A_131, %add3A_140 : vector<16xi32>
      %get3A_142 = arith.index_cast %mul3A_127 : i32 to index
      %get3A_143 = tpu.vector_load %arg16[%get3A_142] {strides = array<i32>} : memref<8192xf32, #tpu.memory_space<vmem>>, vector<16xf32>,
      tpu.vector_store_idx %arg18[%add3A_141], %get3A_143 {add = true} : memref<16384xf32, #tpu.memory_space<vmem>>[vector<16xi32>], vector<16xf32>,
      %add3A_144 = arith.constant 3 : i32
      %add3A_145 = vector.broadcast %add3A_144 : i32 to vector<16xi32>
      %add3A_146 = arith.addi %mul3A_131, %add3A_145 : vector<16xi32>
      %get3A_147 = arith.index_cast %mul3A_127 : i32 to index
      %get3A_148 = tpu.vector_load %arg17[%get3A_147] {strides = array<i32>} : memref<8192xf32, #tpu.memory_space<vmem>>, vector<16xf32>,
      tpu.vector_store_idx %arg18[%add3A_146], %get3A_148 {add = true} : memref<16384xf32, #tpu.memory_space<vmem>>[vector<16xi32>], vector<16xf32>,
      %mul3A_149 = arith.constant 4 : i32
      %mul3A_150 = arith.muli %scan3A_121, %mul3A_149 : i32
      %add3A_151 = arith.constant 1 : i32
      %add3A_152 = arith.addi %mul3A_150, %add3A_151 : i32
      %mul3A_153 = arith.constant 16 : i32
      %mul3A_154 = arith.muli %add3A_152, %mul3A_153 : i32
      %get3A_155 = arith.index_cast %mul3A_154 : i32 to index
      %get3A_156 = tpu.vector_load %arg13[%get3A_155] {strides = array<i32>} : memref<8192xi32, #tpu.memory_space<vmem>>, vector<16xi32>,
      %mul3A_157 = arith.constant 4 : i32
      %mul3A_158 = vector.broadcast %mul3A_157 : i32 to vector<16xi32>
      %mul3A_159 = arith.muli %get3A_156, %mul3A_158 : vector<16xi32>
      %get3A_160 = arith.index_cast %mul3A_154 : i32 to index
      %get3A_161 = tpu.vector_load %arg14[%get3A_160] {strides = array<i32>} : memref<8192xf32, #tpu.memory_space<vmem>>, vector<16xf32>,
      tpu.vector_store_idx %arg18[%mul3A_159], %get3A_161 {add = true} : memref<16384xf32, #tpu.memory_space<vmem>>[vector<16xi32>], vector<16xf32>,
      %add3A_162 = arith.constant 1 : i32
      %add3A_163 = vector.broadcast %add3A_162 : i32 to vector<16xi32>
      %add3A_164 = arith.addi %mul3A_159, %add3A_163 : vector<16xi32>
      %get3A_165 = arith.index_cast %mul3A_154 : i32 to index
      %get3A_166 = tpu.vector_load %arg15[%get3A_165] {strides = array<i32>} : memref<8192xf32, #tpu.memory_space<vmem>>, vector<16xf32>,
      tpu.vector_store_idx %arg18[%add3A_164], %get3A_166 {add = true} : memref<16384xf32, #tpu.memory_space<vmem>>[vector<16xi32>], vector<16xf32>,
      %add3A_167 = arith.constant 2 : i32
      %add3A_168 = vector.broadcast %add3A_167 : i32 to vector<16xi32>
      %add3A_169 = arith.addi %mul3A_159, %add3A_168 : vector<16xi32>
      %get3A_170 = arith.index_cast %mul3A_154 : i32 to index
      %get3A_171 = tpu.vector_load %arg16[%get3A_170] {strides = array<i32>} : memref<8192xf32, #tpu.memory_space<vmem>>, vector<16xf32>,
      tpu.vector_store_idx %arg18[%add3A_169], %get3A_171 {add = true} : memref<16384xf32, #tpu.memory_space<vmem>>[vector<16xi32>], vector<16xf32>,
      %add3A_172 = arith.constant 3 : i32
      %add3A_173 = vector.broadcast %add3A_172 : i32 to vector<16xi32>
      %add3A_174 = arith.addi %mul3A_159, %add3A_173 : vector<16xi32>
      %get3A_175 = arith.index_cast %mul3A_154 : i32 to index
      %get3A_176 = tpu.vector_load %arg17[%get3A_175] {strides = array<i32>} : memref<8192xf32, #tpu.memory_space<vmem>>, vector<16xf32>,
      tpu.vector_store_idx %arg18[%add3A_174], %get3A_176 {add = true} : memref<16384xf32, #tpu.memory_space<vmem>>[vector<16xi32>], vector<16xf32>,
      %mul3A_177 = arith.constant 4 : i32
      %mul3A_178 = arith.muli %scan3A_121, %mul3A_177 : i32
      %add3A_179 = arith.constant 2 : i32
      %add3A_180 = arith.addi %mul3A_178, %add3A_179 : i32
      %mul3A_181 = arith.constant 16 : i32
      %mul3A_182 = arith.muli %add3A_180, %mul3A_181 : i32
      %get3A_183 = arith.index_cast %mul3A_182 : i32 to index
      %get3A_184 = tpu.vector_load %arg13[%get3A_183] {strides = array<i32>} : memref<8192xi32, #tpu.memory_space<vmem>>, vector<16xi32>,
      %mul3A_185 = arith.constant 4 : i32
      %mul3A_186 = vector.broadcast %mul3A_185 : i32 to vector<16xi32>
      %mul3A_187 = arith.muli %get3A_184, %mul3A_186 : vector<16xi32>
      %get3A_188 = arith.index_cast %mul3A_182 : i32 to index
      %get3A_189 = tpu.vector_load %arg14[%get3A_188] {strides = array<i32>} : memref<8192xf32, #tpu.memory_space<vmem>>, vector<16xf32>,
      tpu.vector_store_idx %arg18[%mul3A_187], %get3A_189 {add = true} : memref<16384xf32, #tpu.memory_space<vmem>>[vector<16xi32>], vector<16xf32>,
      %add3A_190 = arith.constant 1 : i32
      %add3A_191 = vector.broadcast %add3A_190 : i32 to vector<16xi32>
      %add3A_192 = arith.addi %mul3A_187, %add3A_191 : vector<16xi32>
      %get3A_193 = arith.index_cast %mul3A_182 : i32 to index
      %get3A_194 = tpu.vector_load %arg15[%get3A_193] {strides = array<i32>} : memref<8192xf32, #tpu.memory_space<vmem>>, vector<16xf32>,
      tpu.vector_store_idx %arg18[%add3A_192], %get3A_194 {add = true} : memref<16384xf32, #tpu.memory_space<vmem>>[vector<16xi32>], vector<16xf32>,
      %add3A_195 = arith.constant 2 : i32
      %add3A_196 = vector.broadcast %add3A_195 : i32 to vector<16xi32>
      %add3A_197 = arith.addi %mul3A_187, %add3A_196 : vector<16xi32>
      %get3A_198 = arith.index_cast %mul3A_182 : i32 to index
      %get3A_199 = tpu.vector_load %arg16[%get3A_198] {strides = array<i32>} : memref<8192xf32, #tpu.memory_space<vmem>>, vector<16xf32>,
      tpu.vector_store_idx %arg18[%add3A_197], %get3A_199 {add = true} : memref<16384xf32, #tpu.memory_space<vmem>>[vector<16xi32>], vector<16xf32>,
      %add3A_200 = arith.constant 3 : i32
      %add3A_201 = vector.broadcast %add3A_200 : i32 to vector<16xi32>
      %add3A_202 = arith.addi %mul3A_187, %add3A_201 : vector<16xi32>
      %get3A_203 = arith.index_cast %mul3A_182 : i32 to index
      %get3A_204 = tpu.vector_load %arg17[%get3A_203] {strides = array<i32>} : memref<8192xf32, #tpu.memory_space<vmem>>, vector<16xf32>,
      tpu.vector_store_idx %arg18[%add3A_202], %get3A_204 {add = true} : memref<16384xf32, #tpu.memory_space<vmem>>[vector<16xi32>], vector<16xf32>,
      %mul3A_205 = arith.constant 4 : i32
      %mul3A_206 = arith.muli %scan3A_121, %mul3A_205 : i32
      %add3A_207 = arith.constant 3 : i32
      %add3A_208 = arith.addi %mul3A_206, %add3A_207 : i32
      %mul3A_209 = arith.constant 16 : i32
      %mul3A_210 = arith.muli %add3A_208, %mul3A_209 : i32
      %get3A_211 = arith.index_cast %mul3A_210 : i32 to index
      %get3A_212 = tpu.vector_load %arg13[%get3A_211] {strides = array<i32>} : memref<8192xi32, #tpu.memory_space<vmem>>, vector<16xi32>,
      %mul3A_213 = arith.constant 4 : i32
      %mul3A_214 = vector.broadcast %mul3A_213 : i32 to vector<16xi32>
      %mul3A_215 = arith.muli %get3A_212, %mul3A_214 : vector<16xi32>
      %get3A_216 = arith.index_cast %mul3A_210 : i32 to index
      %get3A_217 = tpu.vector_load %arg14[%get3A_216] {strides = array<i32>} : memref<8192xf32, #tpu.memory_space<vmem>>, vector<16xf32>,
      tpu.vector_store_idx %arg18[%mul3A_215], %get3A_217 {add = true} : memref<16384xf32, #tpu.memory_space<vmem>>[vector<16xi32>], vector<16xf32>,
      %add3A_218 = arith.constant 1 : i32
      %add3A_219 = vector.broadcast %add3A_218 : i32 to vector<16xi32>
      %add3A_220 = arith.addi %mul3A_215, %add3A_219 : vector<16xi32>
      %get3A_221 = arith.index_cast %mul3A_210 : i32 to index
      %get3A_222 = tpu.vector_load %arg15[%get3A_221] {strides = array<i32>} : memref<8192xf32, #tpu.memory_space<vmem>>, vector<16xf32>,
      tpu.vector_store_idx %arg18[%add3A_220], %get3A_222 {add = true} : memref<16384xf32, #tpu.memory_space<vmem>>[vector<16xi32>], vector<16xf32>,
      %add3A_223 = arith.constant 2 : i32
      %add3A_224 = vector.broadcast %add3A_223 : i32 to vector<16xi32>
      %add3A_225 = arith.addi %mul3A_215, %add3A_224 : vector<16xi32>
      %get3A_226 = arith.index_cast %mul3A_210 : i32 to index
      %get3A_227 = tpu.vector_load %arg16[%get3A_226] {strides = array<i32>} : memref<8192xf32, #tpu.memory_space<vmem>>, vector<16xf32>,
      tpu.vector_store_idx %arg18[%add3A_225], %get3A_227 {add = true} : memref<16384xf32, #tpu.memory_space<vmem>>[vector<16xi32>], vector<16xf32>,
      %add3A_228 = arith.constant 3 : i32
      %add3A_229 = vector.broadcast %add3A_228 : i32 to vector<16xi32>
      %add3A_230 = arith.addi %mul3A_215, %add3A_229 : vector<16xi32>
      %get3A_231 = arith.index_cast %mul3A_210 : i32 to index
      %get3A_232 = tpu.vector_load %arg17[%get3A_231] {strides = array<i32>} : memref<8192xf32, #tpu.memory_space<vmem>>, vector<16xf32>,
      tpu.vector_store_idx %arg18[%add3A_230], %get3A_232 {add = true} : memref<16384xf32, #tpu.memory_space<vmem>>[vector<16xi32>], vector<16xf32>,
    }
    %scan3A_118 = arith.constant 128 : i32
    %mul3A_119 = arith.constant 16384 : i32
    %mul3A_120 = arith.muli %add3A, %mul3A_119 : i32
    "tpu.region"() ({
      %run_scoped3A = tpu.sem_alloc : memref<!tpu.dma_semaphore, #tpu.memory_space<semaphore_mem>>
      %dma_start3A_121 = tpu.memref_slice %arg7[%mul3A_120] : memref<524288xf32, #tpu.memory_space<hbm>> -> memref<16384xf32, #tpu.memory_space<hbm>>
      %dma_start3A_122 = tpu.memref_slice %arg7[%mul3A_120] : memref<524288xf32, #tpu.memory_space<hbm>> -> memref<16384xf32, #tpu.memory_space<hbm>>
      tpu.enqueue_dma source(%arg18 : memref<16384xf32, #tpu.memory_space<vmem>>) target(%dma_start3A_122 : memref<16384xf32, #tpu.memory_space<hbm>>) target_semaphore(%run_scoped3A : memref<!tpu.dma_semaphore, #tpu.memory_space<semaphore_mem>>)
      %dma_wait3A_123 = tpu.memref_slice %arg7[%mul3A_120] : memref<524288xf32, #tpu.memory_space<hbm>> -> memref<16384xf32, #tpu.memory_space<hbm>>
      %dma_wait3A_124 = tpu.memref_slice %arg7[%mul3A_120] : memref<524288xf32, #tpu.memory_space<hbm>> -> memref<16384xf32, #tpu.memory_space<hbm>>
      tpu.wait_dma2 semaphore(%run_scoped3A : memref<!tpu.dma_semaphore, #tpu.memory_space<semaphore_mem>>) src(%arg18 : memref<16384xf32, #tpu.memory_space<vmem>>) dst(%dma_wait3A_124 : memref<16384xf32, #tpu.memory_space<hbm>>)
      tpu.yield
    }) : () -> ()
    return
  }
}

module attributes {stable_mosaic.version = 14 : i64} {
  func.func @_stage1_body(%arg0: i32, %arg1: memref<16xf32, #tpu.memory_space<smem>>, %arg2: memref<64x1024xf32, #tpu.memory_space<vmem>>, %arg3: memref<64x1024xf32, #tpu.memory_space<vmem>>, %arg4: memref<64x1024xf32, #tpu.memory_space<vmem>>, %arg5: memref<64x1024xf32, #tpu.memory_space<vmem>>, %arg6: memref<64x1024xf32, #tpu.memory_space<vmem>>, %arg7: memref<64x1024xf32, #tpu.memory_space<vmem>>, %arg8: memref<64x1024xf32, #tpu.memory_space<vmem>>, %arg9: memref<64x1024xf32, #tpu.memory_space<vmem>>, %arg10: memref<64x1024xf32, #tpu.memory_space<vmem>>, %arg11: memref<64x1024xf32, #tpu.memory_space<vmem>>, %arg12: memref<64x1024xf32, #tpu.memory_space<vmem>>, %arg13: memref<64x1024xf32, #tpu.memory_space<vmem>>, %arg14: memref<64x1024xf32, #tpu.memory_space<vmem>>, %arg15: memref<64x1024xf32, #tpu.memory_space<vmem>>, %arg16: memref<64x1024xi32, #tpu.memory_space<vmem>>, %arg17: memref<64x1024xf32, #tpu.memory_space<vmem>>, %arg18: memref<64x1024xf32, #tpu.memory_space<vmem>>, %arg19: memref<64x1024xf32, #tpu.memory_space<vmem>>, %arg20: memref<64x1024xf32, #tpu.memory_space<vmem>>) attributes {dimension_semantics = [#tpu.dimension_semantics<arbitrary>], iteration_bounds = array<i64: 16>, scalar_prefetch = 0 : i64, scratch_operands = 0 : i64, tpu.core_type = #tpu.core_type<tc>, window_params = [{transform_indices = @transform_0, window_bounds = array<i64: 16>}, {transform_indices = @transform_1, window_bounds = array<i64: 64, 1024>}, {transform_indices = @transform_2, window_bounds = array<i64: 64, 1024>}, {transform_indices = @transform_3, window_bounds = array<i64: 64, 1024>}, {transform_indices = @transform_4, window_bounds = array<i64: 64, 1024>}, {transform_indices = @transform_5, window_bounds = array<i64: 64, 1024>}, {transform_indices = @transform_6, window_bounds = array<i64: 64, 1024>}, {transform_indices = @transform_7, window_bounds = array<i64: 64, 1024>}, {transform_indices = @transform_8, window_bounds = array<i64: 64, 1024>}, {transform_indices = @transform_9, window_bounds = array<i64: 64, 1024>}, {transform_indices = @transform_10, window_bounds = array<i64: 64, 1024>}, {transform_indices = @transform_11, window_bounds = array<i64: 64, 1024>}, {transform_indices = @transform_12, window_bounds = array<i64: 64, 1024>}, {transform_indices = @transform_13, window_bounds = array<i64: 64, 1024>}, {transform_indices = @transform_14, window_bounds = array<i64: 64, 1024>}, {transform_indices = @transform_15, window_bounds = array<i64: 64, 1024>}, {transform_indices = @transform_16, window_bounds = array<i64: 64, 1024>}, {transform_indices = @transform_17, window_bounds = array<i64: 64, 1024>}, {transform_indices = @transform_18, window_bounds = array<i64: 64, 1024>}, {transform_indices = @transform_19, window_bounds = array<i64: 64, 1024>}]} {
    %get3A = arith.constant 0 : index
    %get3A_0 = memref.load %arg1[%get3A] : memref<16xf32, #tpu.memory_space<smem>>
    %get3A_1 = arith.constant 1 : index
    %get3A_2 = memref.load %arg1[%get3A_1] : memref<16xf32, #tpu.memory_space<smem>>
    %get3A_3 = arith.constant 2 : index
    %get3A_4 = memref.load %arg1[%get3A_3] : memref<16xf32, #tpu.memory_space<smem>>
    %get3A_5 = arith.constant 4 : index
    %get3A_6 = memref.load %arg1[%get3A_5] : memref<16xf32, #tpu.memory_space<smem>>
    %get3A_7 = arith.constant 5 : index
    %get3A_8 = memref.load %arg1[%get3A_7] : memref<16xf32, #tpu.memory_space<smem>>
    %get3A_9 = arith.constant 6 : index
    %get3A_10 = memref.load %arg1[%get3A_9] : memref<16xf32, #tpu.memory_space<smem>>
    %get3A_11 = arith.constant 8 : index
    %get3A_12 = memref.load %arg1[%get3A_11] : memref<16xf32, #tpu.memory_space<smem>>
    %get3A_13 = arith.constant 9 : index
    %get3A_14 = memref.load %arg1[%get3A_13] : memref<16xf32, #tpu.memory_space<smem>>
    %get3A_15 = arith.constant 10 : index
    %get3A_16 = memref.load %arg1[%get3A_15] : memref<16xf32, #tpu.memory_space<smem>>
    %get3A_17 = arith.constant 3 : index
    %get3A_18 = memref.load %arg1[%get3A_17] : memref<16xf32, #tpu.memory_space<smem>>
    %get3A_19 = arith.constant 7 : index
    %get3A_20 = memref.load %arg1[%get3A_19] : memref<16xf32, #tpu.memory_space<smem>>
    %get3A_21 = arith.constant 11 : index
    %get3A_22 = memref.load %arg1[%get3A_21] : memref<16xf32, #tpu.memory_space<smem>>
    %get3A_23 = arith.constant 0 : index
    %get3A_24 = arith.constant 0 : index
    %get3A_25 = vector.load %arg2[%get3A_23, %get3A_24] : memref<64x1024xf32, #tpu.memory_space<vmem>>, vector<64x1024xf32>
    %sub3A = vector.broadcast %get3A_18 : f32 to vector<64x1024xf32>
    %sub3A_26 = arith.subf %get3A_25, %sub3A : vector<64x1024xf32>
    %bitcast_convert_type3A = tpu.bitcast %sub3A_26 : vector<64x1024xf32> -> vector<64x1024xi32>
    %shift_right_logical3A = arith.constant 16 : i32
    %shift_right_logical3A_27 = vector.broadcast %shift_right_logical3A : i32 to vector<64x1024xi32>
    %shift_right_logical3A_28 = arith.shrui %bitcast_convert_type3A, %shift_right_logical3A_27 : vector<64x1024xi32>
    %and3A = arith.constant 1 : i32
    %and3A_29 = vector.broadcast %and3A : i32 to vector<64x1024xi32>
    %and3A_30 = arith.andi %shift_right_logical3A_28, %and3A_29 : vector<64x1024xi32>
    %add3A = arith.constant 32767 : i32
    %add3A_31 = vector.broadcast %add3A : i32 to vector<64x1024xi32>
    %add3A_32 = arith.addi %bitcast_convert_type3A, %add3A_31 : vector<64x1024xi32>
    %add3A_33 = arith.addi %add3A_32, %and3A_30 : vector<64x1024xi32>
    %and3A_34 = arith.constant -65536 : i32
    %and3A_35 = vector.broadcast %and3A_34 : i32 to vector<64x1024xi32>
    %and3A_36 = arith.andi %add3A_33, %and3A_35 : vector<64x1024xi32>
    %bitcast_convert_type3A_37 = tpu.bitcast %and3A_36 : vector<64x1024xi32> -> vector<64x1024xf32>
    %get3A_38 = arith.constant 0 : index
    %get3A_39 = arith.constant 0 : index
    %get3A_40 = vector.load %arg3[%get3A_38, %get3A_39] : memref<64x1024xf32, #tpu.memory_space<vmem>>, vector<64x1024xf32>
    %sub3A_41 = vector.broadcast %get3A_20 : f32 to vector<64x1024xf32>
    %sub3A_42 = arith.subf %get3A_40, %sub3A_41 : vector<64x1024xf32>
    %bitcast_convert_type3A_43 = tpu.bitcast %sub3A_42 : vector<64x1024xf32> -> vector<64x1024xi32>
    %shift_right_logical3A_44 = arith.constant 16 : i32
    %shift_right_logical3A_45 = vector.broadcast %shift_right_logical3A_44 : i32 to vector<64x1024xi32>
    %shift_right_logical3A_46 = arith.shrui %bitcast_convert_type3A_43, %shift_right_logical3A_45 : vector<64x1024xi32>
    %and3A_47 = arith.constant 1 : i32
    %and3A_48 = vector.broadcast %and3A_47 : i32 to vector<64x1024xi32>
    %and3A_49 = arith.andi %shift_right_logical3A_46, %and3A_48 : vector<64x1024xi32>
    %add3A_50 = arith.constant 32767 : i32
    %add3A_51 = vector.broadcast %add3A_50 : i32 to vector<64x1024xi32>
    %add3A_52 = arith.addi %bitcast_convert_type3A_43, %add3A_51 : vector<64x1024xi32>
    %add3A_53 = arith.addi %add3A_52, %and3A_49 : vector<64x1024xi32>
    %and3A_54 = arith.constant -65536 : i32
    %and3A_55 = vector.broadcast %and3A_54 : i32 to vector<64x1024xi32>
    %and3A_56 = arith.andi %add3A_53, %and3A_55 : vector<64x1024xi32>
    %bitcast_convert_type3A_57 = tpu.bitcast %and3A_56 : vector<64x1024xi32> -> vector<64x1024xf32>
    %get3A_58 = arith.constant 0 : index
    %get3A_59 = arith.constant 0 : index
    %get3A_60 = vector.load %arg4[%get3A_58, %get3A_59] : memref<64x1024xf32, #tpu.memory_space<vmem>>, vector<64x1024xf32>
    %sub3A_61 = vector.broadcast %get3A_22 : f32 to vector<64x1024xf32>
    %sub3A_62 = arith.subf %get3A_60, %sub3A_61 : vector<64x1024xf32>
    %bitcast_convert_type3A_63 = tpu.bitcast %sub3A_62 : vector<64x1024xf32> -> vector<64x1024xi32>
    %shift_right_logical3A_64 = arith.constant 16 : i32
    %shift_right_logical3A_65 = vector.broadcast %shift_right_logical3A_64 : i32 to vector<64x1024xi32>
    %shift_right_logical3A_66 = arith.shrui %bitcast_convert_type3A_63, %shift_right_logical3A_65 : vector<64x1024xi32>
    %and3A_67 = arith.constant 1 : i32
    %and3A_68 = vector.broadcast %and3A_67 : i32 to vector<64x1024xi32>
    %and3A_69 = arith.andi %shift_right_logical3A_66, %and3A_68 : vector<64x1024xi32>
    %add3A_70 = arith.constant 32767 : i32
    %add3A_71 = vector.broadcast %add3A_70 : i32 to vector<64x1024xi32>
    %add3A_72 = arith.addi %bitcast_convert_type3A_63, %add3A_71 : vector<64x1024xi32>
    %add3A_73 = arith.addi %add3A_72, %and3A_69 : vector<64x1024xi32>
    %and3A_74 = arith.constant -65536 : i32
    %and3A_75 = vector.broadcast %and3A_74 : i32 to vector<64x1024xi32>
    %and3A_76 = arith.andi %add3A_73, %and3A_75 : vector<64x1024xi32>
    %bitcast_convert_type3A_77 = tpu.bitcast %and3A_76 : vector<64x1024xi32> -> vector<64x1024xf32>
    %mul3A = vector.broadcast %get3A_0 : f32 to vector<64x1024xf32>
    %mul3A_78 = arith.mulf %bitcast_convert_type3A_37, %mul3A : vector<64x1024xf32>
    %mul3A_79 = vector.broadcast %get3A_6 : f32 to vector<64x1024xf32>
    %mul3A_80 = arith.mulf %bitcast_convert_type3A_57, %mul3A_79 : vector<64x1024xf32>
    %add3A_81 = arith.addf %mul3A_78, %mul3A_80 : vector<64x1024xf32>
    %mul3A_82 = vector.broadcast %get3A_12 : f32 to vector<64x1024xf32>
    %mul3A_83 = arith.mulf %bitcast_convert_type3A_77, %mul3A_82 : vector<64x1024xf32>
    %add3A_84 = arith.addf %add3A_81, %mul3A_83 : vector<64x1024xf32>
    %mul3A_85 = vector.broadcast %get3A_2 : f32 to vector<64x1024xf32>
    %mul3A_86 = arith.mulf %bitcast_convert_type3A_37, %mul3A_85 : vector<64x1024xf32>
    %mul3A_87 = vector.broadcast %get3A_8 : f32 to vector<64x1024xf32>
    %mul3A_88 = arith.mulf %bitcast_convert_type3A_57, %mul3A_87 : vector<64x1024xf32>
    %add3A_89 = arith.addf %mul3A_86, %mul3A_88 : vector<64x1024xf32>
    %mul3A_90 = vector.broadcast %get3A_14 : f32 to vector<64x1024xf32>
    %mul3A_91 = arith.mulf %bitcast_convert_type3A_77, %mul3A_90 : vector<64x1024xf32>
    %add3A_92 = arith.addf %add3A_89, %mul3A_91 : vector<64x1024xf32>
    %mul3A_93 = vector.broadcast %get3A_4 : f32 to vector<64x1024xf32>
    %mul3A_94 = arith.mulf %bitcast_convert_type3A_37, %mul3A_93 : vector<64x1024xf32>
    %mul3A_95 = vector.broadcast %get3A_10 : f32 to vector<64x1024xf32>
    %mul3A_96 = arith.mulf %bitcast_convert_type3A_57, %mul3A_95 : vector<64x1024xf32>
    %add3A_97 = arith.addf %mul3A_94, %mul3A_96 : vector<64x1024xf32>
    %mul3A_98 = vector.broadcast %get3A_16 : f32 to vector<64x1024xf32>
    %mul3A_99 = arith.mulf %bitcast_convert_type3A_77, %mul3A_98 : vector<64x1024xf32>
    %add3A_100 = arith.addf %add3A_97, %mul3A_99 : vector<64x1024xf32>
    %gt3A = arith.constant 1.000000e-01 : f32
    %gt3A_101 = vector.broadcast %gt3A : f32 to vector<64x1024xf32>
    %gt3A_102 = arith.cmpf ogt, %add3A_100, %gt3A_101 : vector<64x1024xf32>
    %lt3A = arith.constant 1.000000e+02 : f32
    %lt3A_103 = vector.broadcast %lt3A : f32 to vector<64x1024xf32>
    %lt3A_104 = arith.cmpf olt, %add3A_100, %lt3A_103 : vector<64x1024xf32>
    %and3A_105 = arith.andi %gt3A_102, %lt3A_104 : vector<64x1024xi1>
    %broadcast_in_dim3A = arith.constant 1.000000e+00 : f32
    %broadcast_in_dim3A_106 = vector.broadcast %broadcast_in_dim3A : f32 to vector<64x1024xf32>
    %select_n3A = arith.select %and3A_105, %add3A_100, %broadcast_in_dim3A_106 : vector<64x1024xi1>, vector<64x1024xf32>
    %div3A = arith.divf %add3A_84, %select_n3A : vector<64x1024xf32>
    %div3A_107 = arith.divf %add3A_92, %select_n3A : vector<64x1024xf32>
    %div3A_108 = arith.divf %broadcast_in_dim3A_106, %select_n3A : vector<64x1024xf32>
    %mul3A_109 = arith.mulf %div3A_108, %div3A_108 : vector<64x1024xf32>
    %bitcast_convert_type3A_110 = tpu.bitcast %div3A_108 : vector<64x1024xf32> -> vector<64x1024xi32>
    %shift_right_logical3A_111 = arith.constant 16 : i32
    %shift_right_logical3A_112 = vector.broadcast %shift_right_logical3A_111 : i32 to vector<64x1024xi32>
    %shift_right_logical3A_113 = arith.shrui %bitcast_convert_type3A_110, %shift_right_logical3A_112 : vector<64x1024xi32>
    %and3A_114 = arith.constant 1 : i32
    %and3A_115 = vector.broadcast %and3A_114 : i32 to vector<64x1024xi32>
    %and3A_116 = arith.andi %shift_right_logical3A_113, %and3A_115 : vector<64x1024xi32>
    %add3A_117 = arith.constant 32767 : i32
    %add3A_118 = vector.broadcast %add3A_117 : i32 to vector<64x1024xi32>
    %add3A_119 = arith.addi %bitcast_convert_type3A_110, %add3A_118 : vector<64x1024xi32>
    %add3A_120 = arith.addi %add3A_119, %and3A_116 : vector<64x1024xi32>
    %and3A_121 = arith.constant -65536 : i32
    %and3A_122 = vector.broadcast %and3A_121 : i32 to vector<64x1024xi32>
    %and3A_123 = arith.andi %add3A_120, %and3A_122 : vector<64x1024xi32>
    %bitcast_convert_type3A_124 = tpu.bitcast %and3A_123 : vector<64x1024xi32> -> vector<64x1024xf32>
    %neg3A = arith.constant 0.000000e+00 : f32
    %neg3A_125 = vector.broadcast %neg3A : f32 to vector<64x1024xf32>
    %neg3A_126 = arith.subf %neg3A_125, %add3A_84 : vector<64x1024xf32>
    %mul3A_127 = arith.mulf %neg3A_126, %mul3A_109 : vector<64x1024xf32>
    %bitcast_convert_type3A_128 = tpu.bitcast %mul3A_127 : vector<64x1024xf32> -> vector<64x1024xi32>
    %shift_right_logical3A_129 = arith.constant 16 : i32
    %shift_right_logical3A_130 = vector.broadcast %shift_right_logical3A_129 : i32 to vector<64x1024xi32>
    %shift_right_logical3A_131 = arith.shrui %bitcast_convert_type3A_128, %shift_right_logical3A_130 : vector<64x1024xi32>
    %and3A_132 = arith.constant 1 : i32
    %and3A_133 = vector.broadcast %and3A_132 : i32 to vector<64x1024xi32>
    %and3A_134 = arith.andi %shift_right_logical3A_131, %and3A_133 : vector<64x1024xi32>
    %add3A_135 = arith.constant 32767 : i32
    %add3A_136 = vector.broadcast %add3A_135 : i32 to vector<64x1024xi32>
    %add3A_137 = arith.addi %bitcast_convert_type3A_128, %add3A_136 : vector<64x1024xi32>
    %add3A_138 = arith.addi %add3A_137, %and3A_134 : vector<64x1024xi32>
    %and3A_139 = arith.constant -65536 : i32
    %and3A_140 = vector.broadcast %and3A_139 : i32 to vector<64x1024xi32>
    %and3A_141 = arith.andi %add3A_138, %and3A_140 : vector<64x1024xi32>
    %bitcast_convert_type3A_142 = tpu.bitcast %and3A_141 : vector<64x1024xi32> -> vector<64x1024xf32>
    %neg3A_143 = arith.constant 0.000000e+00 : f32
    %neg3A_144 = vector.broadcast %neg3A_143 : f32 to vector<64x1024xf32>
    %neg3A_145 = arith.subf %neg3A_144, %add3A_92 : vector<64x1024xf32>
    %mul3A_146 = arith.mulf %neg3A_145, %mul3A_109 : vector<64x1024xf32>
    %bitcast_convert_type3A_147 = tpu.bitcast %mul3A_146 : vector<64x1024xf32> -> vector<64x1024xi32>
    %shift_right_logical3A_148 = arith.constant 16 : i32
    %shift_right_logical3A_149 = vector.broadcast %shift_right_logical3A_148 : i32 to vector<64x1024xi32>
    %shift_right_logical3A_150 = arith.shrui %bitcast_convert_type3A_147, %shift_right_logical3A_149 : vector<64x1024xi32>
    %and3A_151 = arith.constant 1 : i32
    %and3A_152 = vector.broadcast %and3A_151 : i32 to vector<64x1024xi32>
    %and3A_153 = arith.andi %shift_right_logical3A_150, %and3A_152 : vector<64x1024xi32>
    %add3A_154 = arith.constant 32767 : i32
    %add3A_155 = vector.broadcast %add3A_154 : i32 to vector<64x1024xi32>
    %add3A_156 = arith.addi %bitcast_convert_type3A_147, %add3A_155 : vector<64x1024xi32>
    %add3A_157 = arith.addi %add3A_156, %and3A_153 : vector<64x1024xi32>
    %and3A_158 = arith.constant -65536 : i32
    %and3A_159 = vector.broadcast %and3A_158 : i32 to vector<64x1024xi32>
    %and3A_160 = arith.andi %add3A_157, %and3A_159 : vector<64x1024xi32>
    %bitcast_convert_type3A_161 = tpu.bitcast %and3A_160 : vector<64x1024xi32> -> vector<64x1024xf32>
    %mul3A_162 = vector.broadcast %get3A_0 : f32 to vector<64x1024xf32>
    %mul3A_163 = arith.mulf %bitcast_convert_type3A_124, %mul3A_162 : vector<64x1024xf32>
    %mul3A_164 = vector.broadcast %get3A_4 : f32 to vector<64x1024xf32>
    %mul3A_165 = arith.mulf %bitcast_convert_type3A_142, %mul3A_164 : vector<64x1024xf32>
    %add3A_166 = arith.addf %mul3A_163, %mul3A_165 : vector<64x1024xf32>
    %bitcast_convert_type3A_167 = tpu.bitcast %add3A_166 : vector<64x1024xf32> -> vector<64x1024xi32>
    %shift_right_logical3A_168 = arith.constant 16 : i32
    %shift_right_logical3A_169 = vector.broadcast %shift_right_logical3A_168 : i32 to vector<64x1024xi32>
    %shift_right_logical3A_170 = arith.shrui %bitcast_convert_type3A_167, %shift_right_logical3A_169 : vector<64x1024xi32>
    %and3A_171 = arith.constant 1 : i32
    %and3A_172 = vector.broadcast %and3A_171 : i32 to vector<64x1024xi32>
    %and3A_173 = arith.andi %shift_right_logical3A_170, %and3A_172 : vector<64x1024xi32>
    %add3A_174 = arith.constant 32767 : i32
    %add3A_175 = vector.broadcast %add3A_174 : i32 to vector<64x1024xi32>
    %add3A_176 = arith.addi %bitcast_convert_type3A_167, %add3A_175 : vector<64x1024xi32>
    %add3A_177 = arith.addi %add3A_176, %and3A_173 : vector<64x1024xi32>
    %and3A_178 = arith.constant -65536 : i32
    %and3A_179 = vector.broadcast %and3A_178 : i32 to vector<64x1024xi32>
    %and3A_180 = arith.andi %add3A_177, %and3A_179 : vector<64x1024xi32>
    %bitcast_convert_type3A_181 = tpu.bitcast %and3A_180 : vector<64x1024xi32> -> vector<64x1024xf32>
    %mul3A_182 = vector.broadcast %get3A_6 : f32 to vector<64x1024xf32>
    %mul3A_183 = arith.mulf %bitcast_convert_type3A_124, %mul3A_182 : vector<64x1024xf32>
    %mul3A_184 = vector.broadcast %get3A_10 : f32 to vector<64x1024xf32>
    %mul3A_185 = arith.mulf %bitcast_convert_type3A_142, %mul3A_184 : vector<64x1024xf32>
    %add3A_186 = arith.addf %mul3A_183, %mul3A_185 : vector<64x1024xf32>
    %bitcast_convert_type3A_187 = tpu.bitcast %add3A_186 : vector<64x1024xf32> -> vector<64x1024xi32>
    %shift_right_logical3A_188 = arith.constant 16 : i32
    %shift_right_logical3A_189 = vector.broadcast %shift_right_logical3A_188 : i32 to vector<64x1024xi32>
    %shift_right_logical3A_190 = arith.shrui %bitcast_convert_type3A_187, %shift_right_logical3A_189 : vector<64x1024xi32>
    %and3A_191 = arith.constant 1 : i32
    %and3A_192 = vector.broadcast %and3A_191 : i32 to vector<64x1024xi32>
    %and3A_193 = arith.andi %shift_right_logical3A_190, %and3A_192 : vector<64x1024xi32>
    %add3A_194 = arith.constant 32767 : i32
    %add3A_195 = vector.broadcast %add3A_194 : i32 to vector<64x1024xi32>
    %add3A_196 = arith.addi %bitcast_convert_type3A_187, %add3A_195 : vector<64x1024xi32>
    %add3A_197 = arith.addi %add3A_196, %and3A_193 : vector<64x1024xi32>
    %and3A_198 = arith.constant -65536 : i32
    %and3A_199 = vector.broadcast %and3A_198 : i32 to vector<64x1024xi32>
    %and3A_200 = arith.andi %add3A_197, %and3A_199 : vector<64x1024xi32>
    %bitcast_convert_type3A_201 = tpu.bitcast %and3A_200 : vector<64x1024xi32> -> vector<64x1024xf32>
    %mul3A_202 = vector.broadcast %get3A_12 : f32 to vector<64x1024xf32>
    %mul3A_203 = arith.mulf %bitcast_convert_type3A_124, %mul3A_202 : vector<64x1024xf32>
    %mul3A_204 = vector.broadcast %get3A_16 : f32 to vector<64x1024xf32>
    %mul3A_205 = arith.mulf %bitcast_convert_type3A_142, %mul3A_204 : vector<64x1024xf32>
    %add3A_206 = arith.addf %mul3A_203, %mul3A_205 : vector<64x1024xf32>
    %bitcast_convert_type3A_207 = tpu.bitcast %add3A_206 : vector<64x1024xf32> -> vector<64x1024xi32>
    %shift_right_logical3A_208 = arith.constant 16 : i32
    %shift_right_logical3A_209 = vector.broadcast %shift_right_logical3A_208 : i32 to vector<64x1024xi32>
    %shift_right_logical3A_210 = arith.shrui %bitcast_convert_type3A_207, %shift_right_logical3A_209 : vector<64x1024xi32>
    %and3A_211 = arith.constant 1 : i32
    %and3A_212 = vector.broadcast %and3A_211 : i32 to vector<64x1024xi32>
    %and3A_213 = arith.andi %shift_right_logical3A_210, %and3A_212 : vector<64x1024xi32>
    %add3A_214 = arith.constant 32767 : i32
    %add3A_215 = vector.broadcast %add3A_214 : i32 to vector<64x1024xi32>
    %add3A_216 = arith.addi %bitcast_convert_type3A_207, %add3A_215 : vector<64x1024xi32>
    %add3A_217 = arith.addi %add3A_216, %and3A_213 : vector<64x1024xi32>
    %and3A_218 = arith.constant -65536 : i32
    %and3A_219 = vector.broadcast %and3A_218 : i32 to vector<64x1024xi32>
    %and3A_220 = arith.andi %add3A_217, %and3A_219 : vector<64x1024xi32>
    %bitcast_convert_type3A_221 = tpu.bitcast %and3A_220 : vector<64x1024xi32> -> vector<64x1024xf32>
    %mul3A_222 = vector.broadcast %get3A_2 : f32 to vector<64x1024xf32>
    %mul3A_223 = arith.mulf %bitcast_convert_type3A_124, %mul3A_222 : vector<64x1024xf32>
    %mul3A_224 = vector.broadcast %get3A_4 : f32 to vector<64x1024xf32>
    %mul3A_225 = arith.mulf %bitcast_convert_type3A_161, %mul3A_224 : vector<64x1024xf32>
    %add3A_226 = arith.addf %mul3A_223, %mul3A_225 : vector<64x1024xf32>
    %bitcast_convert_type3A_227 = tpu.bitcast %add3A_226 : vector<64x1024xf32> -> vector<64x1024xi32>
    %shift_right_logical3A_228 = arith.constant 16 : i32
    %shift_right_logical3A_229 = vector.broadcast %shift_right_logical3A_228 : i32 to vector<64x1024xi32>
    %shift_right_logical3A_230 = arith.shrui %bitcast_convert_type3A_227, %shift_right_logical3A_229 : vector<64x1024xi32>
    %and3A_231 = arith.constant 1 : i32
    %and3A_232 = vector.broadcast %and3A_231 : i32 to vector<64x1024xi32>
    %and3A_233 = arith.andi %shift_right_logical3A_230, %and3A_232 : vector<64x1024xi32>
    %add3A_234 = arith.constant 32767 : i32
    %add3A_235 = vector.broadcast %add3A_234 : i32 to vector<64x1024xi32>
    %add3A_236 = arith.addi %bitcast_convert_type3A_227, %add3A_235 : vector<64x1024xi32>
    %add3A_237 = arith.addi %add3A_236, %and3A_233 : vector<64x1024xi32>
    %and3A_238 = arith.constant -65536 : i32
    %and3A_239 = vector.broadcast %and3A_238 : i32 to vector<64x1024xi32>
    %and3A_240 = arith.andi %add3A_237, %and3A_239 : vector<64x1024xi32>
    %bitcast_convert_type3A_241 = tpu.bitcast %and3A_240 : vector<64x1024xi32> -> vector<64x1024xf32>
    %mul3A_242 = vector.broadcast %get3A_8 : f32 to vector<64x1024xf32>
    %mul3A_243 = arith.mulf %bitcast_convert_type3A_124, %mul3A_242 : vector<64x1024xf32>
    %mul3A_244 = vector.broadcast %get3A_10 : f32 to vector<64x1024xf32>
    %mul3A_245 = arith.mulf %bitcast_convert_type3A_161, %mul3A_244 : vector<64x1024xf32>
    %add3A_246 = arith.addf %mul3A_243, %mul3A_245 : vector<64x1024xf32>
    %bitcast_convert_type3A_247 = tpu.bitcast %add3A_246 : vector<64x1024xf32> -> vector<64x1024xi32>
    %shift_right_logical3A_248 = arith.constant 16 : i32
    %shift_right_logical3A_249 = vector.broadcast %shift_right_logical3A_248 : i32 to vector<64x1024xi32>
    %shift_right_logical3A_250 = arith.shrui %bitcast_convert_type3A_247, %shift_right_logical3A_249 : vector<64x1024xi32>
    %and3A_251 = arith.constant 1 : i32
    %and3A_252 = vector.broadcast %and3A_251 : i32 to vector<64x1024xi32>
    %and3A_253 = arith.andi %shift_right_logical3A_250, %and3A_252 : vector<64x1024xi32>
    %add3A_254 = arith.constant 32767 : i32
    %add3A_255 = vector.broadcast %add3A_254 : i32 to vector<64x1024xi32>
    %add3A_256 = arith.addi %bitcast_convert_type3A_247, %add3A_255 : vector<64x1024xi32>
    %add3A_257 = arith.addi %add3A_256, %and3A_253 : vector<64x1024xi32>
    %and3A_258 = arith.constant -65536 : i32
    %and3A_259 = vector.broadcast %and3A_258 : i32 to vector<64x1024xi32>
    %and3A_260 = arith.andi %add3A_257, %and3A_259 : vector<64x1024xi32>
    %bitcast_convert_type3A_261 = tpu.bitcast %and3A_260 : vector<64x1024xi32> -> vector<64x1024xf32>
    %mul3A_262 = vector.broadcast %get3A_14 : f32 to vector<64x1024xf32>
    %mul3A_263 = arith.mulf %bitcast_convert_type3A_124, %mul3A_262 : vector<64x1024xf32>
    %mul3A_264 = vector.broadcast %get3A_16 : f32 to vector<64x1024xf32>
    %mul3A_265 = arith.mulf %bitcast_convert_type3A_161, %mul3A_264 : vector<64x1024xf32>
    %add3A_266 = arith.addf %mul3A_263, %mul3A_265 : vector<64x1024xf32>
    %bitcast_convert_type3A_267 = tpu.bitcast %add3A_266 : vector<64x1024xf32> -> vector<64x1024xi32>
    %shift_right_logical3A_268 = arith.constant 16 : i32
    %shift_right_logical3A_269 = vector.broadcast %shift_right_logical3A_268 : i32 to vector<64x1024xi32>
    %shift_right_logical3A_270 = arith.shrui %bitcast_convert_type3A_267, %shift_right_logical3A_269 : vector<64x1024xi32>
    %and3A_271 = arith.constant 1 : i32
    %and3A_272 = vector.broadcast %and3A_271 : i32 to vector<64x1024xi32>
    %and3A_273 = arith.andi %shift_right_logical3A_270, %and3A_272 : vector<64x1024xi32>
    %add3A_274 = arith.constant 32767 : i32
    %add3A_275 = vector.broadcast %add3A_274 : i32 to vector<64x1024xi32>
    %add3A_276 = arith.addi %bitcast_convert_type3A_267, %add3A_275 : vector<64x1024xi32>
    %add3A_277 = arith.addi %add3A_276, %and3A_273 : vector<64x1024xi32>
    %and3A_278 = arith.constant -65536 : i32
    %and3A_279 = vector.broadcast %and3A_278 : i32 to vector<64x1024xi32>
    %and3A_280 = arith.andi %add3A_277, %and3A_279 : vector<64x1024xi32>
    %bitcast_convert_type3A_281 = tpu.bitcast %and3A_280 : vector<64x1024xi32> -> vector<64x1024xf32>
    %get3A_282 = arith.constant 0 : index
    %get3A_283 = arith.constant 0 : index
    %get3A_284 = vector.load %arg5[%get3A_282, %get3A_283] : memref<64x1024xf32, #tpu.memory_space<vmem>>, vector<64x1024xf32>
    %get3A_285 = arith.constant 0 : index
    %get3A_286 = arith.constant 0 : index
    %get3A_287 = vector.load %arg6[%get3A_285, %get3A_286] : memref<64x1024xf32, #tpu.memory_space<vmem>>, vector<64x1024xf32>
    %get3A_288 = arith.constant 0 : index
    %get3A_289 = arith.constant 0 : index
    %get3A_290 = vector.load %arg7[%get3A_288, %get3A_289] : memref<64x1024xf32, #tpu.memory_space<vmem>>, vector<64x1024xf32>
    %get3A_291 = arith.constant 0 : index
    %get3A_292 = arith.constant 0 : index
    %get3A_293 = vector.load %arg8[%get3A_291, %get3A_292] : memref<64x1024xf32, #tpu.memory_space<vmem>>, vector<64x1024xf32>
    %mul3A_294 = arith.mulf %get3A_284, %get3A_284 : vector<64x1024xf32>
    %mul3A_295 = arith.mulf %get3A_287, %get3A_287 : vector<64x1024xf32>
    %add3A_296 = arith.addf %mul3A_294, %mul3A_295 : vector<64x1024xf32>
    %mul3A_297 = arith.mulf %get3A_290, %get3A_290 : vector<64x1024xf32>
    %add3A_298 = arith.addf %add3A_296, %mul3A_297 : vector<64x1024xf32>
    %mul3A_299 = arith.mulf %get3A_293, %get3A_293 : vector<64x1024xf32>
    %add3A_300 = arith.addf %add3A_298, %mul3A_299 : vector<64x1024xf32>
    %sqrt3A = math.sqrt %add3A_300 : vector<64x1024xf32>
    %div3A_301 = arith.divf %broadcast_in_dim3A_106, %sqrt3A : vector<64x1024xf32>
    %mul3A_302 = arith.mulf %get3A_284, %div3A_301 : vector<64x1024xf32>
    %mul3A_303 = arith.mulf %get3A_287, %div3A_301 : vector<64x1024xf32>
    %mul3A_304 = arith.mulf %get3A_290, %div3A_301 : vector<64x1024xf32>
    %mul3A_305 = arith.mulf %get3A_293, %div3A_301 : vector<64x1024xf32>
    %mul3A_306 = arith.mulf %mul3A_304, %mul3A_304 : vector<64x1024xf32>
    %mul3A_307 = arith.mulf %mul3A_305, %mul3A_305 : vector<64x1024xf32>
    %add3A_308 = arith.addf %mul3A_306, %mul3A_307 : vector<64x1024xf32>
    %mul3A_309 = arith.constant 2.000000e+00 : f32
    %mul3A_310 = vector.broadcast %mul3A_309 : f32 to vector<64x1024xf32>
    %mul3A_311 = arith.mulf %add3A_308, %mul3A_310 : vector<64x1024xf32>
    %sub3A_312 = arith.constant 1.000000e+00 : f32
    %sub3A_313 = vector.broadcast %sub3A_312 : f32 to vector<64x1024xf32>
    %sub3A_314 = arith.subf %sub3A_313, %mul3A_311 : vector<64x1024xf32>
    %mul3A_315 = arith.mulf %mul3A_303, %mul3A_304 : vector<64x1024xf32>
    %mul3A_316 = arith.mulf %mul3A_302, %mul3A_305 : vector<64x1024xf32>
    %sub3A_317 = arith.subf %mul3A_315, %mul3A_316 : vector<64x1024xf32>
    %mul3A_318 = arith.constant 2.000000e+00 : f32
    %mul3A_319 = vector.broadcast %mul3A_318 : f32 to vector<64x1024xf32>
    %mul3A_320 = arith.mulf %sub3A_317, %mul3A_319 : vector<64x1024xf32>
    %mul3A_321 = arith.mulf %mul3A_303, %mul3A_305 : vector<64x1024xf32>
    %mul3A_322 = arith.mulf %mul3A_302, %mul3A_304 : vector<64x1024xf32>
    %add3A_323 = arith.addf %mul3A_321, %mul3A_322 : vector<64x1024xf32>
    %mul3A_324 = arith.constant 2.000000e+00 : f32
    %mul3A_325 = vector.broadcast %mul3A_324 : f32 to vector<64x1024xf32>
    %mul3A_326 = arith.mulf %add3A_323, %mul3A_325 : vector<64x1024xf32>
    %mul3A_327 = arith.mulf %mul3A_303, %mul3A_304 : vector<64x1024xf32>
    %mul3A_328 = arith.mulf %mul3A_302, %mul3A_305 : vector<64x1024xf32>
    %add3A_329 = arith.addf %mul3A_327, %mul3A_328 : vector<64x1024xf32>
    %mul3A_330 = arith.constant 2.000000e+00 : f32
    %mul3A_331 = vector.broadcast %mul3A_330 : f32 to vector<64x1024xf32>
    %mul3A_332 = arith.mulf %add3A_329, %mul3A_331 : vector<64x1024xf32>
    %mul3A_333 = arith.mulf %mul3A_303, %mul3A_303 : vector<64x1024xf32>
    %mul3A_334 = arith.mulf %mul3A_305, %mul3A_305 : vector<64x1024xf32>
    %add3A_335 = arith.addf %mul3A_333, %mul3A_334 : vector<64x1024xf32>
    %mul3A_336 = arith.constant 2.000000e+00 : f32
    %mul3A_337 = vector.broadcast %mul3A_336 : f32 to vector<64x1024xf32>
    %mul3A_338 = arith.mulf %add3A_335, %mul3A_337 : vector<64x1024xf32>
    %sub3A_339 = arith.constant 1.000000e+00 : f32
    %sub3A_340 = vector.broadcast %sub3A_339 : f32 to vector<64x1024xf32>
    %sub3A_341 = arith.subf %sub3A_340, %mul3A_338 : vector<64x1024xf32>
    %mul3A_342 = arith.mulf %mul3A_304, %mul3A_305 : vector<64x1024xf32>
    %mul3A_343 = arith.mulf %mul3A_302, %mul3A_303 : vector<64x1024xf32>
    %sub3A_344 = arith.subf %mul3A_342, %mul3A_343 : vector<64x1024xf32>
    %mul3A_345 = arith.constant 2.000000e+00 : f32
    %mul3A_346 = vector.broadcast %mul3A_345 : f32 to vector<64x1024xf32>
    %mul3A_347 = arith.mulf %sub3A_344, %mul3A_346 : vector<64x1024xf32>
    %mul3A_348 = arith.mulf %mul3A_303, %mul3A_305 : vector<64x1024xf32>
    %mul3A_349 = arith.mulf %mul3A_302, %mul3A_304 : vector<64x1024xf32>
    %sub3A_350 = arith.subf %mul3A_348, %mul3A_349 : vector<64x1024xf32>
    %mul3A_351 = arith.constant 2.000000e+00 : f32
    %mul3A_352 = vector.broadcast %mul3A_351 : f32 to vector<64x1024xf32>
    %mul3A_353 = arith.mulf %sub3A_350, %mul3A_352 : vector<64x1024xf32>
    %mul3A_354 = arith.mulf %mul3A_304, %mul3A_305 : vector<64x1024xf32>
    %mul3A_355 = arith.mulf %mul3A_302, %mul3A_303 : vector<64x1024xf32>
    %add3A_356 = arith.addf %mul3A_354, %mul3A_355 : vector<64x1024xf32>
    %mul3A_357 = arith.constant 2.000000e+00 : f32
    %mul3A_358 = vector.broadcast %mul3A_357 : f32 to vector<64x1024xf32>
    %mul3A_359 = arith.mulf %add3A_356, %mul3A_358 : vector<64x1024xf32>
    %mul3A_360 = arith.mulf %mul3A_303, %mul3A_303 : vector<64x1024xf32>
    %mul3A_361 = arith.mulf %mul3A_304, %mul3A_304 : vector<64x1024xf32>
    %add3A_362 = arith.addf %mul3A_360, %mul3A_361 : vector<64x1024xf32>
    %mul3A_363 = arith.constant 2.000000e+00 : f32
    %mul3A_364 = vector.broadcast %mul3A_363 : f32 to vector<64x1024xf32>
    %mul3A_365 = arith.mulf %add3A_362, %mul3A_364 : vector<64x1024xf32>
    %sub3A_366 = arith.constant 1.000000e+00 : f32
    %sub3A_367 = vector.broadcast %sub3A_366 : f32 to vector<64x1024xf32>
    %sub3A_368 = arith.subf %sub3A_367, %mul3A_365 : vector<64x1024xf32>
    %get3A_369 = arith.constant 0 : index
    %get3A_370 = arith.constant 0 : index
    %get3A_371 = vector.load %arg9[%get3A_369, %get3A_370] : memref<64x1024xf32, #tpu.memory_space<vmem>>, vector<64x1024xf32>
    %exp3A = math.exp %get3A_371 : vector<64x1024xf32>
    %get3A_372 = arith.constant 0 : index
    %get3A_373 = arith.constant 0 : index
    %get3A_374 = vector.load %arg10[%get3A_372, %get3A_373] : memref<64x1024xf32, #tpu.memory_space<vmem>>, vector<64x1024xf32>
    %exp3A_375 = math.exp %get3A_374 : vector<64x1024xf32>
    %get3A_376 = arith.constant 0 : index
    %get3A_377 = arith.constant 0 : index
    %get3A_378 = vector.load %arg11[%get3A_376, %get3A_377] : memref<64x1024xf32, #tpu.memory_space<vmem>>, vector<64x1024xf32>
    %exp3A_379 = math.exp %get3A_378 : vector<64x1024xf32>
    %mul3A_380 = arith.mulf %sub3A_314, %exp3A : vector<64x1024xf32>
    %bitcast_convert_type3A_381 = tpu.bitcast %mul3A_380 : vector<64x1024xf32> -> vector<64x1024xi32>
    %shift_right_logical3A_382 = arith.constant 16 : i32
    %shift_right_logical3A_383 = vector.broadcast %shift_right_logical3A_382 : i32 to vector<64x1024xi32>
    %shift_right_logical3A_384 = arith.shrui %bitcast_convert_type3A_381, %shift_right_logical3A_383 : vector<64x1024xi32>
    %and3A_385 = arith.constant 1 : i32
    %and3A_386 = vector.broadcast %and3A_385 : i32 to vector<64x1024xi32>
    %and3A_387 = arith.andi %shift_right_logical3A_384, %and3A_386 : vector<64x1024xi32>
    %add3A_388 = arith.constant 32767 : i32
    %add3A_389 = vector.broadcast %add3A_388 : i32 to vector<64x1024xi32>
    %add3A_390 = arith.addi %bitcast_convert_type3A_381, %add3A_389 : vector<64x1024xi32>
    %add3A_391 = arith.addi %add3A_390, %and3A_387 : vector<64x1024xi32>
    %and3A_392 = arith.constant -65536 : i32
    %and3A_393 = vector.broadcast %and3A_392 : i32 to vector<64x1024xi32>
    %and3A_394 = arith.andi %add3A_391, %and3A_393 : vector<64x1024xi32>
    %bitcast_convert_type3A_395 = tpu.bitcast %and3A_394 : vector<64x1024xi32> -> vector<64x1024xf32>
    %mul3A_396 = arith.mulf %mul3A_320, %exp3A_375 : vector<64x1024xf32>
    %bitcast_convert_type3A_397 = tpu.bitcast %mul3A_396 : vector<64x1024xf32> -> vector<64x1024xi32>
    %shift_right_logical3A_398 = arith.constant 16 : i32
    %shift_right_logical3A_399 = vector.broadcast %shift_right_logical3A_398 : i32 to vector<64x1024xi32>
    %shift_right_logical3A_400 = arith.shrui %bitcast_convert_type3A_397, %shift_right_logical3A_399 : vector<64x1024xi32>
    %and3A_401 = arith.constant 1 : i32
    %and3A_402 = vector.broadcast %and3A_401 : i32 to vector<64x1024xi32>
    %and3A_403 = arith.andi %shift_right_logical3A_400, %and3A_402 : vector<64x1024xi32>
    %add3A_404 = arith.constant 32767 : i32
    %add3A_405 = vector.broadcast %add3A_404 : i32 to vector<64x1024xi32>
    %add3A_406 = arith.addi %bitcast_convert_type3A_397, %add3A_405 : vector<64x1024xi32>
    %add3A_407 = arith.addi %add3A_406, %and3A_403 : vector<64x1024xi32>
    %and3A_408 = arith.constant -65536 : i32
    %and3A_409 = vector.broadcast %and3A_408 : i32 to vector<64x1024xi32>
    %and3A_410 = arith.andi %add3A_407, %and3A_409 : vector<64x1024xi32>
    %bitcast_convert_type3A_411 = tpu.bitcast %and3A_410 : vector<64x1024xi32> -> vector<64x1024xf32>
    %mul3A_412 = arith.mulf %mul3A_326, %exp3A_379 : vector<64x1024xf32>
    %bitcast_convert_type3A_413 = tpu.bitcast %mul3A_412 : vector<64x1024xf32> -> vector<64x1024xi32>
    %shift_right_logical3A_414 = arith.constant 16 : i32
    %shift_right_logical3A_415 = vector.broadcast %shift_right_logical3A_414 : i32 to vector<64x1024xi32>
    %shift_right_logical3A_416 = arith.shrui %bitcast_convert_type3A_413, %shift_right_logical3A_415 : vector<64x1024xi32>
    %and3A_417 = arith.constant 1 : i32
    %and3A_418 = vector.broadcast %and3A_417 : i32 to vector<64x1024xi32>
    %and3A_419 = arith.andi %shift_right_logical3A_416, %and3A_418 : vector<64x1024xi32>
    %add3A_420 = arith.constant 32767 : i32
    %add3A_421 = vector.broadcast %add3A_420 : i32 to vector<64x1024xi32>
    %add3A_422 = arith.addi %bitcast_convert_type3A_413, %add3A_421 : vector<64x1024xi32>
    %add3A_423 = arith.addi %add3A_422, %and3A_419 : vector<64x1024xi32>
    %and3A_424 = arith.constant -65536 : i32
    %and3A_425 = vector.broadcast %and3A_424 : i32 to vector<64x1024xi32>
    %and3A_426 = arith.andi %add3A_423, %and3A_425 : vector<64x1024xi32>
    %bitcast_convert_type3A_427 = tpu.bitcast %and3A_426 : vector<64x1024xi32> -> vector<64x1024xf32>
    %mul3A_428 = arith.mulf %mul3A_332, %exp3A : vector<64x1024xf32>
    %bitcast_convert_type3A_429 = tpu.bitcast %mul3A_428 : vector<64x1024xf32> -> vector<64x1024xi32>
    %shift_right_logical3A_430 = arith.constant 16 : i32
    %shift_right_logical3A_431 = vector.broadcast %shift_right_logical3A_430 : i32 to vector<64x1024xi32>
    %shift_right_logical3A_432 = arith.shrui %bitcast_convert_type3A_429, %shift_right_logical3A_431 : vector<64x1024xi32>
    %and3A_433 = arith.constant 1 : i32
    %and3A_434 = vector.broadcast %and3A_433 : i32 to vector<64x1024xi32>
    %and3A_435 = arith.andi %shift_right_logical3A_432, %and3A_434 : vector<64x1024xi32>
    %add3A_436 = arith.constant 32767 : i32
    %add3A_437 = vector.broadcast %add3A_436 : i32 to vector<64x1024xi32>
    %add3A_438 = arith.addi %bitcast_convert_type3A_429, %add3A_437 : vector<64x1024xi32>
    %add3A_439 = arith.addi %add3A_438, %and3A_435 : vector<64x1024xi32>
    %and3A_440 = arith.constant -65536 : i32
    %and3A_441 = vector.broadcast %and3A_440 : i32 to vector<64x1024xi32>
    %and3A_442 = arith.andi %add3A_439, %and3A_441 : vector<64x1024xi32>
    %bitcast_convert_type3A_443 = tpu.bitcast %and3A_442 : vector<64x1024xi32> -> vector<64x1024xf32>
    %mul3A_444 = arith.mulf %sub3A_341, %exp3A_375 : vector<64x1024xf32>
    %bitcast_convert_type3A_445 = tpu.bitcast %mul3A_444 : vector<64x1024xf32> -> vector<64x1024xi32>
    %shift_right_logical3A_446 = arith.constant 16 : i32
    %shift_right_logical3A_447 = vector.broadcast %shift_right_logical3A_446 : i32 to vector<64x1024xi32>
    %shift_right_logical3A_448 = arith.shrui %bitcast_convert_type3A_445, %shift_right_logical3A_447 : vector<64x1024xi32>
    %and3A_449 = arith.constant 1 : i32
    %and3A_450 = vector.broadcast %and3A_449 : i32 to vector<64x1024xi32>
    %and3A_451 = arith.andi %shift_right_logical3A_448, %and3A_450 : vector<64x1024xi32>
    %add3A_452 = arith.constant 32767 : i32
    %add3A_453 = vector.broadcast %add3A_452 : i32 to vector<64x1024xi32>
    %add3A_454 = arith.addi %bitcast_convert_type3A_445, %add3A_453 : vector<64x1024xi32>
    %add3A_455 = arith.addi %add3A_454, %and3A_451 : vector<64x1024xi32>
    %and3A_456 = arith.constant -65536 : i32
    %and3A_457 = vector.broadcast %and3A_456 : i32 to vector<64x1024xi32>
    %and3A_458 = arith.andi %add3A_455, %and3A_457 : vector<64x1024xi32>
    %bitcast_convert_type3A_459 = tpu.bitcast %and3A_458 : vector<64x1024xi32> -> vector<64x1024xf32>
    %mul3A_460 = arith.mulf %mul3A_347, %exp3A_379 : vector<64x1024xf32>
    %bitcast_convert_type3A_461 = tpu.bitcast %mul3A_460 : vector<64x1024xf32> -> vector<64x1024xi32>
    %shift_right_logical3A_462 = arith.constant 16 : i32
    %shift_right_logical3A_463 = vector.broadcast %shift_right_logical3A_462 : i32 to vector<64x1024xi32>
    %shift_right_logical3A_464 = arith.shrui %bitcast_convert_type3A_461, %shift_right_logical3A_463 : vector<64x1024xi32>
    %and3A_465 = arith.constant 1 : i32
    %and3A_466 = vector.broadcast %and3A_465 : i32 to vector<64x1024xi32>
    %and3A_467 = arith.andi %shift_right_logical3A_464, %and3A_466 : vector<64x1024xi32>
    %add3A_468 = arith.constant 32767 : i32
    %add3A_469 = vector.broadcast %add3A_468 : i32 to vector<64x1024xi32>
    %add3A_470 = arith.addi %bitcast_convert_type3A_461, %add3A_469 : vector<64x1024xi32>
    %add3A_471 = arith.addi %add3A_470, %and3A_467 : vector<64x1024xi32>
    %and3A_472 = arith.constant -65536 : i32
    %and3A_473 = vector.broadcast %and3A_472 : i32 to vector<64x1024xi32>
    %and3A_474 = arith.andi %add3A_471, %and3A_473 : vector<64x1024xi32>
    %bitcast_convert_type3A_475 = tpu.bitcast %and3A_474 : vector<64x1024xi32> -> vector<64x1024xf32>
    %mul3A_476 = arith.mulf %mul3A_353, %exp3A : vector<64x1024xf32>
    %bitcast_convert_type3A_477 = tpu.bitcast %mul3A_476 : vector<64x1024xf32> -> vector<64x1024xi32>
    %shift_right_logical3A_478 = arith.constant 16 : i32
    %shift_right_logical3A_479 = vector.broadcast %shift_right_logical3A_478 : i32 to vector<64x1024xi32>
    %shift_right_logical3A_480 = arith.shrui %bitcast_convert_type3A_477, %shift_right_logical3A_479 : vector<64x1024xi32>
    %and3A_481 = arith.constant 1 : i32
    %and3A_482 = vector.broadcast %and3A_481 : i32 to vector<64x1024xi32>
    %and3A_483 = arith.andi %shift_right_logical3A_480, %and3A_482 : vector<64x1024xi32>
    %add3A_484 = arith.constant 32767 : i32
    %add3A_485 = vector.broadcast %add3A_484 : i32 to vector<64x1024xi32>
    %add3A_486 = arith.addi %bitcast_convert_type3A_477, %add3A_485 : vector<64x1024xi32>
    %add3A_487 = arith.addi %add3A_486, %and3A_483 : vector<64x1024xi32>
    %and3A_488 = arith.constant -65536 : i32
    %and3A_489 = vector.broadcast %and3A_488 : i32 to vector<64x1024xi32>
    %and3A_490 = arith.andi %add3A_487, %and3A_489 : vector<64x1024xi32>
    %bitcast_convert_type3A_491 = tpu.bitcast %and3A_490 : vector<64x1024xi32> -> vector<64x1024xf32>
    %mul3A_492 = arith.mulf %mul3A_359, %exp3A_375 : vector<64x1024xf32>
    %bitcast_convert_type3A_493 = tpu.bitcast %mul3A_492 : vector<64x1024xf32> -> vector<64x1024xi32>
    %shift_right_logical3A_494 = arith.constant 16 : i32
    %shift_right_logical3A_495 = vector.broadcast %shift_right_logical3A_494 : i32 to vector<64x1024xi32>
    %shift_right_logical3A_496 = arith.shrui %bitcast_convert_type3A_493, %shift_right_logical3A_495 : vector<64x1024xi32>
    %and3A_497 = arith.constant 1 : i32
    %and3A_498 = vector.broadcast %and3A_497 : i32 to vector<64x1024xi32>
    %and3A_499 = arith.andi %shift_right_logical3A_496, %and3A_498 : vector<64x1024xi32>
    %add3A_500 = arith.constant 32767 : i32
    %add3A_501 = vector.broadcast %add3A_500 : i32 to vector<64x1024xi32>
    %add3A_502 = arith.addi %bitcast_convert_type3A_493, %add3A_501 : vector<64x1024xi32>
    %add3A_503 = arith.addi %add3A_502, %and3A_499 : vector<64x1024xi32>
    %and3A_504 = arith.constant -65536 : i32
    %and3A_505 = vector.broadcast %and3A_504 : i32 to vector<64x1024xi32>
    %and3A_506 = arith.andi %add3A_503, %and3A_505 : vector<64x1024xi32>
    %bitcast_convert_type3A_507 = tpu.bitcast %and3A_506 : vector<64x1024xi32> -> vector<64x1024xf32>
    %mul3A_508 = arith.mulf %sub3A_368, %exp3A_379 : vector<64x1024xf32>
    %bitcast_convert_type3A_509 = tpu.bitcast %mul3A_508 : vector<64x1024xf32> -> vector<64x1024xi32>
    %shift_right_logical3A_510 = arith.constant 16 : i32
    %shift_right_logical3A_511 = vector.broadcast %shift_right_logical3A_510 : i32 to vector<64x1024xi32>
    %shift_right_logical3A_512 = arith.shrui %bitcast_convert_type3A_509, %shift_right_logical3A_511 : vector<64x1024xi32>
    %and3A_513 = arith.constant 1 : i32
    %and3A_514 = vector.broadcast %and3A_513 : i32 to vector<64x1024xi32>
    %and3A_515 = arith.andi %shift_right_logical3A_512, %and3A_514 : vector<64x1024xi32>
    %add3A_516 = arith.constant 32767 : i32
    %add3A_517 = vector.broadcast %add3A_516 : i32 to vector<64x1024xi32>
    %add3A_518 = arith.addi %bitcast_convert_type3A_509, %add3A_517 : vector<64x1024xi32>
    %add3A_519 = arith.addi %add3A_518, %and3A_515 : vector<64x1024xi32>
    %and3A_520 = arith.constant -65536 : i32
    %and3A_521 = vector.broadcast %and3A_520 : i32 to vector<64x1024xi32>
    %and3A_522 = arith.andi %add3A_519, %and3A_521 : vector<64x1024xi32>
    %bitcast_convert_type3A_523 = tpu.bitcast %and3A_522 : vector<64x1024xi32> -> vector<64x1024xf32>
    %mul3A_524 = arith.mulf %bitcast_convert_type3A_395, %bitcast_convert_type3A_395 : vector<64x1024xf32>
    %mul3A_525 = arith.mulf %bitcast_convert_type3A_411, %bitcast_convert_type3A_411 : vector<64x1024xf32>
    %add3A_526 = arith.addf %mul3A_524, %mul3A_525 : vector<64x1024xf32>
    %mul3A_527 = arith.mulf %bitcast_convert_type3A_427, %bitcast_convert_type3A_427 : vector<64x1024xf32>
    %add3A_528 = arith.addf %add3A_526, %mul3A_527 : vector<64x1024xf32>
    %mul3A_529 = arith.mulf %bitcast_convert_type3A_395, %bitcast_convert_type3A_443 : vector<64x1024xf32>
    %mul3A_530 = arith.mulf %bitcast_convert_type3A_411, %bitcast_convert_type3A_459 : vector<64x1024xf32>
    %add3A_531 = arith.addf %mul3A_529, %mul3A_530 : vector<64x1024xf32>
    %mul3A_532 = arith.mulf %bitcast_convert_type3A_427, %bitcast_convert_type3A_475 : vector<64x1024xf32>
    %add3A_533 = arith.addf %add3A_531, %mul3A_532 : vector<64x1024xf32>
    %mul3A_534 = arith.mulf %bitcast_convert_type3A_395, %bitcast_convert_type3A_491 : vector<64x1024xf32>
    %mul3A_535 = arith.mulf %bitcast_convert_type3A_411, %bitcast_convert_type3A_507 : vector<64x1024xf32>
    %add3A_536 = arith.addf %mul3A_534, %mul3A_535 : vector<64x1024xf32>
    %mul3A_537 = arith.mulf %bitcast_convert_type3A_427, %bitcast_convert_type3A_523 : vector<64x1024xf32>
    %add3A_538 = arith.addf %add3A_536, %mul3A_537 : vector<64x1024xf32>
    %mul3A_539 = arith.mulf %bitcast_convert_type3A_443, %bitcast_convert_type3A_443 : vector<64x1024xf32>
    %mul3A_540 = arith.mulf %bitcast_convert_type3A_459, %bitcast_convert_type3A_459 : vector<64x1024xf32>
    %add3A_541 = arith.addf %mul3A_539, %mul3A_540 : vector<64x1024xf32>
    %mul3A_542 = arith.mulf %bitcast_convert_type3A_475, %bitcast_convert_type3A_475 : vector<64x1024xf32>
    %add3A_543 = arith.addf %add3A_541, %mul3A_542 : vector<64x1024xf32>
    %mul3A_544 = arith.mulf %bitcast_convert_type3A_443, %bitcast_convert_type3A_491 : vector<64x1024xf32>
    %mul3A_545 = arith.mulf %bitcast_convert_type3A_459, %bitcast_convert_type3A_507 : vector<64x1024xf32>
    %add3A_546 = arith.addf %mul3A_544, %mul3A_545 : vector<64x1024xf32>
    %mul3A_547 = arith.mulf %bitcast_convert_type3A_475, %bitcast_convert_type3A_523 : vector<64x1024xf32>
    %add3A_548 = arith.addf %add3A_546, %mul3A_547 : vector<64x1024xf32>
    %mul3A_549 = arith.mulf %bitcast_convert_type3A_491, %bitcast_convert_type3A_491 : vector<64x1024xf32>
    %mul3A_550 = arith.mulf %bitcast_convert_type3A_507, %bitcast_convert_type3A_507 : vector<64x1024xf32>
    %add3A_551 = arith.addf %mul3A_549, %mul3A_550 : vector<64x1024xf32>
    %mul3A_552 = arith.mulf %bitcast_convert_type3A_523, %bitcast_convert_type3A_523 : vector<64x1024xf32>
    %add3A_553 = arith.addf %add3A_551, %mul3A_552 : vector<64x1024xf32>
    %bitcast_convert_type3A_554 = tpu.bitcast %add3A_528 : vector<64x1024xf32> -> vector<64x1024xi32>
    %shift_right_logical3A_555 = arith.constant 16 : i32
    %shift_right_logical3A_556 = vector.broadcast %shift_right_logical3A_555 : i32 to vector<64x1024xi32>
    %shift_right_logical3A_557 = arith.shrui %bitcast_convert_type3A_554, %shift_right_logical3A_556 : vector<64x1024xi32>
    %and3A_558 = arith.constant 1 : i32
    %and3A_559 = vector.broadcast %and3A_558 : i32 to vector<64x1024xi32>
    %and3A_560 = arith.andi %shift_right_logical3A_557, %and3A_559 : vector<64x1024xi32>
    %add3A_561 = arith.constant 32767 : i32
    %add3A_562 = vector.broadcast %add3A_561 : i32 to vector<64x1024xi32>
    %add3A_563 = arith.addi %bitcast_convert_type3A_554, %add3A_562 : vector<64x1024xi32>
    %add3A_564 = arith.addi %add3A_563, %and3A_560 : vector<64x1024xi32>
    %and3A_565 = arith.constant -65536 : i32
    %and3A_566 = vector.broadcast %and3A_565 : i32 to vector<64x1024xi32>
    %and3A_567 = arith.andi %add3A_564, %and3A_566 : vector<64x1024xi32>
    %bitcast_convert_type3A_568 = tpu.bitcast %and3A_567 : vector<64x1024xi32> -> vector<64x1024xf32>
    %bitcast_convert_type3A_569 = tpu.bitcast %add3A_533 : vector<64x1024xf32> -> vector<64x1024xi32>
    %shift_right_logical3A_570 = arith.constant 16 : i32
    %shift_right_logical3A_571 = vector.broadcast %shift_right_logical3A_570 : i32 to vector<64x1024xi32>
    %shift_right_logical3A_572 = arith.shrui %bitcast_convert_type3A_569, %shift_right_logical3A_571 : vector<64x1024xi32>
    %and3A_573 = arith.constant 1 : i32
    %and3A_574 = vector.broadcast %and3A_573 : i32 to vector<64x1024xi32>
    %and3A_575 = arith.andi %shift_right_logical3A_572, %and3A_574 : vector<64x1024xi32>
    %add3A_576 = arith.constant 32767 : i32
    %add3A_577 = vector.broadcast %add3A_576 : i32 to vector<64x1024xi32>
    %add3A_578 = arith.addi %bitcast_convert_type3A_569, %add3A_577 : vector<64x1024xi32>
    %add3A_579 = arith.addi %add3A_578, %and3A_575 : vector<64x1024xi32>
    %and3A_580 = arith.constant -65536 : i32
    %and3A_581 = vector.broadcast %and3A_580 : i32 to vector<64x1024xi32>
    %and3A_582 = arith.andi %add3A_579, %and3A_581 : vector<64x1024xi32>
    %bitcast_convert_type3A_583 = tpu.bitcast %and3A_582 : vector<64x1024xi32> -> vector<64x1024xf32>
    %bitcast_convert_type3A_584 = tpu.bitcast %add3A_538 : vector<64x1024xf32> -> vector<64x1024xi32>
    %shift_right_logical3A_585 = arith.constant 16 : i32
    %shift_right_logical3A_586 = vector.broadcast %shift_right_logical3A_585 : i32 to vector<64x1024xi32>
    %shift_right_logical3A_587 = arith.shrui %bitcast_convert_type3A_584, %shift_right_logical3A_586 : vector<64x1024xi32>
    %and3A_588 = arith.constant 1 : i32
    %and3A_589 = vector.broadcast %and3A_588 : i32 to vector<64x1024xi32>
    %and3A_590 = arith.andi %shift_right_logical3A_587, %and3A_589 : vector<64x1024xi32>
    %add3A_591 = arith.constant 32767 : i32
    %add3A_592 = vector.broadcast %add3A_591 : i32 to vector<64x1024xi32>
    %add3A_593 = arith.addi %bitcast_convert_type3A_584, %add3A_592 : vector<64x1024xi32>
    %add3A_594 = arith.addi %add3A_593, %and3A_590 : vector<64x1024xi32>
    %and3A_595 = arith.constant -65536 : i32
    %and3A_596 = vector.broadcast %and3A_595 : i32 to vector<64x1024xi32>
    %and3A_597 = arith.andi %add3A_594, %and3A_596 : vector<64x1024xi32>
    %bitcast_convert_type3A_598 = tpu.bitcast %and3A_597 : vector<64x1024xi32> -> vector<64x1024xf32>
    %bitcast_convert_type3A_599 = tpu.bitcast %add3A_543 : vector<64x1024xf32> -> vector<64x1024xi32>
    %shift_right_logical3A_600 = arith.constant 16 : i32
    %shift_right_logical3A_601 = vector.broadcast %shift_right_logical3A_600 : i32 to vector<64x1024xi32>
    %shift_right_logical3A_602 = arith.shrui %bitcast_convert_type3A_599, %shift_right_logical3A_601 : vector<64x1024xi32>
    %and3A_603 = arith.constant 1 : i32
    %and3A_604 = vector.broadcast %and3A_603 : i32 to vector<64x1024xi32>
    %and3A_605 = arith.andi %shift_right_logical3A_602, %and3A_604 : vector<64x1024xi32>
    %add3A_606 = arith.constant 32767 : i32
    %add3A_607 = vector.broadcast %add3A_606 : i32 to vector<64x1024xi32>
    %add3A_608 = arith.addi %bitcast_convert_type3A_599, %add3A_607 : vector<64x1024xi32>
    %add3A_609 = arith.addi %add3A_608, %and3A_605 : vector<64x1024xi32>
    %and3A_610 = arith.constant -65536 : i32
    %and3A_611 = vector.broadcast %and3A_610 : i32 to vector<64x1024xi32>
    %and3A_612 = arith.andi %add3A_609, %and3A_611 : vector<64x1024xi32>
    %bitcast_convert_type3A_613 = tpu.bitcast %and3A_612 : vector<64x1024xi32> -> vector<64x1024xf32>
    %bitcast_convert_type3A_614 = tpu.bitcast %add3A_548 : vector<64x1024xf32> -> vector<64x1024xi32>
    %shift_right_logical3A_615 = arith.constant 16 : i32
    %shift_right_logical3A_616 = vector.broadcast %shift_right_logical3A_615 : i32 to vector<64x1024xi32>
    %shift_right_logical3A_617 = arith.shrui %bitcast_convert_type3A_614, %shift_right_logical3A_616 : vector<64x1024xi32>
    %and3A_618 = arith.constant 1 : i32
    %and3A_619 = vector.broadcast %and3A_618 : i32 to vector<64x1024xi32>
    %and3A_620 = arith.andi %shift_right_logical3A_617, %and3A_619 : vector<64x1024xi32>
    %add3A_621 = arith.constant 32767 : i32
    %add3A_622 = vector.broadcast %add3A_621 : i32 to vector<64x1024xi32>
    %add3A_623 = arith.addi %bitcast_convert_type3A_614, %add3A_622 : vector<64x1024xi32>
    %add3A_624 = arith.addi %add3A_623, %and3A_620 : vector<64x1024xi32>
    %and3A_625 = arith.constant -65536 : i32
    %and3A_626 = vector.broadcast %and3A_625 : i32 to vector<64x1024xi32>
    %and3A_627 = arith.andi %add3A_624, %and3A_626 : vector<64x1024xi32>
    %bitcast_convert_type3A_628 = tpu.bitcast %and3A_627 : vector<64x1024xi32> -> vector<64x1024xf32>
    %bitcast_convert_type3A_629 = tpu.bitcast %add3A_553 : vector<64x1024xf32> -> vector<64x1024xi32>
    %shift_right_logical3A_630 = arith.constant 16 : i32
    %shift_right_logical3A_631 = vector.broadcast %shift_right_logical3A_630 : i32 to vector<64x1024xi32>
    %shift_right_logical3A_632 = arith.shrui %bitcast_convert_type3A_629, %shift_right_logical3A_631 : vector<64x1024xi32>
    %and3A_633 = arith.constant 1 : i32
    %and3A_634 = vector.broadcast %and3A_633 : i32 to vector<64x1024xi32>
    %and3A_635 = arith.andi %shift_right_logical3A_632, %and3A_634 : vector<64x1024xi32>
    %add3A_636 = arith.constant 32767 : i32
    %add3A_637 = vector.broadcast %add3A_636 : i32 to vector<64x1024xi32>
    %add3A_638 = arith.addi %bitcast_convert_type3A_629, %add3A_637 : vector<64x1024xi32>
    %add3A_639 = arith.addi %add3A_638, %and3A_635 : vector<64x1024xi32>
    %and3A_640 = arith.constant -65536 : i32
    %and3A_641 = vector.broadcast %and3A_640 : i32 to vector<64x1024xi32>
    %and3A_642 = arith.andi %add3A_639, %and3A_641 : vector<64x1024xi32>
    %bitcast_convert_type3A_643 = tpu.bitcast %and3A_642 : vector<64x1024xi32> -> vector<64x1024xf32>
    %mul3A_644 = arith.mulf %bitcast_convert_type3A_181, %bitcast_convert_type3A_568 : vector<64x1024xf32>
    %mul3A_645 = arith.mulf %bitcast_convert_type3A_201, %bitcast_convert_type3A_583 : vector<64x1024xf32>
    %add3A_646 = arith.addf %mul3A_644, %mul3A_645 : vector<64x1024xf32>
    %mul3A_647 = arith.mulf %bitcast_convert_type3A_221, %bitcast_convert_type3A_598 : vector<64x1024xf32>
    %add3A_648 = arith.addf %add3A_646, %mul3A_647 : vector<64x1024xf32>
    %bitcast_convert_type3A_649 = tpu.bitcast %add3A_648 : vector<64x1024xf32> -> vector<64x1024xi32>
    %shift_right_logical3A_650 = arith.constant 16 : i32
    %shift_right_logical3A_651 = vector.broadcast %shift_right_logical3A_650 : i32 to vector<64x1024xi32>
    %shift_right_logical3A_652 = arith.shrui %bitcast_convert_type3A_649, %shift_right_logical3A_651 : vector<64x1024xi32>
    %and3A_653 = arith.constant 1 : i32
    %and3A_654 = vector.broadcast %and3A_653 : i32 to vector<64x1024xi32>
    %and3A_655 = arith.andi %shift_right_logical3A_652, %and3A_654 : vector<64x1024xi32>
    %add3A_656 = arith.constant 32767 : i32
    %add3A_657 = vector.broadcast %add3A_656 : i32 to vector<64x1024xi32>
    %add3A_658 = arith.addi %bitcast_convert_type3A_649, %add3A_657 : vector<64x1024xi32>
    %add3A_659 = arith.addi %add3A_658, %and3A_655 : vector<64x1024xi32>
    %and3A_660 = arith.constant -65536 : i32
    %and3A_661 = vector.broadcast %and3A_660 : i32 to vector<64x1024xi32>
    %and3A_662 = arith.andi %add3A_659, %and3A_661 : vector<64x1024xi32>
    %bitcast_convert_type3A_663 = tpu.bitcast %and3A_662 : vector<64x1024xi32> -> vector<64x1024xf32>
    %mul3A_664 = arith.mulf %bitcast_convert_type3A_181, %bitcast_convert_type3A_583 : vector<64x1024xf32>
    %mul3A_665 = arith.mulf %bitcast_convert_type3A_201, %bitcast_convert_type3A_613 : vector<64x1024xf32>
    %add3A_666 = arith.addf %mul3A_664, %mul3A_665 : vector<64x1024xf32>
    %mul3A_667 = arith.mulf %bitcast_convert_type3A_221, %bitcast_convert_type3A_628 : vector<64x1024xf32>
    %add3A_668 = arith.addf %add3A_666, %mul3A_667 : vector<64x1024xf32>
    %bitcast_convert_type3A_669 = tpu.bitcast %add3A_668 : vector<64x1024xf32> -> vector<64x1024xi32>
    %shift_right_logical3A_670 = arith.constant 16 : i32
    %shift_right_logical3A_671 = vector.broadcast %shift_right_logical3A_670 : i32 to vector<64x1024xi32>
    %shift_right_logical3A_672 = arith.shrui %bitcast_convert_type3A_669, %shift_right_logical3A_671 : vector<64x1024xi32>
    %and3A_673 = arith.constant 1 : i32
    %and3A_674 = vector.broadcast %and3A_673 : i32 to vector<64x1024xi32>
    %and3A_675 = arith.andi %shift_right_logical3A_672, %and3A_674 : vector<64x1024xi32>
    %add3A_676 = arith.constant 32767 : i32
    %add3A_677 = vector.broadcast %add3A_676 : i32 to vector<64x1024xi32>
    %add3A_678 = arith.addi %bitcast_convert_type3A_669, %add3A_677 : vector<64x1024xi32>
    %add3A_679 = arith.addi %add3A_678, %and3A_675 : vector<64x1024xi32>
    %and3A_680 = arith.constant -65536 : i32
    %and3A_681 = vector.broadcast %and3A_680 : i32 to vector<64x1024xi32>
    %and3A_682 = arith.andi %add3A_679, %and3A_681 : vector<64x1024xi32>
    %bitcast_convert_type3A_683 = tpu.bitcast %and3A_682 : vector<64x1024xi32> -> vector<64x1024xf32>
    %mul3A_684 = arith.mulf %bitcast_convert_type3A_181, %bitcast_convert_type3A_598 : vector<64x1024xf32>
    %mul3A_685 = arith.mulf %bitcast_convert_type3A_201, %bitcast_convert_type3A_628 : vector<64x1024xf32>
    %add3A_686 = arith.addf %mul3A_684, %mul3A_685 : vector<64x1024xf32>
    %mul3A_687 = arith.mulf %bitcast_convert_type3A_221, %bitcast_convert_type3A_643 : vector<64x1024xf32>
    %add3A_688 = arith.addf %add3A_686, %mul3A_687 : vector<64x1024xf32>
    %bitcast_convert_type3A_689 = tpu.bitcast %add3A_688 : vector<64x1024xf32> -> vector<64x1024xi32>
    %shift_right_logical3A_690 = arith.constant 16 : i32
    %shift_right_logical3A_691 = vector.broadcast %shift_right_logical3A_690 : i32 to vector<64x1024xi32>
    %shift_right_logical3A_692 = arith.shrui %bitcast_convert_type3A_689, %shift_right_logical3A_691 : vector<64x1024xi32>
    %and3A_693 = arith.constant 1 : i32
    %and3A_694 = vector.broadcast %and3A_693 : i32 to vector<64x1024xi32>
    %and3A_695 = arith.andi %shift_right_logical3A_692, %and3A_694 : vector<64x1024xi32>
    %add3A_696 = arith.constant 32767 : i32
    %add3A_697 = vector.broadcast %add3A_696 : i32 to vector<64x1024xi32>
    %add3A_698 = arith.addi %bitcast_convert_type3A_689, %add3A_697 : vector<64x1024xi32>
    %add3A_699 = arith.addi %add3A_698, %and3A_695 : vector<64x1024xi32>
    %and3A_700 = arith.constant -65536 : i32
    %and3A_701 = vector.broadcast %and3A_700 : i32 to vector<64x1024xi32>
    %and3A_702 = arith.andi %add3A_699, %and3A_701 : vector<64x1024xi32>
    %bitcast_convert_type3A_703 = tpu.bitcast %and3A_702 : vector<64x1024xi32> -> vector<64x1024xf32>
    %mul3A_704 = arith.mulf %bitcast_convert_type3A_241, %bitcast_convert_type3A_568 : vector<64x1024xf32>
    %mul3A_705 = arith.mulf %bitcast_convert_type3A_261, %bitcast_convert_type3A_583 : vector<64x1024xf32>
    %add3A_706 = arith.addf %mul3A_704, %mul3A_705 : vector<64x1024xf32>
    %mul3A_707 = arith.mulf %bitcast_convert_type3A_281, %bitcast_convert_type3A_598 : vector<64x1024xf32>
    %add3A_708 = arith.addf %add3A_706, %mul3A_707 : vector<64x1024xf32>
    %bitcast_convert_type3A_709 = tpu.bitcast %add3A_708 : vector<64x1024xf32> -> vector<64x1024xi32>
    %shift_right_logical3A_710 = arith.constant 16 : i32
    %shift_right_logical3A_711 = vector.broadcast %shift_right_logical3A_710 : i32 to vector<64x1024xi32>
    %shift_right_logical3A_712 = arith.shrui %bitcast_convert_type3A_709, %shift_right_logical3A_711 : vector<64x1024xi32>
    %and3A_713 = arith.constant 1 : i32
    %and3A_714 = vector.broadcast %and3A_713 : i32 to vector<64x1024xi32>
    %and3A_715 = arith.andi %shift_right_logical3A_712, %and3A_714 : vector<64x1024xi32>
    %add3A_716 = arith.constant 32767 : i32
    %add3A_717 = vector.broadcast %add3A_716 : i32 to vector<64x1024xi32>
    %add3A_718 = arith.addi %bitcast_convert_type3A_709, %add3A_717 : vector<64x1024xi32>
    %add3A_719 = arith.addi %add3A_718, %and3A_715 : vector<64x1024xi32>
    %and3A_720 = arith.constant -65536 : i32
    %and3A_721 = vector.broadcast %and3A_720 : i32 to vector<64x1024xi32>
    %and3A_722 = arith.andi %add3A_719, %and3A_721 : vector<64x1024xi32>
    %bitcast_convert_type3A_723 = tpu.bitcast %and3A_722 : vector<64x1024xi32> -> vector<64x1024xf32>
    %mul3A_724 = arith.mulf %bitcast_convert_type3A_241, %bitcast_convert_type3A_583 : vector<64x1024xf32>
    %mul3A_725 = arith.mulf %bitcast_convert_type3A_261, %bitcast_convert_type3A_613 : vector<64x1024xf32>
    %add3A_726 = arith.addf %mul3A_724, %mul3A_725 : vector<64x1024xf32>
    %mul3A_727 = arith.mulf %bitcast_convert_type3A_281, %bitcast_convert_type3A_628 : vector<64x1024xf32>
    %add3A_728 = arith.addf %add3A_726, %mul3A_727 : vector<64x1024xf32>
    %bitcast_convert_type3A_729 = tpu.bitcast %add3A_728 : vector<64x1024xf32> -> vector<64x1024xi32>
    %shift_right_logical3A_730 = arith.constant 16 : i32
    %shift_right_logical3A_731 = vector.broadcast %shift_right_logical3A_730 : i32 to vector<64x1024xi32>
    %shift_right_logical3A_732 = arith.shrui %bitcast_convert_type3A_729, %shift_right_logical3A_731 : vector<64x1024xi32>
    %and3A_733 = arith.constant 1 : i32
    %and3A_734 = vector.broadcast %and3A_733 : i32 to vector<64x1024xi32>
    %and3A_735 = arith.andi %shift_right_logical3A_732, %and3A_734 : vector<64x1024xi32>
    %add3A_736 = arith.constant 32767 : i32
    %add3A_737 = vector.broadcast %add3A_736 : i32 to vector<64x1024xi32>
    %add3A_738 = arith.addi %bitcast_convert_type3A_729, %add3A_737 : vector<64x1024xi32>
    %add3A_739 = arith.addi %add3A_738, %and3A_735 : vector<64x1024xi32>
    %and3A_740 = arith.constant -65536 : i32
    %and3A_741 = vector.broadcast %and3A_740 : i32 to vector<64x1024xi32>
    %and3A_742 = arith.andi %add3A_739, %and3A_741 : vector<64x1024xi32>
    %bitcast_convert_type3A_743 = tpu.bitcast %and3A_742 : vector<64x1024xi32> -> vector<64x1024xf32>
    %mul3A_744 = arith.mulf %bitcast_convert_type3A_241, %bitcast_convert_type3A_598 : vector<64x1024xf32>
    %mul3A_745 = arith.mulf %bitcast_convert_type3A_261, %bitcast_convert_type3A_628 : vector<64x1024xf32>
    %add3A_746 = arith.addf %mul3A_744, %mul3A_745 : vector<64x1024xf32>
    %mul3A_747 = arith.mulf %bitcast_convert_type3A_281, %bitcast_convert_type3A_643 : vector<64x1024xf32>
    %add3A_748 = arith.addf %add3A_746, %mul3A_747 : vector<64x1024xf32>
    %bitcast_convert_type3A_749 = tpu.bitcast %add3A_748 : vector<64x1024xf32> -> vector<64x1024xi32>
    %shift_right_logical3A_750 = arith.constant 16 : i32
    %shift_right_logical3A_751 = vector.broadcast %shift_right_logical3A_750 : i32 to vector<64x1024xi32>
    %shift_right_logical3A_752 = arith.shrui %bitcast_convert_type3A_749, %shift_right_logical3A_751 : vector<64x1024xi32>
    %and3A_753 = arith.constant 1 : i32
    %and3A_754 = vector.broadcast %and3A_753 : i32 to vector<64x1024xi32>
    %and3A_755 = arith.andi %shift_right_logical3A_752, %and3A_754 : vector<64x1024xi32>
    %add3A_756 = arith.constant 32767 : i32
    %add3A_757 = vector.broadcast %add3A_756 : i32 to vector<64x1024xi32>
    %add3A_758 = arith.addi %bitcast_convert_type3A_749, %add3A_757 : vector<64x1024xi32>
    %add3A_759 = arith.addi %add3A_758, %and3A_755 : vector<64x1024xi32>
    %and3A_760 = arith.constant -65536 : i32
    %and3A_761 = vector.broadcast %and3A_760 : i32 to vector<64x1024xi32>
    %and3A_762 = arith.andi %add3A_759, %and3A_761 : vector<64x1024xi32>
    %bitcast_convert_type3A_763 = tpu.bitcast %and3A_762 : vector<64x1024xi32> -> vector<64x1024xf32>
    %mul3A_764 = arith.mulf %bitcast_convert_type3A_663, %bitcast_convert_type3A_181 : vector<64x1024xf32>
    %mul3A_765 = arith.mulf %bitcast_convert_type3A_683, %bitcast_convert_type3A_201 : vector<64x1024xf32>
    %add3A_766 = arith.addf %mul3A_764, %mul3A_765 : vector<64x1024xf32>
    %mul3A_767 = arith.mulf %bitcast_convert_type3A_703, %bitcast_convert_type3A_221 : vector<64x1024xf32>
    %add3A_768 = arith.addf %add3A_766, %mul3A_767 : vector<64x1024xf32>
    %mul3A_769 = arith.mulf %bitcast_convert_type3A_663, %bitcast_convert_type3A_241 : vector<64x1024xf32>
    %mul3A_770 = arith.mulf %bitcast_convert_type3A_683, %bitcast_convert_type3A_261 : vector<64x1024xf32>
    %add3A_771 = arith.addf %mul3A_769, %mul3A_770 : vector<64x1024xf32>
    %mul3A_772 = arith.mulf %bitcast_convert_type3A_703, %bitcast_convert_type3A_281 : vector<64x1024xf32>
    %add3A_773 = arith.addf %add3A_771, %mul3A_772 : vector<64x1024xf32>
    %mul3A_774 = arith.mulf %bitcast_convert_type3A_723, %bitcast_convert_type3A_181 : vector<64x1024xf32>
    %mul3A_775 = arith.mulf %bitcast_convert_type3A_743, %bitcast_convert_type3A_201 : vector<64x1024xf32>
    %add3A_776 = arith.addf %mul3A_774, %mul3A_775 : vector<64x1024xf32>
    %mul3A_777 = arith.mulf %bitcast_convert_type3A_763, %bitcast_convert_type3A_221 : vector<64x1024xf32>
    %add3A_778 = arith.addf %add3A_776, %mul3A_777 : vector<64x1024xf32>
    %mul3A_779 = arith.mulf %bitcast_convert_type3A_723, %bitcast_convert_type3A_241 : vector<64x1024xf32>
    %mul3A_780 = arith.mulf %bitcast_convert_type3A_743, %bitcast_convert_type3A_261 : vector<64x1024xf32>
    %add3A_781 = arith.addf %mul3A_779, %mul3A_780 : vector<64x1024xf32>
    %mul3A_782 = arith.mulf %bitcast_convert_type3A_763, %bitcast_convert_type3A_281 : vector<64x1024xf32>
    %add3A_783 = arith.addf %add3A_781, %mul3A_782 : vector<64x1024xf32>
    %add3A_784 = arith.addf %add3A_768, %add3A_768 : vector<64x1024xf32>
    %mul3A_785 = arith.constant 5.000000e-01 : f32
    %mul3A_786 = vector.broadcast %mul3A_785 : f32 to vector<64x1024xf32>
    %mul3A_787 = arith.mulf %add3A_784, %mul3A_786 : vector<64x1024xf32>
    %add3A_788 = arith.addf %add3A_773, %add3A_778 : vector<64x1024xf32>
    %mul3A_789 = arith.constant 5.000000e-01 : f32
    %mul3A_790 = vector.broadcast %mul3A_789 : f32 to vector<64x1024xf32>
    %mul3A_791 = arith.mulf %add3A_788, %mul3A_790 : vector<64x1024xf32>
    %add3A_792 = arith.addf %add3A_783, %add3A_783 : vector<64x1024xf32>
    %mul3A_793 = arith.constant 5.000000e-01 : f32
    %mul3A_794 = vector.broadcast %mul3A_793 : f32 to vector<64x1024xf32>
    %mul3A_795 = arith.mulf %add3A_792, %mul3A_794 : vector<64x1024xf32>
    %mul3A_796 = arith.mulf %mul3A_787, %mul3A_795 : vector<64x1024xf32>
    %mul3A_797 = arith.mulf %mul3A_791, %mul3A_791 : vector<64x1024xf32>
    %sub3A_798 = arith.subf %mul3A_796, %mul3A_797 : vector<64x1024xf32>
    %add3A_799 = arith.constant 5.120000e-01 : f32
    %add3A_800 = vector.broadcast %add3A_799 : f32 to vector<64x1024xf32>
    %add3A_801 = arith.addf %div3A, %add3A_800 : vector<64x1024xf32>
    %mul3A_802 = arith.constant 62.4999962 : f32
    %mul3A_803 = vector.broadcast %mul3A_802 : f32 to vector<64x1024xf32>
    %mul3A_804 = arith.mulf %add3A_801, %mul3A_803 : vector<64x1024xf32>
    %floor3A = math.floor %mul3A_804 : vector<64x1024xf32>
    %add3A_805 = arith.constant 5.120000e-01 : f32
    %add3A_806 = vector.broadcast %add3A_805 : f32 to vector<64x1024xf32>
    %add3A_807 = arith.addf %div3A_107, %add3A_806 : vector<64x1024xf32>
    %mul3A_808 = arith.constant 62.4999962 : f32
    %mul3A_809 = vector.broadcast %mul3A_808 : f32 to vector<64x1024xf32>
    %mul3A_810 = arith.mulf %add3A_807, %mul3A_809 : vector<64x1024xf32>
    %floor3A_811 = math.floor %mul3A_810 : vector<64x1024xf32>
    %ge3A = arith.constant 0.000000e+00 : f32
    %ge3A_812 = vector.broadcast %ge3A : f32 to vector<64x1024xf32>
    %ge3A_813 = arith.cmpf oge, %floor3A, %ge3A_812 : vector<64x1024xf32>
    %lt3A_814 = arith.constant 6.400000e+01 : f32
    %lt3A_815 = vector.broadcast %lt3A_814 : f32 to vector<64x1024xf32>
    %lt3A_816 = arith.cmpf olt, %floor3A, %lt3A_815 : vector<64x1024xf32>
    %and3A_817 = arith.andi %ge3A_813, %lt3A_816 : vector<64x1024xi1>
    %ge3A_818 = arith.constant 0.000000e+00 : f32
    %ge3A_819 = vector.broadcast %ge3A_818 : f32 to vector<64x1024xf32>
    %ge3A_820 = arith.cmpf oge, %floor3A_811, %ge3A_819 : vector<64x1024xf32>
    %and3A_821 = arith.andi %and3A_817, %ge3A_820 : vector<64x1024xi1>
    %lt3A_822 = arith.constant 6.400000e+01 : f32
    %lt3A_823 = vector.broadcast %lt3A_822 : f32 to vector<64x1024xf32>
    %lt3A_824 = arith.cmpf olt, %floor3A_811, %lt3A_823 : vector<64x1024xf32>
    %and3A_825 = arith.andi %and3A_821, %lt3A_824 : vector<64x1024xi1>
    %and3A_826 = arith.andi %and3A_105, %and3A_825 : vector<64x1024xi1>
    %jit3A = arith.constant 0.000000e+00 : f32
    %jit3A_827 = arith.constant 6.300000e+01 : f32
    %max3A = vector.broadcast %jit3A : f32 to vector<64x1024xf32>
    %max3A_828 = arith.maximumf %max3A, %floor3A : vector<64x1024xf32>
    %min3A = vector.broadcast %jit3A_827 : f32 to vector<64x1024xf32>
    %min3A_829 = arith.minimumf %min3A, %max3A_828 : vector<64x1024xf32>
    %jit3A_830 = arith.constant 0.000000e+00 : f32
    %jit3A_831 = arith.constant 6.300000e+01 : f32
    %max3A_832 = vector.broadcast %jit3A_830 : f32 to vector<64x1024xf32>
    %max3A_833 = arith.maximumf %max3A_832, %floor3A_811 : vector<64x1024xf32>
    %min3A_834 = vector.broadcast %jit3A_831 : f32 to vector<64x1024xf32>
    %min3A_835 = arith.minimumf %min3A_834, %max3A_833 : vector<64x1024xf32>
    %convert_element_type3A = arith.fptosi %min3A_829 : vector<64x1024xf32> to vector<64x1024xi32>
    %convert_element_type3A_836 = arith.fptosi %min3A_835 : vector<64x1024xf32> to vector<64x1024xi32>
    %mul3A_837 = arith.constant 64 : i32
    %mul3A_838 = vector.broadcast %mul3A_837 : i32 to vector<64x1024xi32>
    %mul3A_839 = arith.muli %convert_element_type3A_836, %mul3A_838 : vector<64x1024xi32>
    %add3A_840 = arith.addi %mul3A_839, %convert_element_type3A : vector<64x1024xi32>
    %convert_element_type3A_841 = arith.sitofp %convert_element_type3A : vector<64x1024xi32> to vector<64x1024xf32>
    %add3A_842 = arith.constant 5.000000e-01 : f32
    %add3A_843 = vector.broadcast %add3A_842 : f32 to vector<64x1024xf32>
    %add3A_844 = arith.addf %convert_element_type3A_841, %add3A_843 : vector<64x1024xf32>
    %mul3A_845 = arith.constant 1.600000e-02 : f32
    %mul3A_846 = vector.broadcast %mul3A_845 : f32 to vector<64x1024xf32>
    %mul3A_847 = arith.mulf %add3A_844, %mul3A_846 : vector<64x1024xf32>
    %add3A_848 = arith.constant -5.120000e-01 : f32
    %add3A_849 = vector.broadcast %add3A_848 : f32 to vector<64x1024xf32>
    %add3A_850 = arith.addf %mul3A_847, %add3A_849 : vector<64x1024xf32>
    %convert_element_type3A_851 = arith.sitofp %convert_element_type3A_836 : vector<64x1024xi32> to vector<64x1024xf32>
    %add3A_852 = arith.constant 5.000000e-01 : f32
    %add3A_853 = vector.broadcast %add3A_852 : f32 to vector<64x1024xf32>
    %add3A_854 = arith.addf %convert_element_type3A_851, %add3A_853 : vector<64x1024xf32>
    %mul3A_855 = arith.constant 1.600000e-02 : f32
    %mul3A_856 = vector.broadcast %mul3A_855 : f32 to vector<64x1024xf32>
    %mul3A_857 = arith.mulf %add3A_854, %mul3A_856 : vector<64x1024xf32>
    %add3A_858 = arith.constant -5.120000e-01 : f32
    %add3A_859 = vector.broadcast %add3A_858 : f32 to vector<64x1024xf32>
    %add3A_860 = arith.addf %mul3A_857, %add3A_859 : vector<64x1024xf32>
    %sub3A_861 = arith.subf %div3A, %add3A_850 : vector<64x1024xf32>
    %sub3A_862 = arith.subf %div3A_107, %add3A_860 : vector<64x1024xf32>
    %max3A_863 = arith.constant 9.99999996E-13 : f32
    %max3A_864 = vector.broadcast %max3A_863 : f32 to vector<64x1024xf32>
    %max3A_865 = arith.maximumf %sub3A_798, %max3A_864 : vector<64x1024xf32>
    %div3A_866 = arith.divf %broadcast_in_dim3A_106, %max3A_865 : vector<64x1024xf32>
    %mul3A_867 = arith.mulf %mul3A_795, %div3A_866 : vector<64x1024xf32>
    %mul3A_868 = arith.mulf %mul3A_867, %sub3A_861 : vector<64x1024xf32>
    %mul3A_869 = arith.mulf %mul3A_868, %sub3A_861 : vector<64x1024xf32>
    %mul3A_870 = arith.mulf %mul3A_791, %div3A_866 : vector<64x1024xf32>
    %mul3A_871 = arith.constant 2.000000e+00 : f32
    %mul3A_872 = vector.broadcast %mul3A_871 : f32 to vector<64x1024xf32>
    %mul3A_873 = arith.mulf %mul3A_870, %mul3A_872 : vector<64x1024xf32>
    %mul3A_874 = arith.mulf %mul3A_873, %sub3A_861 : vector<64x1024xf32>
    %mul3A_875 = arith.mulf %mul3A_874, %sub3A_862 : vector<64x1024xf32>
    %mul3A_876 = arith.mulf %mul3A_787, %div3A_866 : vector<64x1024xf32>
    %mul3A_877 = arith.mulf %mul3A_876, %sub3A_862 : vector<64x1024xf32>
    %mul3A_878 = arith.mulf %mul3A_877, %sub3A_862 : vector<64x1024xf32>
    %sub3A_879 = arith.subf %mul3A_869, %mul3A_875 : vector<64x1024xf32>
    %add3A_880 = arith.addf %sub3A_879, %mul3A_878 : vector<64x1024xf32>
    %mul3A_881 = arith.constant 5.000000e-01 : f32
    %mul3A_882 = vector.broadcast %mul3A_881 : f32 to vector<64x1024xf32>
    %mul3A_883 = arith.mulf %add3A_880, %mul3A_882 : vector<64x1024xf32>
    %jit3A_884 = arith.constant 0.000000e+00 : f32
    %jit3A_885 = arith.constant 3.000000e+01 : f32
    %max3A_886 = vector.broadcast %jit3A_884 : f32 to vector<64x1024xf32>
    %max3A_887 = arith.maximumf %max3A_886, %mul3A_883 : vector<64x1024xf32>
    %min3A_888 = vector.broadcast %jit3A_885 : f32 to vector<64x1024xf32>
    %min3A_889 = arith.minimumf %min3A_888, %max3A_887 : vector<64x1024xf32>
    %neg3A_890 = arith.constant 0.000000e+00 : f32
    %neg3A_891 = vector.broadcast %neg3A_890 : f32 to vector<64x1024xf32>
    %neg3A_892 = arith.subf %neg3A_891, %min3A_889 : vector<64x1024xf32>
    %exp3A_893 = math.exp %neg3A_892 : vector<64x1024xf32>
    %get3A_894 = arith.constant 0 : index
    %get3A_895 = arith.constant 0 : index
    %get3A_896 = vector.load %arg15[%get3A_894, %get3A_895] : memref<64x1024xf32, #tpu.memory_space<vmem>>, vector<64x1024xf32>
    %neg3A_897 = arith.constant 0.000000e+00 : f32
    %neg3A_898 = vector.broadcast %neg3A_897 : f32 to vector<64x1024xf32>
    %neg3A_899 = arith.subf %neg3A_898, %get3A_896 : vector<64x1024xf32>
    %exp3A_900 = math.exp %neg3A_899 : vector<64x1024xf32>
    %add3A_901 = arith.addf %broadcast_in_dim3A_106, %exp3A_900 : vector<64x1024xf32>
    %div3A_902 = arith.divf %broadcast_in_dim3A_106, %add3A_901 : vector<64x1024xf32>
    %convert_element_type3A_903 = arith.extui %and3A_826 : vector<64x1024xi1> to vector<64x1024xi32>
    %convert_element_type3A_904 = arith.sitofp %convert_element_type3A_903 : vector<64x1024xi32> to vector<64x1024xf32>
    %mul3A_905 = arith.mulf %div3A_902, %exp3A_893 : vector<64x1024xf32>
    %mul3A_906 = arith.mulf %mul3A_905, %convert_element_type3A_904 : vector<64x1024xf32>
    %swap3A = arith.constant 0 : index
    %swap3A_907 = arith.constant 0 : index
    %swap3A_908 = vector.load %arg16[%swap3A, %swap3A_907] : memref<64x1024xi32, #tpu.memory_space<vmem>>, vector<64x1024xi32>
    tpu.vector_store %arg16[%swap3A, %swap3A_907], %add3A_840 {strides = array<i32>} : memref<64x1024xi32, #tpu.memory_space<vmem>>, vector<64x1024xi32>,
    %get3A_909 = arith.constant 0 : index
    %get3A_910 = arith.constant 0 : index
    %get3A_911 = vector.load %arg12[%get3A_909, %get3A_910] : memref<64x1024xf32, #tpu.memory_space<vmem>>, vector<64x1024xf32>
    %mul3A_912 = arith.mulf %get3A_911, %mul3A_906 : vector<64x1024xf32>
    %swap3A_913 = arith.constant 0 : index
    %swap3A_914 = arith.constant 0 : index
    %swap3A_915 = vector.load %arg17[%swap3A_913, %swap3A_914] : memref<64x1024xf32, #tpu.memory_space<vmem>>, vector<64x1024xf32>
    tpu.vector_store %arg17[%swap3A_913, %swap3A_914], %mul3A_912 {strides = array<i32>} : memref<64x1024xf32, #tpu.memory_space<vmem>>, vector<64x1024xf32>,
    %get3A_916 = arith.constant 0 : index
    %get3A_917 = arith.constant 0 : index
    %get3A_918 = vector.load %arg13[%get3A_916, %get3A_917] : memref<64x1024xf32, #tpu.memory_space<vmem>>, vector<64x1024xf32>
    %mul3A_919 = arith.mulf %get3A_918, %mul3A_906 : vector<64x1024xf32>
    %swap3A_920 = arith.constant 0 : index
    %swap3A_921 = arith.constant 0 : index
    %swap3A_922 = vector.load %arg18[%swap3A_920, %swap3A_921] : memref<64x1024xf32, #tpu.memory_space<vmem>>, vector<64x1024xf32>
    tpu.vector_store %arg18[%swap3A_920, %swap3A_921], %mul3A_919 {strides = array<i32>} : memref<64x1024xf32, #tpu.memory_space<vmem>>, vector<64x1024xf32>,
    %get3A_923 = arith.constant 0 : index
    %get3A_924 = arith.constant 0 : index
    %get3A_925 = vector.load %arg14[%get3A_923, %get3A_924] : memref<64x1024xf32, #tpu.memory_space<vmem>>, vector<64x1024xf32>
    %mul3A_926 = arith.mulf %get3A_925, %mul3A_906 : vector<64x1024xf32>
    %swap3A_927 = arith.constant 0 : index
    %swap3A_928 = arith.constant 0 : index
    %swap3A_929 = vector.load %arg19[%swap3A_927, %swap3A_928] : memref<64x1024xf32, #tpu.memory_space<vmem>>, vector<64x1024xf32>
    tpu.vector_store %arg19[%swap3A_927, %swap3A_928], %mul3A_926 {strides = array<i32>} : memref<64x1024xf32, #tpu.memory_space<vmem>>, vector<64x1024xf32>,
    %swap3A_930 = arith.constant 0 : index
    %swap3A_931 = arith.constant 0 : index
    %swap3A_932 = vector.load %arg20[%swap3A_930, %swap3A_931] : memref<64x1024xf32, #tpu.memory_space<vmem>>, vector<64x1024xf32>
    tpu.vector_store %arg20[%swap3A_930, %swap3A_931], %mul3A_906 {strides = array<i32>} : memref<64x1024xf32, #tpu.memory_space<vmem>>, vector<64x1024xf32>,
    return
  }
  func.func @transform_0(%arg0: i32) -> i32 {
    %c0_i32 = arith.constant 0 : i32
    %c0_i32_0 = arith.constant 0 : i32
    return %c0_i32 : i32
  }
  func.func @transform_1(%arg0: i32) -> (i32, i32) {
    %c0_i32 = arith.constant 0 : i32
    %c0_i32_0 = arith.constant 0 : i32
    return %arg0, %c0_i32 : i32, i32
  }
  func.func @transform_2(%arg0: i32) -> (i32, i32) {
    %c0_i32 = arith.constant 0 : i32
    %c0_i32_0 = arith.constant 0 : i32
    return %arg0, %c0_i32 : i32, i32
  }
  func.func @transform_3(%arg0: i32) -> (i32, i32) {
    %c0_i32 = arith.constant 0 : i32
    %c0_i32_0 = arith.constant 0 : i32
    return %arg0, %c0_i32 : i32, i32
  }
  func.func @transform_4(%arg0: i32) -> (i32, i32) {
    %c0_i32 = arith.constant 0 : i32
    %c0_i32_0 = arith.constant 0 : i32
    return %arg0, %c0_i32 : i32, i32
  }
  func.func @transform_5(%arg0: i32) -> (i32, i32) {
    %c0_i32 = arith.constant 0 : i32
    %c0_i32_0 = arith.constant 0 : i32
    return %arg0, %c0_i32 : i32, i32
  }
  func.func @transform_6(%arg0: i32) -> (i32, i32) {
    %c0_i32 = arith.constant 0 : i32
    %c0_i32_0 = arith.constant 0 : i32
    return %arg0, %c0_i32 : i32, i32
  }
  func.func @transform_7(%arg0: i32) -> (i32, i32) {
    %c0_i32 = arith.constant 0 : i32
    %c0_i32_0 = arith.constant 0 : i32
    return %arg0, %c0_i32 : i32, i32
  }
  func.func @transform_8(%arg0: i32) -> (i32, i32) {
    %c0_i32 = arith.constant 0 : i32
    %c0_i32_0 = arith.constant 0 : i32
    return %arg0, %c0_i32 : i32, i32
  }
  func.func @transform_9(%arg0: i32) -> (i32, i32) {
    %c0_i32 = arith.constant 0 : i32
    %c0_i32_0 = arith.constant 0 : i32
    return %arg0, %c0_i32 : i32, i32
  }
  func.func @transform_10(%arg0: i32) -> (i32, i32) {
    %c0_i32 = arith.constant 0 : i32
    %c0_i32_0 = arith.constant 0 : i32
    return %arg0, %c0_i32 : i32, i32
  }
  func.func @transform_11(%arg0: i32) -> (i32, i32) {
    %c0_i32 = arith.constant 0 : i32
    %c0_i32_0 = arith.constant 0 : i32
    return %arg0, %c0_i32 : i32, i32
  }
  func.func @transform_12(%arg0: i32) -> (i32, i32) {
    %c0_i32 = arith.constant 0 : i32
    %c0_i32_0 = arith.constant 0 : i32
    return %arg0, %c0_i32 : i32, i32
  }
  func.func @transform_13(%arg0: i32) -> (i32, i32) {
    %c0_i32 = arith.constant 0 : i32
    %c0_i32_0 = arith.constant 0 : i32
    return %arg0, %c0_i32 : i32, i32
  }
  func.func @transform_14(%arg0: i32) -> (i32, i32) {
    %c0_i32 = arith.constant 0 : i32
    %c0_i32_0 = arith.constant 0 : i32
    return %arg0, %c0_i32 : i32, i32
  }
  func.func @transform_15(%arg0: i32) -> (i32, i32) {
    %c0_i32 = arith.constant 0 : i32
    %c0_i32_0 = arith.constant 0 : i32
    return %arg0, %c0_i32 : i32, i32
  }
  func.func @transform_16(%arg0: i32) -> (i32, i32) {
    %c0_i32 = arith.constant 0 : i32
    %c0_i32_0 = arith.constant 0 : i32
    return %arg0, %c0_i32 : i32, i32
  }
  func.func @transform_17(%arg0: i32) -> (i32, i32) {
    %c0_i32 = arith.constant 0 : i32
    %c0_i32_0 = arith.constant 0 : i32
    return %arg0, %c0_i32 : i32, i32
  }
  func.func @transform_18(%arg0: i32) -> (i32, i32) {
    %c0_i32 = arith.constant 0 : i32
    %c0_i32_0 = arith.constant 0 : i32
    return %arg0, %c0_i32 : i32, i32
  }
  func.func @transform_19(%arg0: i32) -> (i32, i32) {
    %c0_i32 = arith.constant 0 : i32
    %c0_i32_0 = arith.constant 0 : i32
    return %arg0, %c0_i32 : i32, i32
  }
}

module attributes {stable_mosaic.version = 14 : i64} {
  func.func @_stage3_body(%arg0: i32, %arg1: memref<32x64x256xf32, #tpu.memory_space<vmem>>, %arg2: memref<128x3072xf32, #tpu.memory_space<vmem>>) attributes {dimension_semantics = [#tpu.dimension_semantics<arbitrary>], iteration_bounds = array<i64: 8>, scalar_prefetch = 0 : i64, scratch_operands = 0 : i64, tpu.core_type = #tpu.core_type<tc>, window_params = [{pipeline_mode = #tpu.pipeline_mode<synchronous>, transform_indices = @transform_0, window_bounds = array<i64: 32, 64, 256>}, {transform_indices = @transform_1, window_bounds = array<i64: 128, 3072>}]} {
    %get3A = arith.constant 0 : index
    %get3A_0 = arith.constant 0 : index
    %get3A_1 = arith.constant 0 : index
    %get3A_2 = vector.load %arg1[%get3A, %get3A_0, %get3A_1] : memref<32x64x256xf32, #tpu.memory_space<vmem>>, vector<32x64x256xf32>
    %reduce_sum3A = arith.constant dense<0.000000e+00> : vector<64x256xf32>
    %reduce_sum3A_3 = vector.multi_reduction <add>, %get3A_2, %reduce_sum3A [0] : vector<32x64x256xf32> to vector<64x256xf32>
    %iota3A = tpu.iota {dimensions = array<i32: 0>} : vector<256x64xi32>
    %iota3A_4 = tpu.iota {dimensions = array<i32: 1>} : vector<256x64xi32>
    %mul3A = arith.constant 4 : i32
    %mul3A_5 = vector.broadcast %mul3A : i32 to vector<256x64xi32>
    %mul3A_6 = arith.muli %mul3A_5, %iota3A_4 : vector<256x64xi32>
    %add3A = arith.constant 3 : i32
    %add3A_7 = vector.broadcast %add3A : i32 to vector<256x64xi32>
    %add3A_8 = arith.addi %mul3A_6, %add3A_7 : vector<256x64xi32>
    %eq3A = arith.cmpi eq, %iota3A, %add3A_8 : vector<256x64xi32>
    %convert_element_type3A = arith.extui %eq3A : vector<256x64xi1> to vector<256x64xi32>
    %convert_element_type3A_9 = arith.sitofp %convert_element_type3A : vector<256x64xi32> to vector<256x64xf32>
    %dot_general3A = arith.constant dense<0.000000e+00> : vector<64x64xf32>
    %dot_general3A_10 = tpu.matmul %reduce_sum3A_3, %convert_element_type3A_9, %dot_general3A {dimension_numbers = #tpu.dot_dimension_numbers<[1], [0], [0], [1], [0, 0, 1, 1], [], []>, transpose_lhs_hint = false} : vector<64x256xf32>, vector<256x64xf32>, vector<64x64xf32> -> vector<64x64xf32>
    %add3A_11 = arith.constant 1.000000e+00 : f32
    %add3A_12 = vector.broadcast %add3A_11 : f32 to vector<64x64xf32>
    %add3A_13 = arith.addf %dot_general3A_10, %add3A_12 : vector<64x64xf32>
    %iota3A_14 = tpu.iota {dimensions = array<i32: 0>} : vector<256x192xi32>
    %iota3A_15 = tpu.iota {dimensions = array<i32: 1>} : vector<256x192xi32>
    %jit3A = arith.constant 3 : i32
    %div3A = vector.broadcast %jit3A : i32 to vector<256x192xi32>
    %div3A_16 = arith.divsi %iota3A_15, %div3A : vector<256x192xi32>
    %sign3A = arith.constant 0 : i32
    %sign3A_17 = vector.broadcast %sign3A : i32 to vector<256x192xi32>
    %sign3A_18 = arith.cmpi sgt, %iota3A_15, %sign3A_17 : vector<256x192xi32>
    %sign3A_19 = arith.extui %sign3A_18 : vector<256x192xi1> to vector<256x192xi32>
    %sign3A_20 = arith.constant 0 : i32
    %sign3A_21 = vector.broadcast %sign3A_20 : i32 to vector<256x192xi32>
    %sign3A_22 = arith.cmpi slt, %iota3A_15, %sign3A_21 : vector<256x192xi32>
    %sign3A_23 = arith.extui %sign3A_22 : vector<256x192xi1> to vector<256x192xi32>
    %sign3A_24 = arith.subi %sign3A_19, %sign3A_23 : vector<256x192xi32>
    %sign3A_25 = arith.constant 0 : i32
    %sign3A_26 = arith.cmpi sgt, %jit3A, %sign3A_25 : i32
    %sign3A_27 = arith.extui %sign3A_26 : i1 to i32
    %sign3A_28 = arith.constant 0 : i32
    %sign3A_29 = arith.cmpi slt, %jit3A, %sign3A_28 : i32
    %sign3A_30 = arith.extui %sign3A_29 : i1 to i32
    %sign3A_31 = arith.subi %sign3A_27, %sign3A_30 : i32
    %ne3A = vector.broadcast %sign3A_31 : i32 to vector<256x192xi32>
    %ne3A_32 = arith.cmpi ne, %sign3A_24, %ne3A : vector<256x192xi32>
    %rem3A = vector.broadcast %jit3A : i32 to vector<256x192xi32>
    %rem3A_33 = arith.remsi %iota3A_15, %rem3A : vector<256x192xi32>
    %ne3A_34 = arith.constant 0 : i32
    %ne3A_35 = vector.broadcast %ne3A_34 : i32 to vector<256x192xi32>
    %ne3A_36 = arith.cmpi ne, %rem3A_33, %ne3A_35 : vector<256x192xi32>
    %and3A = arith.andi %ne3A_32, %ne3A_36 : vector<256x192xi1>
    %sub3A = arith.constant 1 : i32
    %sub3A_37 = vector.broadcast %sub3A : i32 to vector<256x192xi32>
    %sub3A_38 = arith.subi %div3A_16, %sub3A_37 : vector<256x192xi32>
    %select_n3A = arith.select %and3A, %sub3A_38, %div3A_16 : vector<256x192xi1>, vector<256x192xi32>
    %mul3A_39 = arith.constant 4 : i32
    %mul3A_40 = vector.broadcast %mul3A_39 : i32 to vector<256x192xi32>
    %mul3A_41 = arith.muli %mul3A_40, %select_n3A : vector<256x192xi32>
    %jit3A_42 = arith.constant 3 : i32
    %eq3A_43 = arith.constant 0 : i32
    %eq3A_44 = arith.cmpi eq, %jit3A_42, %eq3A_43 : i32
    %jit3A_45 = arith.constant 1 : i32
    %select_n3A_46 = arith.select %eq3A_44, %jit3A_45, %jit3A_42 : i32
    %rem3A_47 = vector.broadcast %select_n3A_46 : i32 to vector<256x192xi32>
    %rem3A_48 = arith.remsi %iota3A_15, %rem3A_47 : vector<256x192xi32>
    %ne3A_49 = arith.constant 0 : i32
    %ne3A_50 = vector.broadcast %ne3A_49 : i32 to vector<256x192xi32>
    %ne3A_51 = arith.cmpi ne, %rem3A_48, %ne3A_50 : vector<256x192xi32>
    %lt3A = arith.constant 0 : i32
    %lt3A_52 = vector.broadcast %lt3A : i32 to vector<256x192xi32>
    %lt3A_53 = arith.cmpi slt, %rem3A_48, %lt3A_52 : vector<256x192xi32>
    %lt3A_54 = arith.constant 0 : i32
    %lt3A_55 = arith.cmpi slt, %select_n3A_46, %lt3A_54 : i32
    %ne3A_56 = vector.broadcast %lt3A_55 : i1 to vector<256x192xi1>
    %ne3A_57 = vector.broadcast %ne3A_56 : vector<256x192xi1> to vector<256x192xi1>
    %ne3A_58 = arith.xori %lt3A_53, %ne3A_57 : vector<256x192xi1>
    %and3A_59 = arith.andi %ne3A_58, %ne3A_51 : vector<256x192xi1>
    %add3A_60 = vector.broadcast %select_n3A_46 : i32 to vector<256x192xi32>
    %add3A_61 = arith.addi %rem3A_48, %add3A_60 : vector<256x192xi32>
    %select_n3A_62 = arith.select %and3A_59, %add3A_61, %rem3A_48 : vector<256x192xi1>, vector<256x192xi32>
    %add3A_63 = arith.addi %mul3A_41, %select_n3A_62 : vector<256x192xi32>
    %eq3A_64 = arith.cmpi eq, %iota3A_14, %add3A_63 : vector<256x192xi32>
    %convert_element_type3A_65 = arith.extui %eq3A_64 : vector<256x192xi1> to vector<256x192xi32>
    %convert_element_type3A_66 = arith.sitofp %convert_element_type3A_65 : vector<256x192xi32> to vector<256x192xf32>
    %dot_general3A_67 = arith.constant dense<0.000000e+00> : vector<64x192xf32>
    %dot_general3A_68 = tpu.matmul %reduce_sum3A_3, %convert_element_type3A_66, %dot_general3A_67 {dimension_numbers = #tpu.dot_dimension_numbers<[1], [0], [0], [1], [0, 0, 1, 1], [], []>, transpose_lhs_hint = false} : vector<64x256xf32>, vector<256x192xf32>, vector<64x192xf32> -> vector<64x192xf32>
    %iota3A_69 = tpu.iota {dimensions = array<i32: 0>} : vector<64x192xi32>
    %iota3A_70 = tpu.iota {dimensions = array<i32: 1>} : vector<64x192xi32>
    %jit3A_71 = arith.constant 3 : i32
    %div3A_72 = vector.broadcast %jit3A_71 : i32 to vector<64x192xi32>
    %div3A_73 = arith.divsi %iota3A_70, %div3A_72 : vector<64x192xi32>
    %sign3A_74 = arith.constant 0 : i32
    %sign3A_75 = vector.broadcast %sign3A_74 : i32 to vector<64x192xi32>
    %sign3A_76 = arith.cmpi sgt, %iota3A_70, %sign3A_75 : vector<64x192xi32>
    %sign3A_77 = arith.extui %sign3A_76 : vector<64x192xi1> to vector<64x192xi32>
    %sign3A_78 = arith.constant 0 : i32
    %sign3A_79 = vector.broadcast %sign3A_78 : i32 to vector<64x192xi32>
    %sign3A_80 = arith.cmpi slt, %iota3A_70, %sign3A_79 : vector<64x192xi32>
    %sign3A_81 = arith.extui %sign3A_80 : vector<64x192xi1> to vector<64x192xi32>
    %sign3A_82 = arith.subi %sign3A_77, %sign3A_81 : vector<64x192xi32>
    %sign3A_83 = arith.constant 0 : i32
    %sign3A_84 = arith.cmpi sgt, %jit3A_71, %sign3A_83 : i32
    %sign3A_85 = arith.extui %sign3A_84 : i1 to i32
    %sign3A_86 = arith.constant 0 : i32
    %sign3A_87 = arith.cmpi slt, %jit3A_71, %sign3A_86 : i32
    %sign3A_88 = arith.extui %sign3A_87 : i1 to i32
    %sign3A_89 = arith.subi %sign3A_85, %sign3A_88 : i32
    %ne3A_90 = vector.broadcast %sign3A_89 : i32 to vector<64x192xi32>
    %ne3A_91 = arith.cmpi ne, %sign3A_82, %ne3A_90 : vector<64x192xi32>
    %rem3A_92 = vector.broadcast %jit3A_71 : i32 to vector<64x192xi32>
    %rem3A_93 = arith.remsi %iota3A_70, %rem3A_92 : vector<64x192xi32>
    %ne3A_94 = arith.constant 0 : i32
    %ne3A_95 = vector.broadcast %ne3A_94 : i32 to vector<64x192xi32>
    %ne3A_96 = arith.cmpi ne, %rem3A_93, %ne3A_95 : vector<64x192xi32>
    %and3A_97 = arith.andi %ne3A_91, %ne3A_96 : vector<64x192xi1>
    %sub3A_98 = arith.constant 1 : i32
    %sub3A_99 = vector.broadcast %sub3A_98 : i32 to vector<64x192xi32>
    %sub3A_100 = arith.subi %div3A_73, %sub3A_99 : vector<64x192xi32>
    %select_n3A_101 = arith.select %and3A_97, %sub3A_100, %div3A_73 : vector<64x192xi1>, vector<64x192xi32>
    %eq3A_102 = arith.cmpi eq, %select_n3A_101, %iota3A_69 : vector<64x192xi32>
    %convert_element_type3A_103 = arith.extui %eq3A_102 : vector<64x192xi1> to vector<64x192xi32>
    %convert_element_type3A_104 = arith.sitofp %convert_element_type3A_103 : vector<64x192xi32> to vector<64x192xf32>
    %dot_general3A_105 = arith.constant dense<0.000000e+00> : vector<64x192xf32>
    %dot_general3A_106 = tpu.matmul %add3A_13, %convert_element_type3A_104, %dot_general3A_105 {dimension_numbers = #tpu.dot_dimension_numbers<[1], [0], [0], [1], [0, 0, 1, 1], [], []>, transpose_lhs_hint = false} : vector<64x64xf32>, vector<64x192xf32>, vector<64x192xf32> -> vector<64x192xf32>
    %div3A_107 = arith.divf %dot_general3A_68, %dot_general3A_106 : vector<64x192xf32>
    %iota3A_108 = tpu.iota {dimensions = array<i32: 0>} : vector<192x3072xi32>
    %iota3A_109 = tpu.iota {dimensions = array<i32: 1>} : vector<192x3072xi32>
    %jit3A_110 = arith.constant 48 : i32
    %div3A_111 = vector.broadcast %jit3A_110 : i32 to vector<192x3072xi32>
    %div3A_112 = arith.divsi %iota3A_109, %div3A_111 : vector<192x3072xi32>
    %sign3A_113 = arith.constant 0 : i32
    %sign3A_114 = vector.broadcast %sign3A_113 : i32 to vector<192x3072xi32>
    %sign3A_115 = arith.cmpi sgt, %iota3A_109, %sign3A_114 : vector<192x3072xi32>
    %sign3A_116 = arith.extui %sign3A_115 : vector<192x3072xi1> to vector<192x3072xi32>
    %sign3A_117 = arith.constant 0 : i32
    %sign3A_118 = vector.broadcast %sign3A_117 : i32 to vector<192x3072xi32>
    %sign3A_119 = arith.cmpi slt, %iota3A_109, %sign3A_118 : vector<192x3072xi32>
    %sign3A_120 = arith.extui %sign3A_119 : vector<192x3072xi1> to vector<192x3072xi32>
    %sign3A_121 = arith.subi %sign3A_116, %sign3A_120 : vector<192x3072xi32>
    %sign3A_122 = arith.constant 0 : i32
    %sign3A_123 = arith.cmpi sgt, %jit3A_110, %sign3A_122 : i32
    %sign3A_124 = arith.extui %sign3A_123 : i1 to i32
    %sign3A_125 = arith.constant 0 : i32
    %sign3A_126 = arith.cmpi slt, %jit3A_110, %sign3A_125 : i32
    %sign3A_127 = arith.extui %sign3A_126 : i1 to i32
    %sign3A_128 = arith.subi %sign3A_124, %sign3A_127 : i32
    %ne3A_129 = vector.broadcast %sign3A_128 : i32 to vector<192x3072xi32>
    %ne3A_130 = arith.cmpi ne, %sign3A_121, %ne3A_129 : vector<192x3072xi32>
    %rem3A_131 = vector.broadcast %jit3A_110 : i32 to vector<192x3072xi32>
    %rem3A_132 = arith.remsi %iota3A_109, %rem3A_131 : vector<192x3072xi32>
    %ne3A_133 = arith.constant 0 : i32
    %ne3A_134 = vector.broadcast %ne3A_133 : i32 to vector<192x3072xi32>
    %ne3A_135 = arith.cmpi ne, %rem3A_132, %ne3A_134 : vector<192x3072xi32>
    %and3A_136 = arith.andi %ne3A_130, %ne3A_135 : vector<192x3072xi1>
    %sub3A_137 = arith.constant 1 : i32
    %sub3A_138 = vector.broadcast %sub3A_137 : i32 to vector<192x3072xi32>
    %sub3A_139 = arith.subi %div3A_112, %sub3A_138 : vector<192x3072xi32>
    %select_n3A_140 = arith.select %and3A_136, %sub3A_139, %div3A_112 : vector<192x3072xi1>, vector<192x3072xi32>
    %jit3A_141 = arith.constant 3 : i32
    %div3A_142 = vector.broadcast %jit3A_141 : i32 to vector<192x3072xi32>
    %div3A_143 = arith.divsi %iota3A_108, %div3A_142 : vector<192x3072xi32>
    %sign3A_144 = arith.constant 0 : i32
    %sign3A_145 = vector.broadcast %sign3A_144 : i32 to vector<192x3072xi32>
    %sign3A_146 = arith.cmpi sgt, %iota3A_108, %sign3A_145 : vector<192x3072xi32>
    %sign3A_147 = arith.extui %sign3A_146 : vector<192x3072xi1> to vector<192x3072xi32>
    %sign3A_148 = arith.constant 0 : i32
    %sign3A_149 = vector.broadcast %sign3A_148 : i32 to vector<192x3072xi32>
    %sign3A_150 = arith.cmpi slt, %iota3A_108, %sign3A_149 : vector<192x3072xi32>
    %sign3A_151 = arith.extui %sign3A_150 : vector<192x3072xi1> to vector<192x3072xi32>
    %sign3A_152 = arith.subi %sign3A_147, %sign3A_151 : vector<192x3072xi32>
    %sign3A_153 = arith.constant 0 : i32
    %sign3A_154 = arith.cmpi sgt, %jit3A_141, %sign3A_153 : i32
    %sign3A_155 = arith.extui %sign3A_154 : i1 to i32
    %sign3A_156 = arith.constant 0 : i32
    %sign3A_157 = arith.cmpi slt, %jit3A_141, %sign3A_156 : i32
    %sign3A_158 = arith.extui %sign3A_157 : i1 to i32
    %sign3A_159 = arith.subi %sign3A_155, %sign3A_158 : i32
    %ne3A_160 = vector.broadcast %sign3A_159 : i32 to vector<192x3072xi32>
    %ne3A_161 = arith.cmpi ne, %sign3A_152, %ne3A_160 : vector<192x3072xi32>
    %rem3A_162 = vector.broadcast %jit3A_141 : i32 to vector<192x3072xi32>
    %rem3A_163 = arith.remsi %iota3A_108, %rem3A_162 : vector<192x3072xi32>
    %ne3A_164 = arith.constant 0 : i32
    %ne3A_165 = vector.broadcast %ne3A_164 : i32 to vector<192x3072xi32>
    %ne3A_166 = arith.cmpi ne, %rem3A_163, %ne3A_165 : vector<192x3072xi32>
    %and3A_167 = arith.andi %ne3A_161, %ne3A_166 : vector<192x3072xi1>
    %sub3A_168 = arith.constant 1 : i32
    %sub3A_169 = vector.broadcast %sub3A_168 : i32 to vector<192x3072xi32>
    %sub3A_170 = arith.subi %div3A_143, %sub3A_169 : vector<192x3072xi32>
    %select_n3A_171 = arith.select %and3A_167, %sub3A_170, %div3A_143 : vector<192x3072xi1>, vector<192x3072xi32>
    %eq3A_172 = arith.cmpi eq, %select_n3A_140, %select_n3A_171 : vector<192x3072xi32>
    %jit3A_173 = arith.constant 3 : i32
    %eq3A_174 = arith.constant 0 : i32
    %eq3A_175 = arith.cmpi eq, %jit3A_173, %eq3A_174 : i32
    %jit3A_176 = arith.constant 1 : i32
    %select_n3A_177 = arith.select %eq3A_175, %jit3A_176, %jit3A_173 : i32
    %rem3A_178 = vector.broadcast %select_n3A_177 : i32 to vector<192x3072xi32>
    %rem3A_179 = arith.remsi %iota3A_109, %rem3A_178 : vector<192x3072xi32>
    %ne3A_180 = arith.constant 0 : i32
    %ne3A_181 = vector.broadcast %ne3A_180 : i32 to vector<192x3072xi32>
    %ne3A_182 = arith.cmpi ne, %rem3A_179, %ne3A_181 : vector<192x3072xi32>
    %lt3A_183 = arith.constant 0 : i32
    %lt3A_184 = vector.broadcast %lt3A_183 : i32 to vector<192x3072xi32>
    %lt3A_185 = arith.cmpi slt, %rem3A_179, %lt3A_184 : vector<192x3072xi32>
    %lt3A_186 = arith.constant 0 : i32
    %lt3A_187 = arith.cmpi slt, %select_n3A_177, %lt3A_186 : i32
    %ne3A_188 = vector.broadcast %lt3A_187 : i1 to vector<192x3072xi1>
    %ne3A_189 = vector.broadcast %ne3A_188 : vector<192x3072xi1> to vector<192x3072xi1>
    %ne3A_190 = arith.xori %lt3A_185, %ne3A_189 : vector<192x3072xi1>
    %and3A_191 = arith.andi %ne3A_190, %ne3A_182 : vector<192x3072xi1>
    %add3A_192 = vector.broadcast %select_n3A_177 : i32 to vector<192x3072xi32>
    %add3A_193 = arith.addi %rem3A_179, %add3A_192 : vector<192x3072xi32>
    %select_n3A_194 = arith.select %and3A_191, %add3A_193, %rem3A_179 : vector<192x3072xi1>, vector<192x3072xi32>
    %jit3A_195 = arith.constant 3 : i32
    %eq3A_196 = arith.constant 0 : i32
    %eq3A_197 = arith.cmpi eq, %jit3A_195, %eq3A_196 : i32
    %jit3A_198 = arith.constant 1 : i32
    %select_n3A_199 = arith.select %eq3A_197, %jit3A_198, %jit3A_195 : i32
    %rem3A_200 = vector.broadcast %select_n3A_199 : i32 to vector<192x3072xi32>
    %rem3A_201 = arith.remsi %iota3A_108, %rem3A_200 : vector<192x3072xi32>
    %ne3A_202 = arith.constant 0 : i32
    %ne3A_203 = vector.broadcast %ne3A_202 : i32 to vector<192x3072xi32>
    %ne3A_204 = arith.cmpi ne, %rem3A_201, %ne3A_203 : vector<192x3072xi32>
    %lt3A_205 = arith.constant 0 : i32
    %lt3A_206 = vector.broadcast %lt3A_205 : i32 to vector<192x3072xi32>
    %lt3A_207 = arith.cmpi slt, %rem3A_201, %lt3A_206 : vector<192x3072xi32>
    %lt3A_208 = arith.constant 0 : i32
    %lt3A_209 = arith.cmpi slt, %select_n3A_199, %lt3A_208 : i32
    %ne3A_210 = vector.broadcast %lt3A_209 : i1 to vector<192x3072xi1>
    %ne3A_211 = vector.broadcast %ne3A_210 : vector<192x3072xi1> to vector<192x3072xi1>
    %ne3A_212 = arith.xori %lt3A_207, %ne3A_211 : vector<192x3072xi1>
    %and3A_213 = arith.andi %ne3A_212, %ne3A_204 : vector<192x3072xi1>
    %add3A_214 = vector.broadcast %select_n3A_199 : i32 to vector<192x3072xi32>
    %add3A_215 = arith.addi %rem3A_201, %add3A_214 : vector<192x3072xi32>
    %select_n3A_216 = arith.select %and3A_213, %add3A_215, %rem3A_201 : vector<192x3072xi1>, vector<192x3072xi32>
    %eq3A_217 = arith.cmpi eq, %select_n3A_194, %select_n3A_216 : vector<192x3072xi32>
    %and3A_218 = arith.andi %eq3A_172, %eq3A_217 : vector<192x3072xi1>
    %convert_element_type3A_219 = arith.extui %and3A_218 : vector<192x3072xi1> to vector<192x3072xi32>
    %convert_element_type3A_220 = arith.sitofp %convert_element_type3A_219 : vector<192x3072xi32> to vector<192x3072xf32>
    %dot_general3A_221 = arith.constant dense<0.000000e+00> : vector<64x3072xf32>
    %dot_general3A_222 = tpu.matmul %div3A_107, %convert_element_type3A_220, %dot_general3A_221 {dimension_numbers = #tpu.dot_dimension_numbers<[1], [0], [0], [1], [0, 0, 1, 1], [], []>, transpose_lhs_hint = false} : vector<64x192xf32>, vector<192x3072xf32>, vector<64x3072xf32> -> vector<64x3072xf32>
    %mul3A_223 = arith.constant 128 : i32
    %mul3A_224 = arith.muli %arg0, %mul3A_223 : i32
    %iota3A_225 = tpu.iota {dimensions = array<i32: 0>} : vector<128x64xi32>
    %add3A_226 = vector.broadcast %mul3A_224 : i32 to vector<128x64xi32>
    %add3A_227 = arith.addi %iota3A_225, %add3A_226 : vector<128x64xi32>
    %iota3A_228 = tpu.iota {dimensions = array<i32: 1>} : vector<128x64xi32>
    %jit3A_229 = arith.constant 16 : i32
    %div3A_230 = vector.broadcast %jit3A_229 : i32 to vector<128x64xi32>
    %div3A_231 = arith.divsi %add3A_227, %div3A_230 : vector<128x64xi32>
    %sign3A_232 = arith.constant 0 : i32
    %sign3A_233 = vector.broadcast %sign3A_232 : i32 to vector<128x64xi32>
    %sign3A_234 = arith.cmpi sgt, %add3A_227, %sign3A_233 : vector<128x64xi32>
    %sign3A_235 = arith.extui %sign3A_234 : vector<128x64xi1> to vector<128x64xi32>
    %sign3A_236 = arith.constant 0 : i32
    %sign3A_237 = vector.broadcast %sign3A_236 : i32 to vector<128x64xi32>
    %sign3A_238 = arith.cmpi slt, %add3A_227, %sign3A_237 : vector<128x64xi32>
    %sign3A_239 = arith.extui %sign3A_238 : vector<128x64xi1> to vector<128x64xi32>
    %sign3A_240 = arith.subi %sign3A_235, %sign3A_239 : vector<128x64xi32>
    %sign3A_241 = arith.constant 0 : i32
    %sign3A_242 = arith.cmpi sgt, %jit3A_229, %sign3A_241 : i32
    %sign3A_243 = arith.extui %sign3A_242 : i1 to i32
    %sign3A_244 = arith.constant 0 : i32
    %sign3A_245 = arith.cmpi slt, %jit3A_229, %sign3A_244 : i32
    %sign3A_246 = arith.extui %sign3A_245 : i1 to i32
    %sign3A_247 = arith.subi %sign3A_243, %sign3A_246 : i32
    %ne3A_248 = vector.broadcast %sign3A_247 : i32 to vector<128x64xi32>
    %ne3A_249 = arith.cmpi ne, %sign3A_240, %ne3A_248 : vector<128x64xi32>
    %rem3A_250 = vector.broadcast %jit3A_229 : i32 to vector<128x64xi32>
    %rem3A_251 = arith.remsi %add3A_227, %rem3A_250 : vector<128x64xi32>
    %ne3A_252 = arith.constant 0 : i32
    %ne3A_253 = vector.broadcast %ne3A_252 : i32 to vector<128x64xi32>
    %ne3A_254 = arith.cmpi ne, %rem3A_251, %ne3A_253 : vector<128x64xi32>
    %and3A_255 = arith.andi %ne3A_249, %ne3A_254 : vector<128x64xi1>
    %sub3A_256 = arith.constant 1 : i32
    %sub3A_257 = vector.broadcast %sub3A_256 : i32 to vector<128x64xi32>
    %sub3A_258 = arith.subi %div3A_231, %sub3A_257 : vector<128x64xi32>
    %select_n3A_259 = arith.select %and3A_255, %sub3A_258, %div3A_231 : vector<128x64xi1>, vector<128x64xi32>
    %eq3A_260 = arith.cmpi eq, %select_n3A_259, %iota3A_228 : vector<128x64xi32>
    %convert_element_type3A_261 = arith.extui %eq3A_260 : vector<128x64xi1> to vector<128x64xi32>
    %convert_element_type3A_262 = arith.sitofp %convert_element_type3A_261 : vector<128x64xi32> to vector<128x64xf32>
    %dot_general3A_263 = arith.constant dense<0.000000e+00> : vector<128x3072xf32>
    %dot_general3A_264 = tpu.matmul %convert_element_type3A_262, %dot_general3A_222, %dot_general3A_263 {dimension_numbers = #tpu.dot_dimension_numbers<[1], [0], [0], [1], [0, 0, 1, 1], [], []>, transpose_lhs_hint = false} : vector<128x64xf32>, vector<64x3072xf32>, vector<128x3072xf32> -> vector<128x3072xf32>
    %swap3A = arith.constant 0 : index
    %swap3A_265 = arith.constant 0 : index
    %swap3A_266 = vector.load %arg2[%swap3A, %swap3A_265] : memref<128x3072xf32, #tpu.memory_space<vmem>>, vector<128x3072xf32>
    tpu.vector_store %arg2[%swap3A, %swap3A_265], %dot_general3A_264 {strides = array<i32>} : memref<128x3072xf32, #tpu.memory_space<vmem>>, vector<128x3072xf32>,
    return
  }
  func.func @transform_0(%arg0: i32) -> (i32, i32, i32) {
    %c0_i32 = arith.constant 0 : i32
    %c0_i32_0 = arith.constant 0 : i32
    %c0_i32_1 = arith.constant 0 : i32
    %c0_i32_2 = arith.constant 0 : i32
    return %c0_i32, %c0_i32_0, %c0_i32_1 : i32, i32, i32
  }
  func.func @transform_1(%arg0: i32) -> (i32, i32) {
    %c0_i32 = arith.constant 0 : i32
    %c0_i32_0 = arith.constant 0 : i32
    return %arg0, %c0_i32 : i32, i32
  }
}

</mosaic_0001>

<sc_bundles>
// kernel: kernel.5.cloned.1.call-start
scs
__scs_entry_jumppad:
0x0: {  	(pc) =	sbr.rel $0x88, $3  }
0x1: {  	(tag) =	ssettag $0x0;
	lr =	simm.s32 $0x1  }
0x2: {  	[smem:$0x3F9B] =	sst lr;
	_ =	strace $0xD0000000  }
0x3: {  	_ = 	snop  }
0x4: {  	_ = 	snop  }
0x5: {  	_ = 	snop  }
0x6: {  	_ = 	snop  }
0x7: {  	_ = 	snop  }
__scs_overlays_trampoline_lowered:
0x8: {  	[smem:$0x3FAA] =	sst s0  }
0x9: {  	[smem:$0x3FAB] =	sst s1  }
0xa: {  	[smem:$0x3FAC] =	sst s2  }
0xb: {  	[smem:$0x3FAD] =	sst s3  }
0xc: {  	[smem:$0x3FAE] =	sst s4  }
0xd: {  	[smem:$0x3FAF] =	sst s5  }
0xe: {  	[smem:$0x3FB0] =	sst s6  }
0xf: {  	[smem:$0x3FB1] =	sst s7  }
0x10: {  	[smem:$0x3FB2] =	sst s8  }
0x11: {  	[smem:$0x3FB3] =	sst s9;
	s0 =	simm.s32 @!p0 $0x0  }
0x12: {  	s1 =	sld [smem:$0x3F99];
	s0 =	simm.s32 @p0 $0x1  }
0x13: {  	[smem:$0x3FB4] =	sst s0;
	s0 =	simm.s32 @!p1 $0x0  }
0x14: {  	s2 =	sld [smem:$0x3F98];
	s0 =	simm.s32 @p1 $0x1  }
0x15: {  	[smem:$0x3FB5] =	sst s0;
	s0 =	simm.s32 @!p2 $0x0  }
0x16: {  	s3 =	sld [smem:$0x3FDB];
	s0 =	simm.s32 @p2 $0x1  }
0x17: {  	s4 =	simm.s32 $0x1BF5;
	[smem:$0x3FB7] =	sst s0  }
0x18: {  	s0 =	sld [smem:$0x3F9A];
	_ =	swait.ge [sflag:s4], $0x0  }
0x19: {  	s7 =	sld [smem:$0x3F9B]  }
0x1a: {  	s8 =	sadd.s32 $0xFFFFE003, lr  }
0x1b: {  	s9 =	sadd.s32 $0xFFFFFEF7, lr;
	s5 =	simm.s32 $0xFFFFFFFF;
	p2 =	slt.u32 s8, $0xFFFFF086  }
0x1c: {  	p1 =	slt.u32 s9, $0xF7A;
	s5 =	simm.s32 @!p2 $0x0  }
0x1d: {  	s5 =	simm.s32 @p1 $0x1;
	p0 =	seq.s32 s7, s2  }
0x1e: {  	s7 =	smul.u32 @!p0 $0xF7A, s2;
	p2 =	seq.s32 @!p0 s5, $0x0  }
0x1f: {  	s9 =	smul.u32 $0xF7A, s1;
	s8 =	simm.s32 @!p0 $0x1BF5;
	p2 =	por !p2, p0  }
0x20: {  	[sflag:s8] =	ssyncset.s32 @!p0 $0xFFFFF086;
	s6 =	sadd.s32 @!p0 s3, s7;
	s7 =	simm.s32 @!p0 $0x108  }
0x21: {  	s3 =	sadd.s32 s3, s9;
	s6 =	sadd.s32 @!p0 $0x88, s6;
	s7 =	simm.s32 @p2 $0x1082  }
0x22: {  	[simem:s7], [sflag:s8] =	dma.local @!p0 [hbm:s6], $0xF7A  }
0x23: {  	s9 =	sor.u32 $0xD0000000, s2;
	s6 =	simm.s32 $0x108;
	_ =	swait.ge @!p0 [sflag:s8], $0x0  }
0x24: {  	s3 =	sadd.s32 $0x88, s3;
	s6 =	simm.s32 @!p1 $0x1082;
	[sflag:s4] =	ssyncset.s32 $0xFFFFF086  }
0x25: {  	[simem:s6], [sflag:s4] =	dma.local [hbm:s3], $0xF7A  }
0x26: {  	[smem:$0x3F9B] =	sst s1;
	(tag) =	ssettag s2;
	_ =	strace s9  }
0x27: {  	s1 =	sld [smem:$0x3FAB]  }
0x28: {  	s2 =	sld [smem:$0x3FAC]  }
0x29: {  	s4 =	sld [smem:$0x3FAE]  }
0x2a: {  	p0 =	seq.s32 s5, $0x0;
	s5 =	sld [smem:$0x3FAF]  }
0x2b: {  	s6 =	sld [smem:$0x3FB0]  }
0x2c: {  	s7 =	sld [smem:$0x3FB1]  }
0x2d: {  	s3 =	simm.s32 $0x108;
	s8 =	sld [smem:$0x3FB2]  }
0x2e: {  	s3 =	simm.s32 @!p0 $0x1082;
	s9 =	sld [smem:$0x3FB3]  }
0x2f: {  	lr =	sadd.s32 s0, s3;
	s0 =	sld [smem:$0x3FAA]  }
0x30: {  	s3 =	sld [smem:$0x3FAD]  }
0x31: {  	[smem:$0x3FB6] =	sst s10  }
0x32: {  	s10 =	sld [smem:$0x3FB4];
	_ =	sdelay $0x3  }
0x33: {  	p0 =	seq.s32 s10, $0x1;
	s10 =	sld [smem:$0x3FB6];
	_ =	sdelay $0x3  }
0x34: {  	[smem:$0x3FB6] =	sst s10  }
0x35: {  	s10 =	sld [smem:$0x3FB5];
	_ =	sdelay $0x3  }
0x36: {  	p1 =	seq.s32 s10, $0x1;
	s10 =	sld [smem:$0x3FB6];
	_ =	sdelay $0x3  }
0x37: {  	[smem:$0x3FB6] =	sst s10  }
0x38: {  	s10 =	sld [smem:$0x3FB7]  }
0x39: {  	_ = 	snop;
	(pc) =	sbr.ind lr, $3  }
0x3a: {  	_ = 	snop  }
0x3b: {  	_ = 	snop  }
0x3c: {  	p2 =	seq.s32 s10, $0x1;
	s10 =	sld [smem:$0x3FB6]  }
0x3d: {  	_ =	shalt  }
0x3e: {  	_ =	shalt  }
0x3f: {  	_ =	shalt  }
0x40: {  	_ =	shalt  }
0x41: {  	_ =	shalt  }
0x42: {  	_ =	shalt  }
0x43: {  	_ =	shalt  }
0x44: {  	_ =	shalt  }
0x45: {  	_ =	shalt  }
0x46: {  	_ =	shalt  }
0x47: {  	_ =	shalt  }
0x48: {  	_ =	shalt  }
0x49: {  	_ =	shalt  }
0x4a: {  	_ =	shalt  }
0x4b: {  	_ =	shalt  }
0x4c: {  	_ =	shalt  }
0x4d: {  	_ =	shalt  }
0x4e: {  	_ =	shalt  }
0x4f: {  	_ =	shalt  }
0x50: {  	_ =	shalt  }
0x51: {  	_ =	shalt  }
0x52: {  	_ =	shalt  }
0x53: {  	_ =	shalt  }
0x54: {  	_ =	shalt  }
0x55: {  	_ =	shalt  }
0x56: {  	_ =	shalt  }
0x57: {  	_ =	shalt  }
0x58: {  	_ =	shalt  }
0x59: {  	_ =	shalt  }
0x5a: {  	_ =	shalt  }
0x5b: {  	_ =	shalt  }
0x5c: {  	_ =	shalt  }
0x5d: {  	_ =	shalt  }
0x5e: {  	_ =	shalt  }
0x5f: {  	_ =	shalt  }
0x60: {  	_ =	shalt  }
0x61: {  	_ =	shalt  }
0x62: {  	_ =	shalt  }
0x63: {  	_ =	shalt  }
0x64: {  	_ =	shalt  }
0x65: {  	_ =	shalt  }
0x66: {  	_ =	shalt  }
0x67: {  	_ =	shalt  }
0x68: {  	_ =	shalt  }
0x69: {  	_ =	shalt  }
0x6a: {  	_ =	shalt  }
0x6b: {  	_ =	shalt  }
0x6c: {  	_ =	shalt  }
0x6d: {  	_ =	shalt  }
0x6e: {  	_ =	shalt  }
0x6f: {  	_ =	shalt  }
0x70: {  	_ =	shalt  }
0x71: {  	_ =	shalt  }
0x72: {  	_ =	shalt  }
0x73: {  	_ =	shalt  }
0x74: {  	_ =	shalt  }
0x75: {  	_ =	shalt  }
0x76: {  	_ =	shalt  }
0x77: {  	_ =	shalt  }
0x78: {  	_ =	shalt  }
0x79: {  	_ =	shalt  }
0x7a: {  	_ =	shalt  }
0x7b: {  	_ =	shalt  }
0x7c: {  	_ =	shalt  }
0x7d: {  	_ =	shalt  }
0x7e: {  	_ =	shalt  }
0x7f: {  	_ =	shalt  }
0x80: {  	_ =	shalt  }
0x81: {  	_ =	shalt  }
0x82: {  	_ =	shalt  }
0x83: {  	_ =	shalt  }
0x84: {  	_ =	shalt  }
0x85: {  	_ =	shalt  }
0x86: {  	_ =	shalt  }
0x87: {  	_ =	shalt  }
.Lfunc_end0:
.L_simem_size_0:
called_computation_lowered:
.L_overlay_start_0:
0x88: {  	s2 =	sld [smem:$0x3FD9]  }
0x89: {  	s3 =	sld [smem:$0x3FFE];
	_ =	sdelay $0x1  }
0x8a: {  	s1 =	srdreg.scid  }
0x8b: {  	s0 =	sand.u32 $0x1, s1  }
0x8c: {  	s17 =	sshll.u32 s0, $0xA;
	s2 =	sadd.s32 s3, s2  }
0x8d: {  	s2 =	sadd.s32 s2, s17  }
0x8e: {  	[smem:$0x3FC2] =	sst s2  }
0x8f: {  	_ = 	snop  }
0x90: {  	s2 =	sld [smem:$0x3FD0];
	(tm) =	ssettm $0x1  }
0x91: {  	s18 =	sld [smem:$0x3FFB];
	_ =	sdelay $0x3  }
0x92: {  	_ =	strace s18  }
0x93: {  	s3 =	sld [smem:$0x3FFC];
	_ =	sdelay $0x3  }
0x94: {  	_ =	strace s3  }
0x95: {  	s3 =	sld [smem:$0x3FFD];
	_ =	sdelay $0x3  }
0x96: {  	_ =	strace s3  }
0x97: {  	_ =	strace $0x8FFFFFFF  }
0x98: {  	s19 =	sld [smem:$0x3FDB];
	_ =	sdelay $0x1  }
0x99: {  	s4 =	simm.s32 $_scs_section_size  }
0x9a: {  	s5 =	simm.s32 $_size__tile_overlayer_lowered;
	s6 =	simm.s32 $_tile_overlayer_lowered  }
0x9b: {  	s22 =	simm.s32 $0x1BFF;
	s21 =	sshll.u32 s6, $0x1;
	s3 =	sadd.s32 s4, s19  }
0x9c: {  	s7 =	simm.s32 $0x0;
	s20 =	sshll.u32 s5, $0x1;
	s5 =	sadd.s32 s21, s3  }
0x9d: {  	[timem:s7], [sflag:s22] =	dma.local [hbm:s5], s20  }
0x9e: {  	_ =	swait.ge [sflag:s22], s20  }
0x9f: {  	s4 =	ssub.s32 $0x0, s20;
	[sflag:s22] =	ssyncset.done $0x0  }
0xa0: {  	[sflag:s22] =	ssyncadd.s32 s4;
	_ =	sdelay $0x1  }
0xa1: {  	s23 =	simm.s32 $0x1B8B  }
0xa2: {  	_ =	swait.ge [sflag:s23], $0x1  }
0xa3: {  	[sflag:s23] =	ssyncset.done $0x0  }
0xa4: {  	s25 =	simm.s32 $0x1B8E;
	s24 =	sld [smem:$0x3FFE];
	[sflag:s23] =	ssyncadd.s32 $0xFFFFFFFF  }
0xa5: {  	s26 =	simm.s32 $execute0_lowered;
	[smem:$0x3FD2] =	sst s25  }
0xa6: {  	s5 =	sshll.u32 s26, $0x1;
	_ =	strace $0x80000046;
	[dreg:$0x1] =	wrdreg $0xFFFFFFFF  }
0xa7: {  	s28 =	simm.s32 $_size_execute0_lowered;
	s3 =	sadd.s32 s3, s5;
	[dreg:$0x0] =	wrdreg $0x0  }
0xa8: {  	s5 =	sshll.u32 s28, $0x1;
	[dreg:$0x2] =	wrdreg s3  }
0xa9: {  	[dreg:$0x3] =	wrdreg s5  }
0xaa: {  	[dreg:$0x4] =	wrdreg $0xC0  }
0xab: {  	_ =	task [dreg:s7], $0x5FFFF  }
0xac: {  	[dreg:$0x1] =	wrdreg $0xFFFFFFFF  }
0xad: {  	[dreg:$0x0] =	wrdreg $0x60  }
0xae: {  	[dreg:$0x2] =	wrdreg s2  }
0xaf: {  	[dreg:$0x3] =	wrdreg s24  }
0xb0: {  	[dreg:$0x4] =	wrdreg $0x9  }
0xb1: {  	_ =	task.clear_ibuf [dreg:s7], $0x5FFFF;
	_ =	strace $0x90000046  }
0xb2: {  	s29 =	simm.s32 $0x9;
	_ =	strace $0x80000048  }
0xb3: {  	_ =	swait.ge [sflag:s29], $0x1  }
0xb4: {  	[sflag:s29] =	ssyncadd.s32 $0xFFFFFFFF  }
0xb5: {  	_ =	strace $0x90000048  }
0xb6: {  	_ =	sfence  }
0xb7: {  	s30 =	sld [smem:$0x0];
	_ =	sdelay $0x2  }
0xb8: {  	s31 =	sshll.u32 s1, $0xD;
	s1 =	sshrl.u32 s1, $0x2  }
0xb9: {  	s3 =	sand.u32 $0x4000, s31;
	s1 =	sadd.s32 s1, s30  }
0xba: {  	s0 =	sor.u32 s3, s0;
	s1 =	sshll.u32 s1, $0x11  }
0xbb: {  	s0 =	sor.u32 s1, s0  }
0xbc: {  	s0 =	sadd.s32 $0x8F2B, s0  }
0xbd: {  	[sflag:s0] =	ssyncadd.remote.s32 $0x1  }
0xbe: {  	_ =	sfence.sel $0xFFFF  }
0xbf: {  	[dreg:$0x0] =	wrdreg $0xFFFFFFFF;
	(pc) =	sbr.abs _section_cstart, $3  }
0xc0: {  	[dreg:$0x1] =	wrdreg $0xFFFFFFFF  }
0xc1: {  	_ =	task.clear_ibuf [dreg:s7], $0x2FFFF;
	_ =	strace $0x9FFFFFFF  }
0xc2: {  	(tm) =	ssettm $0x7FFFFFFF  }
0xc3: {  	_ =	shalt  }
tec
execute0_lowered:
.L_overlay_start_1:
0x0: {  	(tag) =	ssettag $0x1  }
0x1: {  	s0 =	rddreg [dreg:$0x0]  }
0x2: {  	s1 =	rddreg [dreg:$0x1];
	s2 =	simm.s32 $0x0  }
0x3: {  	s17 =	srdreg.scid;
	s4 =	stileid.u32;
	s28 =	simm.s32 $0x6000  }
0x4: {  	s29 =	simm.s32 $0x8000;
	s30 =	simm.s32 $0xA000;
	s31 =	simm.s32 $0xC000  }
0x5: {  	[smem:$0x7FF] =	sst s2;
	s2 =	sand.u32 $0x1, s17;
	s4 =	sshll.u32 s4, $0x1  }
0x6: {  	s3 =	sadd.s32 $0x20000, s1;
	s5 =	sadd.s32 $0x40000, s1;
	s4 =	sor.u32 s2, s4  }
0x7: {  	s6 =	sadd.s32 $0x60000, s1;
	s7 =	sshll.u32 s4, $0xB;
	s4 =	sshll.u32 s4, $0xC  }
0x8: {  	_ =	strace $0x80000047;
	s2 =	ssub.s32 $0x2, s2;
	s18 =	sadd.s32 s0, s4  }
0x9: {  	s8 =	sshrl.u32 s2, $0x1;
	s19 =	sadd.s32 s1, s4;
	[dreg:$0x3] =	wrdreg s18  }
0xa: {  	s7 =	sadd.s32 s7, s1;
	s20 =	sadd.s32 s3, s4;
	[dreg:$0x4] =	wrdreg s19  }
0xb: {  	s2 =	ssub.s32 s2, s8;
	s21 =	sadd.s32 s5, s4;
	[dreg:$0x5] =	wrdreg s20  }
0xc: {  	s22 =	sadd.s32 s6, s4;
	s23 =	sor.u32 $0x400, s4;
	[dreg:$0x6] =	wrdreg s21  }
0xd: {  	s26 =	sor.u32 $0x800, s4;
	s4 =	sor.u32 $0xC00, s4;
	[dreg:$0x7] =	wrdreg s22  }
0xe: {  	s9 =	sadd.s32 s0, s23;
	s24 =	sadd.s32 s1, s23;
	s25 =	sadd.s32 s3, s23  }
0xf: {  	s11 =	sadd.s32 s5, s23;
	s12 =	sadd.s32 s6, s23;
	s13 =	sadd.s32 s0, s26  }
0x10: {  	s14 =	sadd.s32 s1, s26;
	s15 =	sadd.s32 s3, s26;
	s16 =	sadd.s32 s5, s26  }
0x11: {  	s17 =	sadd.s32 s6, s26;
	s18 =	sadd.s32 s0, s4;
	s19 =	sadd.s32 s1, s4  }
0x12: {  	s20 =	sadd.s32 s3, s4;
	s21 =	sadd.s32 s5, s4;
	s22 =	sadd.s32 s6, s4  }
0x13: {  	s23 =	sadd.s32 $0x80000, s7;
	s26 =	simm.s32 $0x4000;
	s0 =	simm.s32 $0xE000  }
0x14: {  	s1 =	simm.s32 $0x10000;
	s3 =	simm.s32 $0x1;
	[dreg:$0x8] =	wrdreg s9  }
0x15: {  	s4 =	simm.s32 $0x14000;
	s5 =	simm.s32 $0x2;
	[dreg:$0x9] =	wrdreg s24  }
0x16: {  	s6 =	simm.s32 $0x3;
	s7 =	simm.s32 $0x0;
	[dreg:$0xa] =	wrdreg s25  }
0x17: {  	v0 =	vimm.f32 $0.0e+00;
	s24 =	smax.u32 s2, $0x1;
	s25 =	simm.s32 $0x2000;
	s2 =	simm.s32 $0x12000  }
.LBB2_1:
0x18: {  	s9 =	simm.s32 $0x100;
	s8 =	simm.s32 $0x0  }
.LBB2_2:
0x19: {  	p0 =	sne.s32 s9, $0xFF00;
	[tilespmem:s8+$0x14030] =	vst v0;
	s10 =	smov.u32 s9;
	s9 =	sadd.s32 $0x100, s9  }
.Ltmp0:
0x1a: {  	[tilespmem:s8+$0x14020] =	vst v0;
	(pc) =	sbr.rel @p0 .LBB2_2-.Ltmp0, $3  }
0x1b: {  	[tilespmem:s8+$0x14000] =	vst v0  }
0x1c: {  	[tilespmem:s8+$0x14010] =	vst v0;
	_ =	sdelay $0x1  }
0x1d: {  	s8 =	sshra.s32 s10, $0x2  }
0x1e: {  	[tilespmem:s8+$0x14030] =	vst v0  }
0x1f: {  	[tilespmem:s8+$0x14020] =	vst v0  }
0x20: {  	[tilespmem:s8+$0x14000] =	vst v0  }
0x21: {  	[tilespmem:s8+$0x14010] =	vst v0;
	s8 =	simm.s32 $0x0;
	s9 =	rddreg [dreg:$0x3]  }
0x22: {  	[tilespmem:s8], [sflag:$0x1] =	stream.linear.gather [hbm4b:s9+s8], $0x2000, $0x38;
	[tilespmem:$0x18000] =	vst v63  }
0x23: {  	s10 =	rddreg [dreg:$0x4]  }
0x24: {  	[tilespmem:s25], [sflag:$0x1] =	stream.linear.gather [hbm4b:s10+s8], $0x2000, $0x38;
	[tilespmem:$0x18000] =	vst v63  }
0x25: {  	s10 =	rddreg [dreg:$0x5]  }
0x26: {  	[tilespmem:s26], [sflag:$0x1] =	stream.linear.gather [hbm4b:s10+s8], $0x2000, $0x38;
	[tilespmem:$0x18000] =	vst v63  }
0x27: {  	s10 =	rddreg [dreg:$0x6]  }
0x28: {  	[tilespmem:s28], [sflag:$0x1] =	stream.linear.gather [hbm4b:s10+s8], $0x2000, $0x38;
	[tilespmem:$0x18000] =	vst v63  }
0x29: {  	s10 =	rddreg [dreg:$0x7]  }
0x2a: {  	[tilespmem:s29], [sflag:$0x1] =	stream.linear.gather [hbm4b:s10+s8], $0x2000, $0x38;
	[tilespmem:$0x18000] =	vst v63  }
0x2b: {  	s10 =	rddreg [dreg:$0x8]  }
0x2c: {  	[tilespmem:s30], [sflag:$0x2] =	stream.linear.gather [hbm4b:s10+s8], $0x2000, $0x38;
	[tilespmem:$0x18000] =	vst v63  }
0x2d: {  	s10 =	rddreg [dreg:$0x9]  }
0x2e: {  	[tilespmem:s31], [sflag:$0x2] =	stream.linear.gather [hbm4b:s10+s8], $0x2000, $0x38;
	[tilespmem:$0x18000] =	vst v63  }
0x2f: {  	s10 =	rddreg [dreg:$0xa]  }
0x30: {  	[tilespmem:s0], [sflag:$0x2] =	stream.linear.gather [hbm4b:s10+s8], $0x2000, $0x38;
	[tilespmem:$0x18000] =	vst v63  }
0x31: {  	_ = 	snop  }
0x32: {  	[tilespmem:s1], [sflag:$0x2] =	stream.linear.gather [hbm4b:s11+s8], $0x2000, $0x38;
	[tilespmem:$0x18000] =	vst v63  }
0x33: {  	_ = 	snop  }
0x34: {  	[tilespmem:s2], [sflag:$0x2] =	stream.linear.gather [hbm4b:s12+s8], $0x2000, $0x38;
	[tilespmem:$0x18000] =	vst v63  }
0x35: {  	_ =	swait.ge [sflag:s3], $0x2000  }
0x36: {  	[sflag:s3] =	ssyncset.done $0x0  }
0x37: {  	[sflag:s3] =	ssyncadd.s32 $0xFFFFE000  }
0x38: {  	_ =	swait.ge [sflag:s3], $0x2000  }
0x39: {  	[sflag:s3] =	ssyncset.done $0x0  }
0x3a: {  	[sflag:s3] =	ssyncadd.s32 $0xFFFFE000  }
0x3b: {  	_ =	swait.ge [sflag:s3], $0x2000  }
0x3c: {  	[sflag:s3] =	ssyncset.done $0x0  }
0x3d: {  	[sflag:s3] =	ssyncadd.s32 $0xFFFFE000  }
0x3e: {  	_ =	swait.ge [sflag:s3], $0x2000  }
0x3f: {  	[sflag:s3] =	ssyncset.done $0x0  }
0x40: {  	[sflag:s3] =	ssyncadd.s32 $0xFFFFE000  }
0x41: {  	_ =	swait.ge [sflag:s3], $0x2000  }
0x42: {  	[sflag:s3] =	ssyncset.done $0x0  }
0x43: {  	[sflag:s3] =	ssyncadd.s32 $0xFFFFE000  }
.LBB2_4:
0x44: {  	s9 =	sshra.s32 s8, $0x2  }
0x45: {  	v1 =	vld [tilespmem:s9+$0x0];
	_ =	sdelay $0x4  }
0x46: {  	v2 =	vld [tilespmem:s9+$0x2000];
	v1 =	vshll.u32 v1, $0x2;
	_ =	sdelay $0x4  }
0x47: {  	[tilespmem:v1+s4+$0x0] =	vst.idx.add.f32.msk $0xffff, v2  }
0x48: {  	v3 =	vor.u32 $0x1, v1;
	v2 =	vld [tilespmem:s9+$0x4000];
	_ =	sdelay $0x4  }
0x49: {  	[tilespmem:v3+s4+$0x0] =	vst.idx.add.f32.msk $0xffff, v2  }
0x4a: {  	v3 =	vor.u32 $0x2, v1;
	v2 =	vld [tilespmem:s9+$0x6000];
	_ =	sdelay $0x4  }
0x4b: {  	[tilespmem:v3+s4+$0x0] =	vst.idx.add.f32.msk $0xffff, v2  }
0x4c: {  	v1 =	vor.u32 $0x3, v1;
	v2 =	vld [tilespmem:s9+$0x8000];
	_ =	sdelay $0x4  }
0x4d: {  	[tilespmem:v1+s4+$0x0] =	vst.idx.add.f32.msk $0xffff, v2  }
0x4e: {  	v1 =	vld [tilespmem:s9+$0x10];
	_ =	sdelay $0x4  }
0x4f: {  	v2 =	vld [tilespmem:s9+$0x2010];
	v1 =	vshll.u32 v1, $0x2;
	_ =	sdelay $0x4  }
0x50: {  	[tilespmem:v1+s4+$0x0] =	vst.idx.add.f32.msk $0xffff, v2  }
0x51: {  	v3 =	vor.u32 $0x1, v1;
	v2 =	vld [tilespmem:s9+$0x4010];
	_ =	sdelay $0x4  }
0x52: {  	[tilespmem:v3+s4+$0x0] =	vst.idx.add.f32.msk $0xffff, v2  }
0x53: {  	v3 =	vor.u32 $0x2, v1;
	v2 =	vld [tilespmem:s9+$0x6010];
	_ =	sdelay $0x4  }
0x54: {  	[tilespmem:v3+s4+$0x0] =	vst.idx.add.f32.msk $0xffff, v2  }
0x55: {  	v1 =	vor.u32 $0x3, v1;
	v2 =	vld [tilespmem:s9+$0x8010];
	_ =	sdelay $0x4  }
0x56: {  	[tilespmem:v1+s4+$0x0] =	vst.idx.add.f32.msk $0xffff, v2  }
0x57: {  	v1 =	vld [tilespmem:s9+$0x20];
	_ =	sdelay $0x4  }
0x58: {  	v2 =	vld [tilespmem:s9+$0x2020];
	v1 =	vshll.u32 v1, $0x2;
	_ =	sdelay $0x4  }
0x59: {  	[tilespmem:v1+s4+$0x0] =	vst.idx.add.f32.msk $0xffff, v2  }
0x5a: {  	v3 =	vor.u32 $0x1, v1;
	v2 =	vld [tilespmem:s9+$0x4020];
	_ =	sdelay $0x4  }
0x5b: {  	[tilespmem:v3+s4+$0x0] =	vst.idx.add.f32.msk $0xffff, v2  }
0x5c: {  	v3 =	vor.u32 $0x2, v1;
	v2 =	vld [tilespmem:s9+$0x6020];
	_ =	sdelay $0x4  }
0x5d: {  	[tilespmem:v3+s4+$0x0] =	vst.idx.add.f32.msk $0xffff, v2  }
0x5e: {  	v1 =	vor.u32 $0x3, v1;
	v2 =	vld [tilespmem:s9+$0x8020];
	_ =	sdelay $0x4  }
0x5f: {  	[tilespmem:v1+s4+$0x0] =	vst.idx.add.f32.msk $0xffff, v2  }
0x60: {  	v1 =	vld [tilespmem:s9+$0x30];
	_ =	sdelay $0x4  }
0x61: {  	v2 =	vld [tilespmem:s9+$0x2030];
	v1 =	vshll.u32 v1, $0x2;
	_ =	sdelay $0x4  }
0x62: {  	[tilespmem:v1+s4+$0x0] =	vst.idx.add.f32.msk $0xffff, v2  }
0x63: {  	v3 =	vor.u32 $0x1, v1;
	v2 =	vld [tilespmem:s9+$0x4030];
	_ =	sdelay $0x4  }
0x64: {  	[tilespmem:v3+s4+$0x0] =	vst.idx.add.f32.msk $0xffff, v2  }
0x65: {  	v3 =	vor.u32 $0x2, v1;
	v2 =	vld [tilespmem:s9+$0x6030];
	_ =	sdelay $0x4  }
0x66: {  	[tilespmem:v3+s4+$0x0] =	vst.idx.add.f32.msk $0xffff, v2  }
0x67: {  	p0 =	sne.s32 s8, $0x7F00;
	v1 =	vor.u32 $0x3, v1;
	v2 =	vld [tilespmem:s9+$0x8030]  }
.Ltmp1:
0x68: {  	_ = 	snop;
	(pc) =	sbr.rel @p0 .LBB2_4-.Ltmp1, $2  }
0x69: {  	_ =	sdelay $0x2  }
0x6a: {  	s8 =	sadd.s32 $0x100, s8;
	[tilespmem:v1+s4+$0x0] =	vst.idx.add.f32.msk $0xffff, v2  }
0x6b: {  	s8 =	simm.s32 $0x0  }
0x6c: {  	[tilespmem:s8], [sflag:$0x1] =	stream.linear.gather [hbm4b:s13+s8], $0x2000, $0x38;
	[tilespmem:$0x18000] =	vst v63  }
0x6d: {  	_ = 	snop  }
0x6e: {  	[tilespmem:s25], [sflag:$0x1] =	stream.linear.gather [hbm4b:s14+s8], $0x2000, $0x38;
	[tilespmem:$0x18000] =	vst v63  }
0x6f: {  	_ = 	snop  }
0x70: {  	[tilespmem:s26], [sflag:$0x1] =	stream.linear.gather [hbm4b:s15+s8], $0x2000, $0x38;
	[tilespmem:$0x18000] =	vst v63  }
0x71: {  	_ = 	snop  }
0x72: {  	[tilespmem:s28], [sflag:$0x1] =	stream.linear.gather [hbm4b:s16+s8], $0x2000, $0x38;
	[tilespmem:$0x18000] =	vst v63  }
0x73: {  	_ = 	snop  }
0x74: {  	[tilespmem:s29], [sflag:$0x1] =	stream.linear.gather [hbm4b:s17+s8], $0x2000, $0x38;
	[tilespmem:$0x18000] =	vst v63  }
0x75: {  	_ =	swait.ge [sflag:s5], $0x2000  }
0x76: {  	[sflag:s5] =	ssyncset.done $0x0  }
0x77: {  	[sflag:s5] =	ssyncadd.s32 $0xFFFFE000  }
0x78: {  	_ =	swait.ge [sflag:s5], $0x2000  }
0x79: {  	[sflag:s5] =	ssyncset.done $0x0  }
0x7a: {  	[sflag:s5] =	ssyncadd.s32 $0xFFFFE000  }
0x7b: {  	_ =	swait.ge [sflag:s5], $0x2000  }
0x7c: {  	[sflag:s5] =	ssyncset.done $0x0  }
0x7d: {  	[sflag:s5] =	ssyncadd.s32 $0xFFFFE000  }
0x7e: {  	_ =	swait.ge [sflag:s5], $0x2000  }
0x7f: {  	[sflag:s5] =	ssyncset.done $0x0  }
0x80: {  	[sflag:s5] =	ssyncadd.s32 $0xFFFFE000  }
0x81: {  	_ =	swait.ge [sflag:s5], $0x2000  }
0x82: {  	[sflag:s5] =	ssyncset.done $0x0  }
0x83: {  	[sflag:s5] =	ssyncadd.s32 $0xFFFFE000  }
.LBB2_6:
0x84: {  	s9 =	sshra.s32 s8, $0x2  }
0x85: {  	v1 =	vld [tilespmem:s9+$0xA000];
	_ =	sdelay $0x4  }
0x86: {  	v2 =	vld [tilespmem:s9+$0xC000];
	v1 =	vshll.u32 v1, $0x2;
	_ =	sdelay $0x4  }
0x87: {  	[tilespmem:v1+s4+$0x0] =	vst.idx.add.f32.msk $0xffff, v2  }
0x88: {  	v3 =	vor.u32 $0x1, v1;
	v2 =	vld [tilespmem:s9+$0xE000];
	_ =	sdelay $0x4  }
0x89: {  	[tilespmem:v3+s4+$0x0] =	vst.idx.add.f32.msk $0xffff, v2  }
0x8a: {  	v3 =	vor.u32 $0x2, v1;
	v2 =	vld [tilespmem:s9+$0x10000];
	_ =	sdelay $0x4  }
0x8b: {  	[tilespmem:v3+s4+$0x0] =	vst.idx.add.f32.msk $0xffff, v2  }
0x8c: {  	v1 =	vor.u32 $0x3, v1;
	v2 =	vld [tilespmem:s9+$0x12000];
	_ =	sdelay $0x4  }
0x8d: {  	[tilespmem:v1+s4+$0x0] =	vst.idx.add.f32.msk $0xffff, v2  }
0x8e: {  	v1 =	vld [tilespmem:s9+$0xA010];
	_ =	sdelay $0x4  }
0x8f: {  	v2 =	vld [tilespmem:s9+$0xC010];
	v1 =	vshll.u32 v1, $0x2;
	_ =	sdelay $0x4  }
0x90: {  	[tilespmem:v1+s4+$0x0] =	vst.idx.add.f32.msk $0xffff, v2  }
0x91: {  	v3 =	vor.u32 $0x1, v1;
	v2 =	vld [tilespmem:s9+$0xE010];
	_ =	sdelay $0x4  }
0x92: {  	[tilespmem:v3+s4+$0x0] =	vst.idx.add.f32.msk $0xffff, v2  }
0x93: {  	v3 =	vor.u32 $0x2, v1;
	v2 =	vld [tilespmem:s9+$0x10010];
	_ =	sdelay $0x4  }
0x94: {  	[tilespmem:v3+s4+$0x0] =	vst.idx.add.f32.msk $0xffff, v2  }
0x95: {  	v1 =	vor.u32 $0x3, v1;
	v2 =	vld [tilespmem:s9+$0x12010];
	_ =	sdelay $0x4  }
0x96: {  	[tilespmem:v1+s4+$0x0] =	vst.idx.add.f32.msk $0xffff, v2  }
0x97: {  	v1 =	vld [tilespmem:s9+$0xA020];
	_ =	sdelay $0x4  }
0x98: {  	v2 =	vld [tilespmem:s9+$0xC020];
	v1 =	vshll.u32 v1, $0x2;
	_ =	sdelay $0x4  }
0x99: {  	[tilespmem:v1+s4+$0x0] =	vst.idx.add.f32.msk $0xffff, v2  }
0x9a: {  	v3 =	vor.u32 $0x1, v1;
	v2 =	vld [tilespmem:s9+$0xE020];
	_ =	sdelay $0x4  }
0x9b: {  	[tilespmem:v3+s4+$0x0] =	vst.idx.add.f32.msk $0xffff, v2  }
0x9c: {  	v3 =	vor.u32 $0x2, v1;
	v2 =	vld [tilespmem:s9+$0x10020];
	_ =	sdelay $0x4  }
0x9d: {  	[tilespmem:v3+s4+$0x0] =	vst.idx.add.f32.msk $0xffff, v2  }
0x9e: {  	v1 =	vor.u32 $0x3, v1;
	v2 =	vld [tilespmem:s9+$0x12020];
	_ =	sdelay $0x4  }
0x9f: {  	[tilespmem:v1+s4+$0x0] =	vst.idx.add.f32.msk $0xffff, v2  }
0xa0: {  	v1 =	vld [tilespmem:s9+$0xA030];
	_ =	sdelay $0x4  }
0xa1: {  	v2 =	vld [tilespmem:s9+$0xC030];
	v1 =	vshll.u32 v1, $0x2;
	_ =	sdelay $0x4  }
0xa2: {  	[tilespmem:v1+s4+$0x0] =	vst.idx.add.f32.msk $0xffff, v2  }
0xa3: {  	v3 =	vor.u32 $0x1, v1;
	v2 =	vld [tilespmem:s9+$0xE030];
	_ =	sdelay $0x4  }
0xa4: {  	[tilespmem:v3+s4+$0x0] =	vst.idx.add.f32.msk $0xffff, v2  }
0xa5: {  	v3 =	vor.u32 $0x2, v1;
	v2 =	vld [tilespmem:s9+$0x10030];
	_ =	sdelay $0x4  }
0xa6: {  	[tilespmem:v3+s4+$0x0] =	vst.idx.add.f32.msk $0xffff, v2  }
0xa7: {  	p0 =	sne.s32 s8, $0x7F00;
	v1 =	vor.u32 $0x3, v1;
	v2 =	vld [tilespmem:s9+$0x12030]  }
.Ltmp2:
0xa8: {  	_ = 	snop;
	(pc) =	sbr.rel @p0 .LBB2_6-.Ltmp2, $2  }
0xa9: {  	_ =	sdelay $0x2  }
0xaa: {  	s8 =	sadd.s32 $0x100, s8;
	[tilespmem:v1+s4+$0x0] =	vst.idx.add.f32.msk $0xffff, v2  }
0xab: {  	s8 =	simm.s32 $0x0  }
0xac: {  	[tilespmem:s30], [sflag:$0x2] =	stream.linear.gather [hbm4b:s18+s8], $0x2000, $0x38;
	[tilespmem:$0x18000] =	vst v63  }
0xad: {  	_ = 	snop  }
0xae: {  	[tilespmem:s31], [sflag:$0x2] =	stream.linear.gather [hbm4b:s19+s8], $0x2000, $0x38;
	[tilespmem:$0x18000] =	vst v63  }
0xaf: {  	_ = 	snop  }
0xb0: {  	[tilespmem:s0], [sflag:$0x2] =	stream.linear.gather [hbm4b:s20+s8], $0x2000, $0x38;
	[tilespmem:$0x18000] =	vst v63  }
0xb1: {  	_ = 	snop  }
0xb2: {  	[tilespmem:s1], [sflag:$0x2] =	stream.linear.gather [hbm4b:s21+s8], $0x2000, $0x38;
	[tilespmem:$0x18000] =	vst v63  }
0xb3: {  	_ = 	snop  }
0xb4: {  	[tilespmem:s2], [sflag:$0x2] =	stream.linear.gather [hbm4b:s22+s8], $0x2000, $0x38;
	[tilespmem:$0x18000] =	vst v63  }
0xb5: {  	_ =	swait.ge [sflag:s3], $0x2000  }
0xb6: {  	[sflag:s3] =	ssyncset.done $0x0  }
0xb7: {  	[sflag:s3] =	ssyncadd.s32 $0xFFFFE000  }
0xb8: {  	_ =	swait.ge [sflag:s3], $0x2000  }
0xb9: {  	[sflag:s3] =	ssyncset.done $0x0  }
0xba: {  	[sflag:s3] =	ssyncadd.s32 $0xFFFFE000  }
0xbb: {  	_ =	swait.ge [sflag:s3], $0x2000  }
0xbc: {  	[sflag:s3] =	ssyncset.done $0x0  }
0xbd: {  	[sflag:s3] =	ssyncadd.s32 $0xFFFFE000  }
0xbe: {  	_ =	swait.ge [sflag:s3], $0x2000  }
0xbf: {  	[sflag:s3] =	ssyncset.done $0x0  }
0xc0: {  	[sflag:s3] =	ssyncadd.s32 $0xFFFFE000  }
0xc1: {  	_ =	swait.ge [sflag:s3], $0x2000  }
0xc2: {  	[sflag:s3] =	ssyncset.done $0x0  }
0xc3: {  	[sflag:s3] =	ssyncadd.s32 $0xFFFFE000  }
.LBB2_8:
0xc4: {  	s9 =	sshra.s32 s8, $0x2  }
0xc5: {  	v1 =	vld [tilespmem:s9+$0x0];
	_ =	sdelay $0x4  }
0xc6: {  	v2 =	vld [tilespmem:s9+$0x2000];
	v1 =	vshll.u32 v1, $0x2;
	_ =	sdelay $0x4  }
0xc7: {  	[tilespmem:v1+s4+$0x0] =	vst.idx.add.f32.msk $0xffff, v2  }
0xc8: {  	v3 =	vor.u32 $0x1, v1;
	v2 =	vld [tilespmem:s9+$0x4000];
	_ =	sdelay $0x4  }
0xc9: {  	[tilespmem:v3+s4+$0x0] =	vst.idx.add.f32.msk $0xffff, v2  }
0xca: {  	v3 =	vor.u32 $0x2, v1;
	v2 =	vld [tilespmem:s9+$0x6000];
	_ =	sdelay $0x4  }
0xcb: {  	[tilespmem:v3+s4+$0x0] =	vst.idx.add.f32.msk $0xffff, v2  }
0xcc: {  	v1 =	vor.u32 $0x3, v1;
	v2 =	vld [tilespmem:s9+$0x8000];
	_ =	sdelay $0x4  }
0xcd: {  	[tilespmem:v1+s4+$0x0] =	vst.idx.add.f32.msk $0xffff, v2  }
0xce: {  	v1 =	vld [tilespmem:s9+$0x10];
	_ =	sdelay $0x4  }
0xcf: {  	v2 =	vld [tilespmem:s9+$0x2010];
	v1 =	vshll.u32 v1, $0x2;
	_ =	sdelay $0x4  }
0xd0: {  	[tilespmem:v1+s4+$0x0] =	vst.idx.add.f32.msk $0xffff, v2  }
0xd1: {  	v3 =	vor.u32 $0x1, v1;
	v2 =	vld [tilespmem:s9+$0x4010];
	_ =	sdelay $0x4  }
0xd2: {  	[tilespmem:v3+s4+$0x0] =	vst.idx.add.f32.msk $0xffff, v2  }
0xd3: {  	v3 =	vor.u32 $0x2, v1;
	v2 =	vld [tilespmem:s9+$0x6010];
	_ =	sdelay $0x4  }
0xd4: {  	[tilespmem:v3+s4+$0x0] =	vst.idx.add.f32.msk $0xffff, v2  }
0xd5: {  	v1 =	vor.u32 $0x3, v1;
	v2 =	vld [tilespmem:s9+$0x8010];
	_ =	sdelay $0x4  }
0xd6: {  	[tilespmem:v1+s4+$0x0] =	vst.idx.add.f32.msk $0xffff, v2  }
0xd7: {  	v1 =	vld [tilespmem:s9+$0x20];
	_ =	sdelay $0x4  }
0xd8: {  	v2 =	vld [tilespmem:s9+$0x2020];
	v1 =	vshll.u32 v1, $0x2;
	_ =	sdelay $0x4  }
0xd9: {  	[tilespmem:v1+s4+$0x0] =	vst.idx.add.f32.msk $0xffff, v2  }
0xda: {  	v3 =	vor.u32 $0x1, v1;
	v2 =	vld [tilespmem:s9+$0x4020];
	_ =	sdelay $0x4  }
0xdb: {  	[tilespmem:v3+s4+$0x0] =	vst.idx.add.f32.msk $0xffff, v2  }
0xdc: {  	v3 =	vor.u32 $0x2, v1;
	v2 =	vld [tilespmem:s9+$0x6020];
	_ =	sdelay $0x4  }
0xdd: {  	[tilespmem:v3+s4+$0x0] =	vst.idx.add.f32.msk $0xffff, v2  }
0xde: {  	v1 =	vor.u32 $0x3, v1;
	v2 =	vld [tilespmem:s9+$0x8020];
	_ =	sdelay $0x4  }
0xdf: {  	[tilespmem:v1+s4+$0x0] =	vst.idx.add.f32.msk $0xffff, v2  }
0xe0: {  	v1 =	vld [tilespmem:s9+$0x30];
	_ =	sdelay $0x4  }
0xe1: {  	v2 =	vld [tilespmem:s9+$0x2030];
	v1 =	vshll.u32 v1, $0x2;
	_ =	sdelay $0x4  }
0xe2: {  	[tilespmem:v1+s4+$0x0] =	vst.idx.add.f32.msk $0xffff, v2  }
0xe3: {  	v3 =	vor.u32 $0x1, v1;
	v2 =	vld [tilespmem:s9+$0x4030];
	_ =	sdelay $0x4  }
0xe4: {  	[tilespmem:v3+s4+$0x0] =	vst.idx.add.f32.msk $0xffff, v2  }
0xe5: {  	v3 =	vor.u32 $0x2, v1;
	v2 =	vld [tilespmem:s9+$0x6030];
	_ =	sdelay $0x4  }
0xe6: {  	[tilespmem:v3+s4+$0x0] =	vst.idx.add.f32.msk $0xffff, v2  }
0xe7: {  	p0 =	sne.s32 s8, $0x7F00;
	v1 =	vor.u32 $0x3, v1;
	v2 =	vld [tilespmem:s9+$0x8030]  }
.Ltmp3:
0xe8: {  	_ = 	snop;
	(pc) =	sbr.rel @p0 .LBB2_8-.Ltmp3, $2  }
0xe9: {  	_ =	sdelay $0x2  }
0xea: {  	s8 =	sadd.s32 $0x100, s8;
	[tilespmem:v1+s4+$0x0] =	vst.idx.add.f32.msk $0xffff, v2  }
0xeb: {  	_ =	swait.ge [sflag:s5], $0x2000  }
0xec: {  	[sflag:s5] =	ssyncset.done $0x0  }
0xed: {  	[sflag:s5] =	ssyncadd.s32 $0xFFFFE000  }
0xee: {  	_ =	swait.ge [sflag:s5], $0x2000  }
0xef: {  	[sflag:s5] =	ssyncset.done $0x0  }
0xf0: {  	[sflag:s5] =	ssyncadd.s32 $0xFFFFE000  }
0xf1: {  	_ =	swait.ge [sflag:s5], $0x2000  }
0xf2: {  	[sflag:s5] =	ssyncset.done $0x0  }
0xf3: {  	[sflag:s5] =	ssyncadd.s32 $0xFFFFE000  }
0xf4: {  	_ =	swait.ge [sflag:s5], $0x2000  }
0xf5: {  	[sflag:s5] =	ssyncset.done $0x0  }
0xf6: {  	[sflag:s5] =	ssyncadd.s32 $0xFFFFE000  }
0xf7: {  	_ =	swait.ge [sflag:s5], $0x2000  }
0xf8: {  	[sflag:s5] =	ssyncset.done $0x0  }
0xf9: {  	s8 =	simm.s32 $0x0;
	[sflag:s5] =	ssyncadd.s32 $0xFFFFE000  }
.LBB2_10:
0xfa: {  	s9 =	sshra.s32 s8, $0x2  }
0xfb: {  	v1 =	vld [tilespmem:s9+$0xA000];
	_ =	sdelay $0x4  }
0xfc: {  	v2 =	vld [tilespmem:s9+$0xC000];
	v1 =	vshll.u32 v1, $0x2;
	_ =	sdelay $0x4  }
0xfd: {  	[tilespmem:v1+s4+$0x0] =	vst.idx.add.f32.msk $0xffff, v2  }
0xfe: {  	v3 =	vor.u32 $0x1, v1;
	v2 =	vld [tilespmem:s9+$0xE000];
	_ =	sdelay $0x4  }
0xff: {  	[tilespmem:v3+s4+$0x0] =	vst.idx.add.f32.msk $0xffff, v2  }
0x100: {  	v3 =	vor.u32 $0x2, v1;
	v2 =	vld [tilespmem:s9+$0x10000];
	_ =	sdelay $0x4  }
0x101: {  	[tilespmem:v3+s4+$0x0] =	vst.idx.add.f32.msk $0xffff, v2  }
0x102: {  	v1 =	vor.u32 $0x3, v1;
	v2 =	vld [tilespmem:s9+$0x12000];
	_ =	sdelay $0x4  }
0x103: {  	[tilespmem:v1+s4+$0x0] =	vst.idx.add.f32.msk $0xffff, v2  }
0x104: {  	v1 =	vld [tilespmem:s9+$0xA010];
	_ =	sdelay $0x4  }
0x105: {  	v2 =	vld [tilespmem:s9+$0xC010];
	v1 =	vshll.u32 v1, $0x2;
	_ =	sdelay $0x4  }
0x106: {  	[tilespmem:v1+s4+$0x0] =	vst.idx.add.f32.msk $0xffff, v2  }
0x107: {  	v3 =	vor.u32 $0x1, v1;
	v2 =	vld [tilespmem:s9+$0xE010];
	_ =	sdelay $0x4  }
0x108: {  	[tilespmem:v3+s4+$0x0] =	vst.idx.add.f32.msk $0xffff, v2  }
0x109: {  	v3 =	vor.u32 $0x2, v1;
	v2 =	vld [tilespmem:s9+$0x10010];
	_ =	sdelay $0x4  }
0x10a: {  	[tilespmem:v3+s4+$0x0] =	vst.idx.add.f32.msk $0xffff, v2  }
0x10b: {  	v1 =	vor.u32 $0x3, v1;
	v2 =	vld [tilespmem:s9+$0x12010];
	_ =	sdelay $0x4  }
0x10c: {  	[tilespmem:v1+s4+$0x0] =	vst.idx.add.f32.msk $0xffff, v2  }
0x10d: {  	v1 =	vld [tilespmem:s9+$0xA020];
	_ =	sdelay $0x4  }
0x10e: {  	v2 =	vld [tilespmem:s9+$0xC020];
	v1 =	vshll.u32 v1, $0x2;
	_ =	sdelay $0x4  }
0x10f: {  	[tilespmem:v1+s4+$0x0] =	vst.idx.add.f32.msk $0xffff, v2  }
0x110: {  	v3 =	vor.u32 $0x1, v1;
	v2 =	vld [tilespmem:s9+$0xE020];
	_ =	sdelay $0x4  }
0x111: {  	[tilespmem:v3+s4+$0x0] =	vst.idx.add.f32.msk $0xffff, v2  }
0x112: {  	v3 =	vor.u32 $0x2, v1;
	v2 =	vld [tilespmem:s9+$0x10020];
	_ =	sdelay $0x4  }
0x113: {  	[tilespmem:v3+s4+$0x0] =	vst.idx.add.f32.msk $0xffff, v2  }
0x114: {  	v1 =	vor.u32 $0x3, v1;
	v2 =	vld [tilespmem:s9+$0x12020];
	_ =	sdelay $0x4  }
0x115: {  	[tilespmem:v1+s4+$0x0] =	vst.idx.add.f32.msk $0xffff, v2  }
0x116: {  	v1 =	vld [tilespmem:s9+$0xA030];
	_ =	sdelay $0x4  }
0x117: {  	v2 =	vld [tilespmem:s9+$0xC030];
	v1 =	vshll.u32 v1, $0x2;
	_ =	sdelay $0x4  }
0x118: {  	[tilespmem:v1+s4+$0x0] =	vst.idx.add.f32.msk $0xffff, v2  }
0x119: {  	v3 =	vor.u32 $0x1, v1;
	v2 =	vld [tilespmem:s9+$0xE030];
	_ =	sdelay $0x4  }
0x11a: {  	[tilespmem:v3+s4+$0x0] =	vst.idx.add.f32.msk $0xffff, v2  }
0x11b: {  	v3 =	vor.u32 $0x2, v1;
	v2 =	vld [tilespmem:s9+$0x10030];
	_ =	sdelay $0x4  }
0x11c: {  	[tilespmem:v3+s4+$0x0] =	vst.idx.add.f32.msk $0xffff, v2  }
0x11d: {  	p0 =	sne.s32 s8, $0x7F00;
	v1 =	vor.u32 $0x3, v1;
	v2 =	vld [tilespmem:s9+$0x12030]  }
.Ltmp4:
0x11e: {  	_ = 	snop;
	(pc) =	sbr.rel @p0 .LBB2_10-.Ltmp4, $2  }
0x11f: {  	_ =	sdelay $0x2  }
0x120: {  	s8 =	sadd.s32 $0x100, s8;
	[tilespmem:v1+s4+$0x0] =	vst.idx.add.f32.msk $0xffff, v2  }
0x121: {  	s7 =	sadd.s32 $0x1, s7  }
0x122: {  	p0 =	sne.s32 s7, s24  }
.Ltmp5:
0x123: {  	s8 =	simm.s32 $0x0;
	(pc) =	sbr.rel @p0 .LBB2_1-.Ltmp5, $4  }
0x124: {  	[hbm4b:s23+s8] =	stream.linear.scatter [tilespmem:s4], [sflag:$0x3], $0x4000, $0x38;
	[tilespmem:$0x18000] =	vst v63  }
0x125: {  	_ =	swait.ge [sflag:s6], $0x4000  }
0x126: {  	[sflag:s6] =	ssyncset.done $0x0  }
0x127: {  	[sflag:s6] =	ssyncadd.s32 $0xFFFFC000  }
0x128: {  	_ =	sfence.sel $0x180000  }
0x129: {  	[bflag:$0x0] =	sbarrier.arrive $0xFFFF  }
0x12a: {  	_ =	strace $0x90000047  }
0x12b: {  	s0 =	stileid.u32;
	[bflag:$0x2] =	sbarrier.arrive $0xFFFF  }
0x12c: {  	p0 =	sne.s32 s0, $0x0;
	s0 =	rddreg [dreg:$0x2]  }
0x12d: {  	s0 =	sadd.s32 @!p0 $0x100000, s0  }
0x12e: {  	[sflag:s0] =	ssyncadd.tile.s32 @!p0 $0x1;
	_ =	shalt  }
.Lfunc_end2:
_tile_overlayer_lowered:
.L_overlay_start_2:
0x12f: {  	(tag) =	ssettag $0x2  }
0x130: {  	s0 =	rddreg [dreg:$0x0];
	s2 =	stileid.u32  }
0x131: {  	s1 =	rddreg [dreg:$0x1];
	p0 =	sne.s32 s2, $0x0  }
0x132: {  	s3 =	rddreg [dreg:$0x2];
	[bflag:$0x3] =	sbarrier.arrive $0xFFFF;
	s2 =	simm.s32 @!p0 $0x1C03  }
0x133: {  	[timem:s3], [sflag:s2] =	dma.local @!p0 [hbm:s0], s1  }
0x134: {  	s0 =	simm.s32 @!p0 $0x3  }
0x135: {  	_ =	swait.ge @!p0 [sflag:s0], s1  }
0x136: {  	s1 =	ssub.s32 @!p0 $0x0, s1;
	[sflag:s0] =	ssyncset.done @!p0 $0x0  }
0x137: {  	[sflag:s0] =	ssyncadd.s32 @!p0 s1  }
0x138: {  	[bflag:$0x3] =	sbarrier.arrive $0xFFFF  }
0x139: {  	_ =	shalt  }

</sc_bundles>
